<compile_context>
chip_gen: v7x
topology: tpu7x:2x2x1
jax: 0.10.2.dev20260603
libtpu: 0.0.44.dev20260713+nightly
codegen_flags: <defaults>
</compile_context>

<pallas_src>
import functools

import jax
import jax.numpy as jnp
from jax import lax
from jax.experimental import pallas as pl
from jax.experimental.pallas import tpu as pltpu
from jax.experimental.pallas import tpu_sc as plsc

_EMBED_DIM = 64
_BATCH = 16384
_BLK = 8
_ROW = 32
_BSZ = 8


def _gather_call(batch_2d, table):
    info = plsc.get_sparse_core_info()
    num_workers = info.num_cores * info.num_subcores
    b_per_w = _BATCH // num_workers
    n_rows = b_per_w // _ROW
    n_batches = _ROW // _BSZ
    mesh = plsc.VectorSubcoreMesh(core_axis_name="c", subcore_axis_name="s")

    @functools.partial(
        pl.kernel,
        mesh=mesh,
        out_type=jax.ShapeDtypeStruct((_BATCH, _EMBED_DIM), jnp.float32),
        scratch_types=[
            pltpu.VMEM((n_rows, _ROW), jnp.int32),
            pltpu.VMEM((2 * _BSZ, _BLK, _EMBED_DIM), jnp.float32),
            pltpu.VMEM((b_per_w, _EMBED_DIM), jnp.float32),
            pltpu.SemaphoreType.DMA,
            pltpu.SemaphoreType.DMA,
        ],
        compiler_params=pltpu.CompilerParams(use_tc_tiling_on_sc=True),
    )
    def gather_kernel(idx_hbm, table_hbm, out_hbm, idx_v, blocks, slab, semA, semB):
        wid = lax.axis_index("s") * info.num_cores + lax.axis_index("c")
        base = wid * b_per_w
        pltpu.sync_copy(idx_hbm.at[pl.ds(wid * n_rows, n_rows), :], idx_v)

        sems = (semA, semB)

        def fire(q, slot, sem):
            pltpu.async_copy(
                table_hbm.at[pl.ds(pl.multiple_of(q * _BLK, _BLK), _BLK), :],
                blocks.at[slot],
                sem,
            )

        def wait_batch(sem):
            for _ in range(_BSZ):
                pltpu.make_async_copy(
                    table_hbm.at[pl.ds(0, _BLK), :], blocks.at[0], sem
                ).wait()

        def extract(slot, r, p):
            slab[p, :] = blocks[slot, r, :]

        def body(h, carry):
            vec = idx_v[h, :]
            qs = [vec[l] >> 3 for l in range(_ROW)]
            rs = [vec[l] & 7 for l in range(_ROW)]

            for j in range(_BSZ):
                fire(qs[j], j, sems[0])
            for b in range(1, n_batches):
                for j in range(_BSZ):
                    fire(qs[b * _BSZ + j], (b % 2) * _BSZ + j, sems[b % 2])
                wait_batch(sems[(b - 1) % 2])
                for j in range(_BSZ):
                    l = (b - 1) * _BSZ + j
                    extract(((b - 1) % 2) * _BSZ + j, rs[l], h * _ROW + l)
            wait_batch(sems[(n_batches - 1) % 2])
            for j in range(_BSZ):
                l = (n_batches - 1) * _BSZ + j
                extract(((n_batches - 1) % 2) * _BSZ + j, rs[l], h * _ROW + l)
            return carry

        lax.fori_loop(0, n_rows, body, 0)
        pltpu.sync_copy(slab, out_hbm.at[pl.ds(base, b_per_w), :])

    return gather_kernel(batch_2d, table)


def kernel(batch, emb_weight):
    num_idx_rows = _BATCH // _ROW
    batch_2d = batch.astype(jnp.int32).reshape(num_idx_rows, _ROW)
    return _gather_call(batch_2d, emb_weight)

# --- scband reference (transcript-rebuilt; emitter-appended) ---
"""Pipeline reference for scband-custom-meta-path2-vec-81655918232086 (READ-ONLY COPY).

The authoritative reference and input builder live on the scoring server;
editing this copy changes nothing except your own understanding.
"""

import jax, jax.numpy as jnp
import numpy as np

# Model config (mirrors CustomMetaPath2Vec init)
NUM_AUTHOR = 1000000
NUM_PAPER = 100000
EMBED_DIM = 64
# sorted node types: ['author', 'paper'] -> start['author']=0, end['author']=NUM_AUTHOR
COUNT = NUM_AUTHOR + NUM_PAPER
DUMMY_IDX = COUNT  # embedding table has COUNT+1 rows (last row is dummy)
BATCH = 16384
NODE_TYPE = 'author'  # forward(node_type='author', batch)


def setup_inputs(seed: int = 0) -> dict:
    key = jax.random.key(seed)
    k1, k2 = jax.random.split(key)
    batch = jax.random.randint(k1, (BATCH,), 0, NUM_AUTHOR)
    emb_weight = jax.random.normal(k2, (COUNT + 1, EMBED_DIM), dtype=jnp.float32)
    return {"batch": batch, "emb_weight": emb_weight}


def reference(batch, emb_weight):
    # forward(node_type, batch):
    #   emb = self.embedding.weight[self.start[node_type]:self.end[node_type]]
    #   return emb.index_select(0, batch)
    start, end = 0, NUM_AUTHOR  # offsets for node_type='author'
    emb = emb_weight[start:end]
    return jnp.take(emb, batch, axis=0)

if __name__ == "__main__":
    import jax
    _d = setup_inputs()
    print(jax.jit(kernel)(*tuple(_d.values())))

</pallas_src>

<mosaic_0001>
#map = affine_map<(d0, d1) -> (0, 0)>
module attributes {stable_mosaic.version = 14 : i64} {
  func.func @gather_kernel(%arg0: i32, %arg1: i32, %arg2: memref<512x32xi32, #tpu.memory_space<hbm>>, %arg3: memref<1100001x64xf32, #tpu.memory_space<hbm>>, %arg4: memref<16384x64xf32, #tpu.memory_space<hbm>>, %arg5: memref<16x32xi32, #tpu.memory_space<vmem>>, %arg6: memref<16x8x64xf32, #tpu.memory_space<vmem>>, %arg7: memref<512x64xf32, #tpu.memory_space<vmem>>, %arg8: memref<!tpu.dma_semaphore, #tpu.memory_space<semaphore_mem>>, %arg9: memref<!tpu.dma_semaphore, #tpu.memory_space<semaphore_mem>>) attributes {dimension_semantics = [#tpu.dimension_semantics<core_parallel>, #tpu.dimension_semantics<subcore_parallel>], iteration_bounds = array<i64: 2, 16>, scalar_prefetch = 0 : i64, scratch_operands = 5 : i64, tpu.core_type = #tpu.core_type<sc_vector_subcore>, window_params = [{transform_indices = #map}, {transform_indices = #map}, {transform_indices = #map}]} {
    %mul3A = arith.constant 2 : i32
    %mul3A_0 = arith.muli %arg1, %mul3A : i32
    %add3A = arith.addi %mul3A_0, %arg0 : i32
    %mul3A_1 = arith.constant 512 : i32
    %mul3A_2 = arith.muli %add3A, %mul3A_1 : i32
    %mul3A_3 = arith.constant 16 : i32
    %mul3A_4 = arith.muli %add3A, %mul3A_3 : i32
    "tpu.region"() ({
      %run_scoped3A = tpu.sem_alloc : memref<!tpu.dma_semaphore, #tpu.memory_space<semaphore_mem>>
      %dma_start3A = arith.constant 0 : i32
      %dma_start3A_10 = tpu.memref_slice %arg2[%mul3A_4, %dma_start3A] : memref<512x32xi32, #tpu.memory_space<hbm>> -> memref<16x32xi32, #tpu.memory_space<hbm>>
      %dma_start3A_11 = arith.constant 0 : i32
      %dma_start3A_12 = tpu.memref_slice %arg2[%mul3A_4, %dma_start3A_11] : memref<512x32xi32, #tpu.memory_space<hbm>> -> memref<16x32xi32, #tpu.memory_space<hbm>>
      tpu.enqueue_dma source(%dma_start3A_12 : memref<16x32xi32, #tpu.memory_space<hbm>>) target(%arg5 : memref<16x32xi32, #tpu.memory_space<vmem>>) target_semaphore(%run_scoped3A : memref<!tpu.dma_semaphore, #tpu.memory_space<semaphore_mem>>)
      %dma_wait3A = arith.constant 0 : i32
      %dma_wait3A_13 = tpu.memref_slice %arg2[%mul3A_4, %dma_wait3A] : memref<512x32xi32, #tpu.memory_space<hbm>> -> memref<16x32xi32, #tpu.memory_space<hbm>>
      %dma_wait3A_14 = arith.constant 0 : i32
      %dma_wait3A_15 = tpu.memref_slice %arg2[%mul3A_4, %dma_wait3A_14] : memref<512x32xi32, #tpu.memory_space<hbm>> -> memref<16x32xi32, #tpu.memory_space<hbm>>
      tpu.wait_dma2 semaphore(%run_scoped3A : memref<!tpu.dma_semaphore, #tpu.memory_space<semaphore_mem>>) src(%dma_wait3A_15 : memref<16x32xi32, #tpu.memory_space<hbm>>) dst(%arg5 : memref<16x32xi32, #tpu.memory_space<vmem>>)
      tpu.yield
    }) : () -> ()
    %scan3A = arith.constant 0 : i32
    %scan3A_5 = arith.constant 0 : i32
    %scan3A_6 = arith.constant 16 : i32
    %scan3A_7 = arith.addi %scan3A_5, %scan3A_6 : i32
    %scan3A_8 = arith.constant 1 : i32
    scf.for %scan3A_10 = %scan3A_5 to %scan3A_7 step %scan3A_8  : i32 {
      %get3A = arith.index_cast %scan3A_10 : i32 to index
      %get3A_11 = arith.constant 0 : index
      %get3A_12 = tpu.vector_load %arg5[%get3A, %get3A_11] {strides = array<i32>} : memref<16x32xi32, #tpu.memory_space<vmem>>, vector<1x32xi32>,
      %get3A_13 = vector.shape_cast %get3A_12 : vector<1x32xi32> to vector<32xi32>
      %slice3A = vector.extract_strided_slice %get3A_13 {offsets = [0], sizes = [1], strides = [1]} : vector<32xi32> to vector<1xi32>
      %squeeze3A = vector.extract %slice3A[0] : i32 from vector<1xi32>
      %shift_right_arithmetic3A = arith.constant 3 : i32
      %shift_right_arithmetic3A_14 = arith.shrsi %squeeze3A, %shift_right_arithmetic3A : i32
      %slice3A_15 = vector.extract_strided_slice %get3A_13 {offsets = [1], sizes = [1], strides = [1]} : vector<32xi32> to vector<1xi32>
      %squeeze3A_16 = vector.extract %slice3A_15[0] : i32 from vector<1xi32>
      %shift_right_arithmetic3A_17 = arith.constant 3 : i32
      %shift_right_arithmetic3A_18 = arith.shrsi %squeeze3A_16, %shift_right_arithmetic3A_17 : i32
      %slice3A_19 = vector.extract_strided_slice %get3A_13 {offsets = [2], sizes = [1], strides = [1]} : vector<32xi32> to vector<1xi32>
      %squeeze3A_20 = vector.extract %slice3A_19[0] : i32 from vector<1xi32>
      %shift_right_arithmetic3A_21 = arith.constant 3 : i32
      %shift_right_arithmetic3A_22 = arith.shrsi %squeeze3A_20, %shift_right_arithmetic3A_21 : i32
      %slice3A_23 = vector.extract_strided_slice %get3A_13 {offsets = [3], sizes = [1], strides = [1]} : vector<32xi32> to vector<1xi32>
      %squeeze3A_24 = vector.extract %slice3A_23[0] : i32 from vector<1xi32>
      %shift_right_arithmetic3A_25 = arith.constant 3 : i32
      %shift_right_arithmetic3A_26 = arith.shrsi %squeeze3A_24, %shift_right_arithmetic3A_25 : i32
      %slice3A_27 = vector.extract_strided_slice %get3A_13 {offsets = [4], sizes = [1], strides = [1]} : vector<32xi32> to vector<1xi32>
      %squeeze3A_28 = vector.extract %slice3A_27[0] : i32 from vector<1xi32>
      %shift_right_arithmetic3A_29 = arith.constant 3 : i32
      %shift_right_arithmetic3A_30 = arith.shrsi %squeeze3A_28, %shift_right_arithmetic3A_29 : i32
      %slice3A_31 = vector.extract_strided_slice %get3A_13 {offsets = [5], sizes = [1], strides = [1]} : vector<32xi32> to vector<1xi32>
      %squeeze3A_32 = vector.extract %slice3A_31[0] : i32 from vector<1xi32>
      %shift_right_arithmetic3A_33 = arith.constant 3 : i32
      %shift_right_arithmetic3A_34 = arith.shrsi %squeeze3A_32, %shift_right_arithmetic3A_33 : i32
      %slice3A_35 = vector.extract_strided_slice %get3A_13 {offsets = [6], sizes = [1], strides = [1]} : vector<32xi32> to vector<1xi32>
      %squeeze3A_36 = vector.extract %slice3A_35[0] : i32 from vector<1xi32>
      %shift_right_arithmetic3A_37 = arith.constant 3 : i32
      %shift_right_arithmetic3A_38 = arith.shrsi %squeeze3A_36, %shift_right_arithmetic3A_37 : i32
      %slice3A_39 = vector.extract_strided_slice %get3A_13 {offsets = [7], sizes = [1], strides = [1]} : vector<32xi32> to vector<1xi32>
      %squeeze3A_40 = vector.extract %slice3A_39[0] : i32 from vector<1xi32>
      %shift_right_arithmetic3A_41 = arith.constant 3 : i32
      %shift_right_arithmetic3A_42 = arith.shrsi %squeeze3A_40, %shift_right_arithmetic3A_41 : i32
      %slice3A_43 = vector.extract_strided_slice %get3A_13 {offsets = [8], sizes = [1], strides = [1]} : vector<32xi32> to vector<1xi32>
      %squeeze3A_44 = vector.extract %slice3A_43[0] : i32 from vector<1xi32>
      %shift_right_arithmetic3A_45 = arith.constant 3 : i32
      %shift_right_arithmetic3A_46 = arith.shrsi %squeeze3A_44, %shift_right_arithmetic3A_45 : i32
      %slice3A_47 = vector.extract_strided_slice %get3A_13 {offsets = [9], sizes = [1], strides = [1]} : vector<32xi32> to vector<1xi32>
      %squeeze3A_48 = vector.extract %slice3A_47[0] : i32 from vector<1xi32>
      %shift_right_arithmetic3A_49 = arith.constant 3 : i32
      %shift_right_arithmetic3A_50 = arith.shrsi %squeeze3A_48, %shift_right_arithmetic3A_49 : i32
      %slice3A_51 = vector.extract_strided_slice %get3A_13 {offsets = [10], sizes = [1], strides = [1]} : vector<32xi32> to vector<1xi32>
      %squeeze3A_52 = vector.extract %slice3A_51[0] : i32 from vector<1xi32>
      %shift_right_arithmetic3A_53 = arith.constant 3 : i32
      %shift_right_arithmetic3A_54 = arith.shrsi %squeeze3A_52, %shift_right_arithmetic3A_53 : i32
      %slice3A_55 = vector.extract_strided_slice %get3A_13 {offsets = [11], sizes = [1], strides = [1]} : vector<32xi32> to vector<1xi32>
      %squeeze3A_56 = vector.extract %slice3A_55[0] : i32 from vector<1xi32>
      %shift_right_arithmetic3A_57 = arith.constant 3 : i32
      %shift_right_arithmetic3A_58 = arith.shrsi %squeeze3A_56, %shift_right_arithmetic3A_57 : i32
      %slice3A_59 = vector.extract_strided_slice %get3A_13 {offsets = [12], sizes = [1], strides = [1]} : vector<32xi32> to vector<1xi32>
      %squeeze3A_60 = vector.extract %slice3A_59[0] : i32 from vector<1xi32>
      %shift_right_arithmetic3A_61 = arith.constant 3 : i32
      %shift_right_arithmetic3A_62 = arith.shrsi %squeeze3A_60, %shift_right_arithmetic3A_61 : i32
      %slice3A_63 = vector.extract_strided_slice %get3A_13 {offsets = [13], sizes = [1], strides = [1]} : vector<32xi32> to vector<1xi32>
      %squeeze3A_64 = vector.extract %slice3A_63[0] : i32 from vector<1xi32>
      %shift_right_arithmetic3A_65 = arith.constant 3 : i32
      %shift_right_arithmetic3A_66 = arith.shrsi %squeeze3A_64, %shift_right_arithmetic3A_65 : i32
      %slice3A_67 = vector.extract_strided_slice %get3A_13 {offsets = [14], sizes = [1], strides = [1]} : vector<32xi32> to vector<1xi32>
      %squeeze3A_68 = vector.extract %slice3A_67[0] : i32 from vector<1xi32>
      %shift_right_arithmetic3A_69 = arith.constant 3 : i32
      %shift_right_arithmetic3A_70 = arith.shrsi %squeeze3A_68, %shift_right_arithmetic3A_69 : i32
      %slice3A_71 = vector.extract_strided_slice %get3A_13 {offsets = [15], sizes = [1], strides = [1]} : vector<32xi32> to vector<1xi32>
      %squeeze3A_72 = vector.extract %slice3A_71[0] : i32 from vector<1xi32>
      %shift_right_arithmetic3A_73 = arith.constant 3 : i32
      %shift_right_arithmetic3A_74 = arith.shrsi %squeeze3A_72, %shift_right_arithmetic3A_73 : i32
      %slice3A_75 = vector.extract_strided_slice %get3A_13 {offsets = [16], sizes = [1], strides = [1]} : vector<32xi32> to vector<1xi32>
      %squeeze3A_76 = vector.extract %slice3A_75[0] : i32 from vector<1xi32>
      %shift_right_arithmetic3A_77 = arith.constant 3 : i32
      %shift_right_arithmetic3A_78 = arith.shrsi %squeeze3A_76, %shift_right_arithmetic3A_77 : i32
      %slice3A_79 = vector.extract_strided_slice %get3A_13 {offsets = [17], sizes = [1], strides = [1]} : vector<32xi32> to vector<1xi32>
      %squeeze3A_80 = vector.extract %slice3A_79[0] : i32 from vector<1xi32>
      %shift_right_arithmetic3A_81 = arith.constant 3 : i32
      %shift_right_arithmetic3A_82 = arith.shrsi %squeeze3A_80, %shift_right_arithmetic3A_81 : i32
      %slice3A_83 = vector.extract_strided_slice %get3A_13 {offsets = [18], sizes = [1], strides = [1]} : vector<32xi32> to vector<1xi32>
      %squeeze3A_84 = vector.extract %slice3A_83[0] : i32 from vector<1xi32>
      %shift_right_arithmetic3A_85 = arith.constant 3 : i32
      %shift_right_arithmetic3A_86 = arith.shrsi %squeeze3A_84, %shift_right_arithmetic3A_85 : i32
      %slice3A_87 = vector.extract_strided_slice %get3A_13 {offsets = [19], sizes = [1], strides = [1]} : vector<32xi32> to vector<1xi32>
      %squeeze3A_88 = vector.extract %slice3A_87[0] : i32 from vector<1xi32>
      %shift_right_arithmetic3A_89 = arith.constant 3 : i32
      %shift_right_arithmetic3A_90 = arith.shrsi %squeeze3A_88, %shift_right_arithmetic3A_89 : i32
      %slice3A_91 = vector.extract_strided_slice %get3A_13 {offsets = [20], sizes = [1], strides = [1]} : vector<32xi32> to vector<1xi32>
      %squeeze3A_92 = vector.extract %slice3A_91[0] : i32 from vector<1xi32>
      %shift_right_arithmetic3A_93 = arith.constant 3 : i32
      %shift_right_arithmetic3A_94 = arith.shrsi %squeeze3A_92, %shift_right_arithmetic3A_93 : i32
      %slice3A_95 = vector.extract_strided_slice %get3A_13 {offsets = [21], sizes = [1], strides = [1]} : vector<32xi32> to vector<1xi32>
      %squeeze3A_96 = vector.extract %slice3A_95[0] : i32 from vector<1xi32>
      %shift_right_arithmetic3A_97 = arith.constant 3 : i32
      %shift_right_arithmetic3A_98 = arith.shrsi %squeeze3A_96, %shift_right_arithmetic3A_97 : i32
      %slice3A_99 = vector.extract_strided_slice %get3A_13 {offsets = [22], sizes = [1], strides = [1]} : vector<32xi32> to vector<1xi32>
      %squeeze3A_100 = vector.extract %slice3A_99[0] : i32 from vector<1xi32>
      %shift_right_arithmetic3A_101 = arith.constant 3 : i32
      %shift_right_arithmetic3A_102 = arith.shrsi %squeeze3A_100, %shift_right_arithmetic3A_101 : i32
      %slice3A_103 = vector.extract_strided_slice %get3A_13 {offsets = [23], sizes = [1], strides = [1]} : vector<32xi32> to vector<1xi32>
      %squeeze3A_104 = vector.extract %slice3A_103[0] : i32 from vector<1xi32>
      %shift_right_arithmetic3A_105 = arith.constant 3 : i32
      %shift_right_arithmetic3A_106 = arith.shrsi %squeeze3A_104, %shift_right_arithmetic3A_105 : i32
      %slice3A_107 = vector.extract_strided_slice %get3A_13 {offsets = [24], sizes = [1], strides = [1]} : vector<32xi32> to vector<1xi32>
      %squeeze3A_108 = vector.extract %slice3A_107[0] : i32 from vector<1xi32>
      %shift_right_arithmetic3A_109 = arith.constant 3 : i32
      %shift_right_arithmetic3A_110 = arith.shrsi %squeeze3A_108, %shift_right_arithmetic3A_109 : i32
      %slice3A_111 = vector.extract_strided_slice %get3A_13 {offsets = [25], sizes = [1], strides = [1]} : vector<32xi32> to vector<1xi32>
      %squeeze3A_112 = vector.extract %slice3A_111[0] : i32 from vector<1xi32>
      %shift_right_arithmetic3A_113 = arith.constant 3 : i32
      %shift_right_arithmetic3A_114 = arith.shrsi %squeeze3A_112, %shift_right_arithmetic3A_113 : i32
      %slice3A_115 = vector.extract_strided_slice %get3A_13 {offsets = [26], sizes = [1], strides = [1]} : vector<32xi32> to vector<1xi32>
      %squeeze3A_116 = vector.extract %slice3A_115[0] : i32 from vector<1xi32>
      %shift_right_arithmetic3A_117 = arith.constant 3 : i32
      %shift_right_arithmetic3A_118 = arith.shrsi %squeeze3A_116, %shift_right_arithmetic3A_117 : i32
      %slice3A_119 = vector.extract_strided_slice %get3A_13 {offsets = [27], sizes = [1], strides = [1]} : vector<32xi32> to vector<1xi32>
      %squeeze3A_120 = vector.extract %slice3A_119[0] : i32 from vector<1xi32>
      %shift_right_arithmetic3A_121 = arith.constant 3 : i32
      %shift_right_arithmetic3A_122 = arith.shrsi %squeeze3A_120, %shift_right_arithmetic3A_121 : i32
      %slice3A_123 = vector.extract_strided_slice %get3A_13 {offsets = [28], sizes = [1], strides = [1]} : vector<32xi32> to vector<1xi32>
      %squeeze3A_124 = vector.extract %slice3A_123[0] : i32 from vector<1xi32>
      %shift_right_arithmetic3A_125 = arith.constant 3 : i32
      %shift_right_arithmetic3A_126 = arith.shrsi %squeeze3A_124, %shift_right_arithmetic3A_125 : i32
      %slice3A_127 = vector.extract_strided_slice %get3A_13 {offsets = [29], sizes = [1], strides = [1]} : vector<32xi32> to vector<1xi32>
      %squeeze3A_128 = vector.extract %slice3A_127[0] : i32 from vector<1xi32>
      %shift_right_arithmetic3A_129 = arith.constant 3 : i32
      %shift_right_arithmetic3A_130 = arith.shrsi %squeeze3A_128, %shift_right_arithmetic3A_129 : i32
      %slice3A_131 = vector.extract_strided_slice %get3A_13 {offsets = [30], sizes = [1], strides = [1]} : vector<32xi32> to vector<1xi32>
      %squeeze3A_132 = vector.extract %slice3A_131[0] : i32 from vector<1xi32>
      %shift_right_arithmetic3A_133 = arith.constant 3 : i32
      %shift_right_arithmetic3A_134 = arith.shrsi %squeeze3A_132, %shift_right_arithmetic3A_133 : i32
      %slice3A_135 = vector.extract_strided_slice %get3A_13 {offsets = [31], sizes = [1], strides = [1]} : vector<32xi32> to vector<1xi32>
      %squeeze3A_136 = vector.extract %slice3A_135[0] : i32 from vector<1xi32>
      %shift_right_arithmetic3A_137 = arith.constant 3 : i32
      %shift_right_arithmetic3A_138 = arith.shrsi %squeeze3A_136, %shift_right_arithmetic3A_137 : i32
      %slice3A_139 = vector.extract_strided_slice %get3A_13 {offsets = [0], sizes = [1], strides = [1]} : vector<32xi32> to vector<1xi32>
      %squeeze3A_140 = vector.extract %slice3A_139[0] : i32 from vector<1xi32>
      %and3A = arith.constant 7 : i32
      %and3A_141 = arith.andi %squeeze3A_140, %and3A : i32
      %slice3A_142 = vector.extract_strided_slice %get3A_13 {offsets = [1], sizes = [1], strides = [1]} : vector<32xi32> to vector<1xi32>
      %squeeze3A_143 = vector.extract %slice3A_142[0] : i32 from vector<1xi32>
      %and3A_144 = arith.constant 7 : i32
      %and3A_145 = arith.andi %squeeze3A_143, %and3A_144 : i32
      %slice3A_146 = vector.extract_strided_slice %get3A_13 {offsets = [2], sizes = [1], strides = [1]} : vector<32xi32> to vector<1xi32>
      %squeeze3A_147 = vector.extract %slice3A_146[0] : i32 from vector<1xi32>
      %and3A_148 = arith.constant 7 : i32
      %and3A_149 = arith.andi %squeeze3A_147, %and3A_148 : i32
      %slice3A_150 = vector.extract_strided_slice %get3A_13 {offsets = [3], sizes = [1], strides = [1]} : vector<32xi32> to vector<1xi32>
      %squeeze3A_151 = vector.extract %slice3A_150[0] : i32 from vector<1xi32>
      %and3A_152 = arith.constant 7 : i32
      %and3A_153 = arith.andi %squeeze3A_151, %and3A_152 : i32
      %slice3A_154 = vector.extract_strided_slice %get3A_13 {offsets = [4], sizes = [1], strides = [1]} : vector<32xi32> to vector<1xi32>
      %squeeze3A_155 = vector.extract %slice3A_154[0] : i32 from vector<1xi32>
      %and3A_156 = arith.constant 7 : i32
      %and3A_157 = arith.andi %squeeze3A_155, %and3A_156 : i32
      %slice3A_158 = vector.extract_strided_slice %get3A_13 {offsets = [5], sizes = [1], strides = [1]} : vector<32xi32> to vector<1xi32>
      %squeeze3A_159 = vector.extract %slice3A_158[0] : i32 from vector<1xi32>
      %and3A_160 = arith.constant 7 : i32
      %and3A_161 = arith.andi %squeeze3A_159, %and3A_160 : i32
      %slice3A_162 = vector.extract_strided_slice %get3A_13 {offsets = [6], sizes = [1], strides = [1]} : vector<32xi32> to vector<1xi32>
      %squeeze3A_163 = vector.extract %slice3A_162[0] : i32 from vector<1xi32>
      %and3A_164 = arith.constant 7 : i32
      %and3A_165 = arith.andi %squeeze3A_163, %and3A_164 : i32
      %slice3A_166 = vector.extract_strided_slice %get3A_13 {offsets = [7], sizes = [1], strides = [1]} : vector<32xi32> to vector<1xi32>
      %squeeze3A_167 = vector.extract %slice3A_166[0] : i32 from vector<1xi32>
      %and3A_168 = arith.constant 7 : i32
      %and3A_169 = arith.andi %squeeze3A_167, %and3A_168 : i32
      %slice3A_170 = vector.extract_strided_slice %get3A_13 {offsets = [8], sizes = [1], strides = [1]} : vector<32xi32> to vector<1xi32>
      %squeeze3A_171 = vector.extract %slice3A_170[0] : i32 from vector<1xi32>
      %and3A_172 = arith.constant 7 : i32
      %and3A_173 = arith.andi %squeeze3A_171, %and3A_172 : i32
      %slice3A_174 = vector.extract_strided_slice %get3A_13 {offsets = [9], sizes = [1], strides = [1]} : vector<32xi32> to vector<1xi32>
      %squeeze3A_175 = vector.extract %slice3A_174[0] : i32 from vector<1xi32>
      %and3A_176 = arith.constant 7 : i32
      %and3A_177 = arith.andi %squeeze3A_175, %and3A_176 : i32
      %slice3A_178 = vector.extract_strided_slice %get3A_13 {offsets = [10], sizes = [1], strides = [1]} : vector<32xi32> to vector<1xi32>
      %squeeze3A_179 = vector.extract %slice3A_178[0] : i32 from vector<1xi32>
      %and3A_180 = arith.constant 7 : i32
      %and3A_181 = arith.andi %squeeze3A_179, %and3A_180 : i32
      %slice3A_182 = vector.extract_strided_slice %get3A_13 {offsets = [11], sizes = [1], strides = [1]} : vector<32xi32> to vector<1xi32>
      %squeeze3A_183 = vector.extract %slice3A_182[0] : i32 from vector<1xi32>
      %and3A_184 = arith.constant 7 : i32
      %and3A_185 = arith.andi %squeeze3A_183, %and3A_184 : i32
      %slice3A_186 = vector.extract_strided_slice %get3A_13 {offsets = [12], sizes = [1], strides = [1]} : vector<32xi32> to vector<1xi32>
      %squeeze3A_187 = vector.extract %slice3A_186[0] : i32 from vector<1xi32>
      %and3A_188 = arith.constant 7 : i32
      %and3A_189 = arith.andi %squeeze3A_187, %and3A_188 : i32
      %slice3A_190 = vector.extract_strided_slice %get3A_13 {offsets = [13], sizes = [1], strides = [1]} : vector<32xi32> to vector<1xi32>
      %squeeze3A_191 = vector.extract %slice3A_190[0] : i32 from vector<1xi32>
      %and3A_192 = arith.constant 7 : i32
      %and3A_193 = arith.andi %squeeze3A_191, %and3A_192 : i32
      %slice3A_194 = vector.extract_strided_slice %get3A_13 {offsets = [14], sizes = [1], strides = [1]} : vector<32xi32> to vector<1xi32>
      %squeeze3A_195 = vector.extract %slice3A_194[0] : i32 from vector<1xi32>
      %and3A_196 = arith.constant 7 : i32
      %and3A_197 = arith.andi %squeeze3A_195, %and3A_196 : i32
      %slice3A_198 = vector.extract_strided_slice %get3A_13 {offsets = [15], sizes = [1], strides = [1]} : vector<32xi32> to vector<1xi32>
      %squeeze3A_199 = vector.extract %slice3A_198[0] : i32 from vector<1xi32>
      %and3A_200 = arith.constant 7 : i32
      %and3A_201 = arith.andi %squeeze3A_199, %and3A_200 : i32
      %slice3A_202 = vector.extract_strided_slice %get3A_13 {offsets = [16], sizes = [1], strides = [1]} : vector<32xi32> to vector<1xi32>
      %squeeze3A_203 = vector.extract %slice3A_202[0] : i32 from vector<1xi32>
      %and3A_204 = arith.constant 7 : i32
      %and3A_205 = arith.andi %squeeze3A_203, %and3A_204 : i32
      %slice3A_206 = vector.extract_strided_slice %get3A_13 {offsets = [17], sizes = [1], strides = [1]} : vector<32xi32> to vector<1xi32>
      %squeeze3A_207 = vector.extract %slice3A_206[0] : i32 from vector<1xi32>
      %and3A_208 = arith.constant 7 : i32
      %and3A_209 = arith.andi %squeeze3A_207, %and3A_208 : i32
      %slice3A_210 = vector.extract_strided_slice %get3A_13 {offsets = [18], sizes = [1], strides = [1]} : vector<32xi32> to vector<1xi32>
      %squeeze3A_211 = vector.extract %slice3A_210[0] : i32 from vector<1xi32>
      %and3A_212 = arith.constant 7 : i32
      %and3A_213 = arith.andi %squeeze3A_211, %and3A_212 : i32
      %slice3A_214 = vector.extract_strided_slice %get3A_13 {offsets = [19], sizes = [1], strides = [1]} : vector<32xi32> to vector<1xi32>
      %squeeze3A_215 = vector.extract %slice3A_214[0] : i32 from vector<1xi32>
      %and3A_216 = arith.constant 7 : i32
      %and3A_217 = arith.andi %squeeze3A_215, %and3A_216 : i32
      %slice3A_218 = vector.extract_strided_slice %get3A_13 {offsets = [20], sizes = [1], strides = [1]} : vector<32xi32> to vector<1xi32>
      %squeeze3A_219 = vector.extract %slice3A_218[0] : i32 from vector<1xi32>
      %and3A_220 = arith.constant 7 : i32
      %and3A_221 = arith.andi %squeeze3A_219, %and3A_220 : i32
      %slice3A_222 = vector.extract_strided_slice %get3A_13 {offsets = [21], sizes = [1], strides = [1]} : vector<32xi32> to vector<1xi32>
      %squeeze3A_223 = vector.extract %slice3A_222[0] : i32 from vector<1xi32>
      %and3A_224 = arith.constant 7 : i32
      %and3A_225 = arith.andi %squeeze3A_223, %and3A_224 : i32
      %slice3A_226 = vector.extract_strided_slice %get3A_13 {offsets = [22], sizes = [1], strides = [1]} : vector<32xi32> to vector<1xi32>
      %squeeze3A_227 = vector.extract %slice3A_226[0] : i32 from vector<1xi32>
      %and3A_228 = arith.constant 7 : i32
      %and3A_229 = arith.andi %squeeze3A_227, %and3A_228 : i32
      %slice3A_230 = vector.extract_strided_slice %get3A_13 {offsets = [23], sizes = [1], strides = [1]} : vector<32xi32> to vector<1xi32>
      %squeeze3A_231 = vector.extract %slice3A_230[0] : i32 from vector<1xi32>
      %and3A_232 = arith.constant 7 : i32
      %and3A_233 = arith.andi %squeeze3A_231, %and3A_232 : i32
      %slice3A_234 = vector.extract_strided_slice %get3A_13 {offsets = [24], sizes = [1], strides = [1]} : vector<32xi32> to vector<1xi32>
      %squeeze3A_235 = vector.extract %slice3A_234[0] : i32 from vector<1xi32>
      %and3A_236 = arith.constant 7 : i32
      %and3A_237 = arith.andi %squeeze3A_235, %and3A_236 : i32
      %slice3A_238 = vector.extract_strided_slice %get3A_13 {offsets = [25], sizes = [1], strides = [1]} : vector<32xi32> to vector<1xi32>
      %squeeze3A_239 = vector.extract %slice3A_238[0] : i32 from vector<1xi32>
      %and3A_240 = arith.constant 7 : i32
      %and3A_241 = arith.andi %squeeze3A_239, %and3A_240 : i32
      %slice3A_242 = vector.extract_strided_slice %get3A_13 {offsets = [26], sizes = [1], strides = [1]} : vector<32xi32> to vector<1xi32>
      %squeeze3A_243 = vector.extract %slice3A_242[0] : i32 from vector<1xi32>
      %and3A_244 = arith.constant 7 : i32
      %and3A_245 = arith.andi %squeeze3A_243, %and3A_244 : i32
      %slice3A_246 = vector.extract_strided_slice %get3A_13 {offsets = [27], sizes = [1], strides = [1]} : vector<32xi32> to vector<1xi32>
      %squeeze3A_247 = vector.extract %slice3A_246[0] : i32 from vector<1xi32>
      %and3A_248 = arith.constant 7 : i32
      %and3A_249 = arith.andi %squeeze3A_247, %and3A_248 : i32
      %slice3A_250 = vector.extract_strided_slice %get3A_13 {offsets = [28], sizes = [1], strides = [1]} : vector<32xi32> to vector<1xi32>
      %squeeze3A_251 = vector.extract %slice3A_250[0] : i32 from vector<1xi32>
      %and3A_252 = arith.constant 7 : i32
      %and3A_253 = arith.andi %squeeze3A_251, %and3A_252 : i32
      %slice3A_254 = vector.extract_strided_slice %get3A_13 {offsets = [29], sizes = [1], strides = [1]} : vector<32xi32> to vector<1xi32>
      %squeeze3A_255 = vector.extract %slice3A_254[0] : i32 from vector<1xi32>
      %and3A_256 = arith.constant 7 : i32
      %and3A_257 = arith.andi %squeeze3A_255, %and3A_256 : i32
      %slice3A_258 = vector.extract_strided_slice %get3A_13 {offsets = [30], sizes = [1], strides = [1]} : vector<32xi32> to vector<1xi32>
      %squeeze3A_259 = vector.extract %slice3A_258[0] : i32 from vector<1xi32>
      %and3A_260 = arith.constant 7 : i32
      %and3A_261 = arith.andi %squeeze3A_259, %and3A_260 : i32
      %slice3A_262 = vector.extract_strided_slice %get3A_13 {offsets = [31], sizes = [1], strides = [1]} : vector<32xi32> to vector<1xi32>
      %squeeze3A_263 = vector.extract %slice3A_262[0] : i32 from vector<1xi32>
      %and3A_264 = arith.constant 7 : i32
      %and3A_265 = arith.andi %squeeze3A_263, %and3A_264 : i32
      %mul3A_266 = arith.constant 8 : i32
      %mul3A_267 = arith.muli %shift_right_arithmetic3A_14, %mul3A_266 : i32
      %multiple_of3A = tpu.assume_multiple %mul3A_267, 8 : i32
      %dma_start3A = arith.constant 0 : i32
      %dma_start3A_268 = arith.constant 0 : i32
      %dma_start3A_269 = arith.constant 0 : i32
      %dma_start3A_270 = tpu.memref_slice %arg6[%dma_start3A, %dma_start3A_268, %dma_start3A_269] : memref<16x8x64xf32, #tpu.memory_space<vmem>> -> memref<1x8x64xf32, #tpu.memory_space<vmem>>
      %dma_start3A_271 = tpu.memref_squeeze %dma_start3A_270 : memref<1x8x64xf32, #tpu.memory_space<vmem>> -> memref<8x64xf32, #tpu.memory_space<vmem>>
      %dma_start3A_272 = arith.constant 0 : i32
      %dma_start3A_273 = tpu.memref_slice %arg3[%multiple_of3A, %dma_start3A_272] : memref<1100001x64xf32, #tpu.memory_space<hbm>> -> memref<8x64xf32, #tpu.memory_space<hbm>>
      %dma_start3A_274 = arith.constant 0 : i32
      %dma_start3A_275 = arith.constant 0 : i32
      %dma_start3A_276 = tpu.memref_slice %arg6[%dma_start3A, %dma_start3A_274, %dma_start3A_275] : memref<16x8x64xf32, #tpu.memory_space<vmem>> -> memref<1x8x64xf32, #tpu.memory_space<vmem>>
      %dma_start3A_277 = tpu.memref_squeeze %dma_start3A_276 : memref<1x8x64xf32, #tpu.memory_space<vmem>> -> memref<8x64xf32, #tpu.memory_space<vmem>>
      %dma_start3A_278 = arith.constant 0 : i32
      %dma_start3A_279 = tpu.memref_slice %arg3[%multiple_of3A, %dma_start3A_278] : memref<1100001x64xf32, #tpu.memory_space<hbm>> -> memref<8x64xf32, #tpu.memory_space<hbm>>
      tpu.enqueue_dma source(%dma_start3A_279 : memref<8x64xf32, #tpu.memory_space<hbm>>) target(%dma_start3A_277 : memref<8x64xf32, #tpu.memory_space<vmem>>) target_semaphore(%arg8 : memref<!tpu.dma_semaphore, #tpu.memory_space<semaphore_mem>>)
      %mul3A_280 = arith.constant 8 : i32
      %mul3A_281 = arith.muli %shift_right_arithmetic3A_18, %mul3A_280 : i32
      %multiple_of3A_282 = tpu.assume_multiple %mul3A_281, 8 : i32
      %dma_start3A_283 = arith.constant 1 : i32
      %dma_start3A_284 = arith.constant 0 : i32
      %dma_start3A_285 = arith.constant 0 : i32
      %dma_start3A_286 = tpu.memref_slice %arg6[%dma_start3A_283, %dma_start3A_284, %dma_start3A_285] : memref<16x8x64xf32, #tpu.memory_space<vmem>> -> memref<1x8x64xf32, #tpu.memory_space<vmem>>
      %dma_start3A_287 = tpu.memref_squeeze %dma_start3A_286 : memref<1x8x64xf32, #tpu.memory_space<vmem>> -> memref<8x64xf32, #tpu.memory_space<vmem>>
      %dma_start3A_288 = arith.constant 0 : i32
      %dma_start3A_289 = tpu.memref_slice %arg3[%multiple_of3A_282, %dma_start3A_288] : memref<1100001x64xf32, #tpu.memory_space<hbm>> -> memref<8x64xf32, #tpu.memory_space<hbm>>
      %dma_start3A_290 = arith.constant 0 : i32
      %dma_start3A_291 = arith.constant 0 : i32
      %dma_start3A_292 = tpu.memref_slice %arg6[%dma_start3A_283, %dma_start3A_290, %dma_start3A_291] : memref<16x8x64xf32, #tpu.memory_space<vmem>> -> memref<1x8x64xf32, #tpu.memory_space<vmem>>
      %dma_start3A_293 = tpu.memref_squeeze %dma_start3A_292 : memref<1x8x64xf32, #tpu.memory_space<vmem>> -> memref<8x64xf32, #tpu.memory_space<vmem>>
      %dma_start3A_294 = arith.constant 0 : i32
      %dma_start3A_295 = tpu.memref_slice %arg3[%multiple_of3A_282, %dma_start3A_294] : memref<1100001x64xf32, #tpu.memory_space<hbm>> -> memref<8x64xf32, #tpu.memory_space<hbm>>
      tpu.enqueue_dma source(%dma_start3A_295 : memref<8x64xf32, #tpu.memory_space<hbm>>) target(%dma_start3A_293 : memref<8x64xf32, #tpu.memory_space<vmem>>) target_semaphore(%arg8 : memref<!tpu.dma_semaphore, #tpu.memory_space<semaphore_mem>>)
      %mul3A_296 = arith.constant 8 : i32
      %mul3A_297 = arith.muli %shift_right_arithmetic3A_22, %mul3A_296 : i32
      %multiple_of3A_298 = tpu.assume_multiple %mul3A_297, 8 : i32
      %dma_start3A_299 = arith.constant 2 : i32
      %dma_start3A_300 = arith.constant 0 : i32
      %dma_start3A_301 = arith.constant 0 : i32
      %dma_start3A_302 = tpu.memref_slice %arg6[%dma_start3A_299, %dma_start3A_300, %dma_start3A_301] : memref<16x8x64xf32, #tpu.memory_space<vmem>> -> memref<1x8x64xf32, #tpu.memory_space<vmem>>
      %dma_start3A_303 = tpu.memref_squeeze %dma_start3A_302 : memref<1x8x64xf32, #tpu.memory_space<vmem>> -> memref<8x64xf32, #tpu.memory_space<vmem>>
      %dma_start3A_304 = arith.constant 0 : i32
      %dma_start3A_305 = tpu.memref_slice %arg3[%multiple_of3A_298, %dma_start3A_304] : memref<1100001x64xf32, #tpu.memory_space<hbm>> -> memref<8x64xf32, #tpu.memory_space<hbm>>
      %dma_start3A_306 = arith.constant 0 : i32
      %dma_start3A_307 = arith.constant 0 : i32
      %dma_start3A_308 = tpu.memref_slice %arg6[%dma_start3A_299, %dma_start3A_306, %dma_start3A_307] : memref<16x8x64xf32, #tpu.memory_space<vmem>> -> memref<1x8x64xf32, #tpu.memory_space<vmem>>
      %dma_start3A_309 = tpu.memref_squeeze %dma_start3A_308 : memref<1x8x64xf32, #tpu.memory_space<vmem>> -> memref<8x64xf32, #tpu.memory_space<vmem>>
      %dma_start3A_310 = arith.constant 0 : i32
      %dma_start3A_311 = tpu.memref_slice %arg3[%multiple_of3A_298, %dma_start3A_310] : memref<1100001x64xf32, #tpu.memory_space<hbm>> -> memref<8x64xf32, #tpu.memory_space<hbm>>
      tpu.enqueue_dma source(%dma_start3A_311 : memref<8x64xf32, #tpu.memory_space<hbm>>) target(%dma_start3A_309 : memref<8x64xf32, #tpu.memory_space<vmem>>) target_semaphore(%arg8 : memref<!tpu.dma_semaphore, #tpu.memory_space<semaphore_mem>>)
      %mul3A_312 = arith.constant 8 : i32
      %mul3A_313 = arith.muli %shift_right_arithmetic3A_26, %mul3A_312 : i32
      %multiple_of3A_314 = tpu.assume_multiple %mul3A_313, 8 : i32
      %dma_start3A_315 = arith.constant 3 : i32
      %dma_start3A_316 = arith.constant 0 : i32
      %dma_start3A_317 = arith.constant 0 : i32
      %dma_start3A_318 = tpu.memref_slice %arg6[%dma_start3A_315, %dma_start3A_316, %dma_start3A_317] : memref<16x8x64xf32, #tpu.memory_space<vmem>> -> memref<1x8x64xf32, #tpu.memory_space<vmem>>
      %dma_start3A_319 = tpu.memref_squeeze %dma_start3A_318 : memref<1x8x64xf32, #tpu.memory_space<vmem>> -> memref<8x64xf32, #tpu.memory_space<vmem>>
      %dma_start3A_320 = arith.constant 0 : i32
      %dma_start3A_321 = tpu.memref_slice %arg3[%multiple_of3A_314, %dma_start3A_320] : memref<1100001x64xf32, #tpu.memory_space<hbm>> -> memref<8x64xf32, #tpu.memory_space<hbm>>
      %dma_start3A_322 = arith.constant 0 : i32
      %dma_start3A_323 = arith.constant 0 : i32
      %dma_start3A_324 = tpu.memref_slice %arg6[%dma_start3A_315, %dma_start3A_322, %dma_start3A_323] : memref<16x8x64xf32, #tpu.memory_space<vmem>> -> memref<1x8x64xf32, #tpu.memory_space<vmem>>
      %dma_start3A_325 = tpu.memref_squeeze %dma_start3A_324 : memref<1x8x64xf32, #tpu.memory_space<vmem>> -> memref<8x64xf32, #tpu.memory_space<vmem>>
      %dma_start3A_326 = arith.constant 0 : i32
      %dma_start3A_327 = tpu.memref_slice %arg3[%multiple_of3A_314, %dma_start3A_326] : memref<1100001x64xf32, #tpu.memory_space<hbm>> -> memref<8x64xf32, #tpu.memory_space<hbm>>
      tpu.enqueue_dma source(%dma_start3A_327 : memref<8x64xf32, #tpu.memory_space<hbm>>) target(%dma_start3A_325 : memref<8x64xf32, #tpu.memory_space<vmem>>) target_semaphore(%arg8 : memref<!tpu.dma_semaphore, #tpu.memory_space<semaphore_mem>>)
      %mul3A_328 = arith.constant 8 : i32
      %mul3A_329 = arith.muli %shift_right_arithmetic3A_30, %mul3A_328 : i32
      %multiple_of3A_330 = tpu.assume_multiple %mul3A_329, 8 : i32
      %dma_start3A_331 = arith.constant 4 : i32
      %dma_start3A_332 = arith.constant 0 : i32
      %dma_start3A_333 = arith.constant 0 : i32
      %dma_start3A_334 = tpu.memref_slice %arg6[%dma_start3A_331, %dma_start3A_332, %dma_start3A_333] : memref<16x8x64xf32, #tpu.memory_space<vmem>> -> memref<1x8x64xf32, #tpu.memory_space<vmem>>
      %dma_start3A_335 = tpu.memref_squeeze %dma_start3A_334 : memref<1x8x64xf32, #tpu.memory_space<vmem>> -> memref<8x64xf32, #tpu.memory_space<vmem>>
      %dma_start3A_336 = arith.constant 0 : i32
      %dma_start3A_337 = tpu.memref_slice %arg3[%multiple_of3A_330, %dma_start3A_336] : memref<1100001x64xf32, #tpu.memory_space<hbm>> -> memref<8x64xf32, #tpu.memory_space<hbm>>
      %dma_start3A_338 = arith.constant 0 : i32
      %dma_start3A_339 = arith.constant 0 : i32
      %dma_start3A_340 = tpu.memref_slice %arg6[%dma_start3A_331, %dma_start3A_338, %dma_start3A_339] : memref<16x8x64xf32, #tpu.memory_space<vmem>> -> memref<1x8x64xf32, #tpu.memory_space<vmem>>
      %dma_start3A_341 = tpu.memref_squeeze %dma_start3A_340 : memref<1x8x64xf32, #tpu.memory_space<vmem>> -> memref<8x64xf32, #tpu.memory_space<vmem>>
      %dma_start3A_342 = arith.constant 0 : i32
      %dma_start3A_343 = tpu.memref_slice %arg3[%multiple_of3A_330, %dma_start3A_342] : memref<1100001x64xf32, #tpu.memory_space<hbm>> -> memref<8x64xf32, #tpu.memory_space<hbm>>
      tpu.enqueue_dma source(%dma_start3A_343 : memref<8x64xf32, #tpu.memory_space<hbm>>) target(%dma_start3A_341 : memref<8x64xf32, #tpu.memory_space<vmem>>) target_semaphore(%arg8 : memref<!tpu.dma_semaphore, #tpu.memory_space<semaphore_mem>>)
      %mul3A_344 = arith.constant 8 : i32
      %mul3A_345 = arith.muli %shift_right_arithmetic3A_34, %mul3A_344 : i32
      %multiple_of3A_346 = tpu.assume_multiple %mul3A_345, 8 : i32
      %dma_start3A_347 = arith.constant 5 : i32
      %dma_start3A_348 = arith.constant 0 : i32
      %dma_start3A_349 = arith.constant 0 : i32
      %dma_start3A_350 = tpu.memref_slice %arg6[%dma_start3A_347, %dma_start3A_348, %dma_start3A_349] : memref<16x8x64xf32, #tpu.memory_space<vmem>> -> memref<1x8x64xf32, #tpu.memory_space<vmem>>
      %dma_start3A_351 = tpu.memref_squeeze %dma_start3A_350 : memref<1x8x64xf32, #tpu.memory_space<vmem>> -> memref<8x64xf32, #tpu.memory_space<vmem>>
      %dma_start3A_352 = arith.constant 0 : i32
      %dma_start3A_353 = tpu.memref_slice %arg3[%multiple_of3A_346, %dma_start3A_352] : memref<1100001x64xf32, #tpu.memory_space<hbm>> -> memref<8x64xf32, #tpu.memory_space<hbm>>
      %dma_start3A_354 = arith.constant 0 : i32
      %dma_start3A_355 = arith.constant 0 : i32
      %dma_start3A_356 = tpu.memref_slice %arg6[%dma_start3A_347, %dma_start3A_354, %dma_start3A_355] : memref<16x8x64xf32, #tpu.memory_space<vmem>> -> memref<1x8x64xf32, #tpu.memory_space<vmem>>
      %dma_start3A_357 = tpu.memref_squeeze %dma_start3A_356 : memref<1x8x64xf32, #tpu.memory_space<vmem>> -> memref<8x64xf32, #tpu.memory_space<vmem>>
      %dma_start3A_358 = arith.constant 0 : i32
      %dma_start3A_359 = tpu.memref_slice %arg3[%multiple_of3A_346, %dma_start3A_358] : memref<1100001x64xf32, #tpu.memory_space<hbm>> -> memref<8x64xf32, #tpu.memory_space<hbm>>
      tpu.enqueue_dma source(%dma_start3A_359 : memref<8x64xf32, #tpu.memory_space<hbm>>) target(%dma_start3A_357 : memref<8x64xf32, #tpu.memory_space<vmem>>) target_semaphore(%arg8 : memref<!tpu.dma_semaphore, #tpu.memory_space<semaphore_mem>>)
      %mul3A_360 = arith.constant 8 : i32
      %mul3A_361 = arith.muli %shift_right_arithmetic3A_38, %mul3A_360 : i32
      %multiple_of3A_362 = tpu.assume_multiple %mul3A_361, 8 : i32
      %dma_start3A_363 = arith.constant 6 : i32
      %dma_start3A_364 = arith.constant 0 : i32
      %dma_start3A_365 = arith.constant 0 : i32
      %dma_start3A_366 = tpu.memref_slice %arg6[%dma_start3A_363, %dma_start3A_364, %dma_start3A_365] : memref<16x8x64xf32, #tpu.memory_space<vmem>> -> memref<1x8x64xf32, #tpu.memory_space<vmem>>
      %dma_start3A_367 = tpu.memref_squeeze %dma_start3A_366 : memref<1x8x64xf32, #tpu.memory_space<vmem>> -> memref<8x64xf32, #tpu.memory_space<vmem>>
      %dma_start3A_368 = arith.constant 0 : i32
      %dma_start3A_369 = tpu.memref_slice %arg3[%multiple_of3A_362, %dma_start3A_368] : memref<1100001x64xf32, #tpu.memory_space<hbm>> -> memref<8x64xf32, #tpu.memory_space<hbm>>
      %dma_start3A_370 = arith.constant 0 : i32
      %dma_start3A_371 = arith.constant 0 : i32
      %dma_start3A_372 = tpu.memref_slice %arg6[%dma_start3A_363, %dma_start3A_370, %dma_start3A_371] : memref<16x8x64xf32, #tpu.memory_space<vmem>> -> memref<1x8x64xf32, #tpu.memory_space<vmem>>
      %dma_start3A_373 = tpu.memref_squeeze %dma_start3A_372 : memref<1x8x64xf32, #tpu.memory_space<vmem>> -> memref<8x64xf32, #tpu.memory_space<vmem>>
      %dma_start3A_374 = arith.constant 0 : i32
      %dma_start3A_375 = tpu.memref_slice %arg3[%multiple_of3A_362, %dma_start3A_374] : memref<1100001x64xf32, #tpu.memory_space<hbm>> -> memref<8x64xf32, #tpu.memory_space<hbm>>
      tpu.enqueue_dma source(%dma_start3A_375 : memref<8x64xf32, #tpu.memory_space<hbm>>) target(%dma_start3A_373 : memref<8x64xf32, #tpu.memory_space<vmem>>) target_semaphore(%arg8 : memref<!tpu.dma_semaphore, #tpu.memory_space<semaphore_mem>>)
      %mul3A_376 = arith.constant 8 : i32
      %mul3A_377 = arith.muli %shift_right_arithmetic3A_42, %mul3A_376 : i32
      %multiple_of3A_378 = tpu.assume_multiple %mul3A_377, 8 : i32
      %dma_start3A_379 = arith.constant 7 : i32
      %dma_start3A_380 = arith.constant 0 : i32
      %dma_start3A_381 = arith.constant 0 : i32
      %dma_start3A_382 = tpu.memref_slice %arg6[%dma_start3A_379, %dma_start3A_380, %dma_start3A_381] : memref<16x8x64xf32, #tpu.memory_space<vmem>> -> memref<1x8x64xf32, #tpu.memory_space<vmem>>
      %dma_start3A_383 = tpu.memref_squeeze %dma_start3A_382 : memref<1x8x64xf32, #tpu.memory_space<vmem>> -> memref<8x64xf32, #tpu.memory_space<vmem>>
      %dma_start3A_384 = arith.constant 0 : i32
      %dma_start3A_385 = tpu.memref_slice %arg3[%multiple_of3A_378, %dma_start3A_384] : memref<1100001x64xf32, #tpu.memory_space<hbm>> -> memref<8x64xf32, #tpu.memory_space<hbm>>
      %dma_start3A_386 = arith.constant 0 : i32
      %dma_start3A_387 = arith.constant 0 : i32
      %dma_start3A_388 = tpu.memref_slice %arg6[%dma_start3A_379, %dma_start3A_386, %dma_start3A_387] : memref<16x8x64xf32, #tpu.memory_space<vmem>> -> memref<1x8x64xf32, #tpu.memory_space<vmem>>
      %dma_start3A_389 = tpu.memref_squeeze %dma_start3A_388 : memref<1x8x64xf32, #tpu.memory_space<vmem>> -> memref<8x64xf32, #tpu.memory_space<vmem>>
      %dma_start3A_390 = arith.constant 0 : i32
      %dma_start3A_391 = tpu.memref_slice %arg3[%multiple_of3A_378, %dma_start3A_390] : memref<1100001x64xf32, #tpu.memory_space<hbm>> -> memref<8x64xf32, #tpu.memory_space<hbm>>
      tpu.enqueue_dma source(%dma_start3A_391 : memref<8x64xf32, #tpu.memory_space<hbm>>) target(%dma_start3A_389 : memref<8x64xf32, #tpu.memory_space<vmem>>) target_semaphore(%arg8 : memref<!tpu.dma_semaphore, #tpu.memory_space<semaphore_mem>>)
      %mul3A_392 = arith.constant 8 : i32
      %mul3A_393 = arith.muli %shift_right_arithmetic3A_46, %mul3A_392 : i32
      %multiple_of3A_394 = tpu.assume_multiple %mul3A_393, 8 : i32
      %dma_start3A_395 = arith.constant 8 : i32
      %dma_start3A_396 = arith.constant 0 : i32
      %dma_start3A_397 = arith.constant 0 : i32
      %dma_start3A_398 = tpu.memref_slice %arg6[%dma_start3A_395, %dma_start3A_396, %dma_start3A_397] : memref<16x8x64xf32, #tpu.memory_space<vmem>> -> memref<1x8x64xf32, #tpu.memory_space<vmem>>
      %dma_start3A_399 = tpu.memref_squeeze %dma_start3A_398 : memref<1x8x64xf32, #tpu.memory_space<vmem>> -> memref<8x64xf32, #tpu.memory_space<vmem>>
      %dma_start3A_400 = arith.constant 0 : i32
      %dma_start3A_401 = tpu.memref_slice %arg3[%multiple_of3A_394, %dma_start3A_400] : memref<1100001x64xf32, #tpu.memory_space<hbm>> -> memref<8x64xf32, #tpu.memory_space<hbm>>
      %dma_start3A_402 = arith.constant 0 : i32
      %dma_start3A_403 = arith.constant 0 : i32
      %dma_start3A_404 = tpu.memref_slice %arg6[%dma_start3A_395, %dma_start3A_402, %dma_start3A_403] : memref<16x8x64xf32, #tpu.memory_space<vmem>> -> memref<1x8x64xf32, #tpu.memory_space<vmem>>
      %dma_start3A_405 = tpu.memref_squeeze %dma_start3A_404 : memref<1x8x64xf32, #tpu.memory_space<vmem>> -> memref<8x64xf32, #tpu.memory_space<vmem>>
      %dma_start3A_406 = arith.constant 0 : i32
      %dma_start3A_407 = tpu.memref_slice %arg3[%multiple_of3A_394, %dma_start3A_406] : memref<1100001x64xf32, #tpu.memory_space<hbm>> -> memref<8x64xf32, #tpu.memory_space<hbm>>
      tpu.enqueue_dma source(%dma_start3A_407 : memref<8x64xf32, #tpu.memory_space<hbm>>) target(%dma_start3A_405 : memref<8x64xf32, #tpu.memory_space<vmem>>) target_semaphore(%arg9 : memref<!tpu.dma_semaphore, #tpu.memory_space<semaphore_mem>>)
      %mul3A_408 = arith.constant 8 : i32
      %mul3A_409 = arith.muli %shift_right_arithmetic3A_50, %mul3A_408 : i32
      %multiple_of3A_410 = tpu.assume_multiple %mul3A_409, 8 : i32
      %dma_start3A_411 = arith.constant 9 : i32
      %dma_start3A_412 = arith.constant 0 : i32
      %dma_start3A_413 = arith.constant 0 : i32
      %dma_start3A_414 = tpu.memref_slice %arg6[%dma_start3A_411, %dma_start3A_412, %dma_start3A_413] : memref<16x8x64xf32, #tpu.memory_space<vmem>> -> memref<1x8x64xf32, #tpu.memory_space<vmem>>
      %dma_start3A_415 = tpu.memref_squeeze %dma_start3A_414 : memref<1x8x64xf32, #tpu.memory_space<vmem>> -> memref<8x64xf32, #tpu.memory_space<vmem>>
      %dma_start3A_416 = arith.constant 0 : i32
      %dma_start3A_417 = tpu.memref_slice %arg3[%multiple_of3A_410, %dma_start3A_416] : memref<1100001x64xf32, #tpu.memory_space<hbm>> -> memref<8x64xf32, #tpu.memory_space<hbm>>
      %dma_start3A_418 = arith.constant 0 : i32
      %dma_start3A_419 = arith.constant 0 : i32
      %dma_start3A_420 = tpu.memref_slice %arg6[%dma_start3A_411, %dma_start3A_418, %dma_start3A_419] : memref<16x8x64xf32, #tpu.memory_space<vmem>> -> memref<1x8x64xf32, #tpu.memory_space<vmem>>
      %dma_start3A_421 = tpu.memref_squeeze %dma_start3A_420 : memref<1x8x64xf32, #tpu.memory_space<vmem>> -> memref<8x64xf32, #tpu.memory_space<vmem>>
      %dma_start3A_422 = arith.constant 0 : i32
      %dma_start3A_423 = tpu.memref_slice %arg3[%multiple_of3A_410, %dma_start3A_422] : memref<1100001x64xf32, #tpu.memory_space<hbm>> -> memref<8x64xf32, #tpu.memory_space<hbm>>
      tpu.enqueue_dma source(%dma_start3A_423 : memref<8x64xf32, #tpu.memory_space<hbm>>) target(%dma_start3A_421 : memref<8x64xf32, #tpu.memory_space<vmem>>) target_semaphore(%arg9 : memref<!tpu.dma_semaphore, #tpu.memory_space<semaphore_mem>>)
      %mul3A_424 = arith.constant 8 : i32
      %mul3A_425 = arith.muli %shift_right_arithmetic3A_54, %mul3A_424 : i32
      %multiple_of3A_426 = tpu.assume_multiple %mul3A_425, 8 : i32
      %dma_start3A_427 = arith.constant 10 : i32
      %dma_start3A_428 = arith.constant 0 : i32
      %dma_start3A_429 = arith.constant 0 : i32
      %dma_start3A_430 = tpu.memref_slice %arg6[%dma_start3A_427, %dma_start3A_428, %dma_start3A_429] : memref<16x8x64xf32, #tpu.memory_space<vmem>> -> memref<1x8x64xf32, #tpu.memory_space<vmem>>
      %dma_start3A_431 = tpu.memref_squeeze %dma_start3A_430 : memref<1x8x64xf32, #tpu.memory_space<vmem>> -> memref<8x64xf32, #tpu.memory_space<vmem>>
      %dma_start3A_432 = arith.constant 0 : i32
      %dma_start3A_433 = tpu.memref_slice %arg3[%multiple_of3A_426, %dma_start3A_432] : memref<1100001x64xf32, #tpu.memory_space<hbm>> -> memref<8x64xf32, #tpu.memory_space<hbm>>
      %dma_start3A_434 = arith.constant 0 : i32
      %dma_start3A_435 = arith.constant 0 : i32
      %dma_start3A_436 = tpu.memref_slice %arg6[%dma_start3A_427, %dma_start3A_434, %dma_start3A_435] : memref<16x8x64xf32, #tpu.memory_space<vmem>> -> memref<1x8x64xf32, #tpu.memory_space<vmem>>
      %dma_start3A_437 = tpu.memref_squeeze %dma_start3A_436 : memref<1x8x64xf32, #tpu.memory_space<vmem>> -> memref<8x64xf32, #tpu.memory_space<vmem>>
      %dma_start3A_438 = arith.constant 0 : i32
      %dma_start3A_439 = tpu.memref_slice %arg3[%multiple_of3A_426, %dma_start3A_438] : memref<1100001x64xf32, #tpu.memory_space<hbm>> -> memref<8x64xf32, #tpu.memory_space<hbm>>
      tpu.enqueue_dma source(%dma_start3A_439 : memref<8x64xf32, #tpu.memory_space<hbm>>) target(%dma_start3A_437 : memref<8x64xf32, #tpu.memory_space<vmem>>) target_semaphore(%arg9 : memref<!tpu.dma_semaphore, #tpu.memory_space<semaphore_mem>>)
      %mul3A_440 = arith.constant 8 : i32
      %mul3A_441 = arith.muli %shift_right_arithmetic3A_58, %mul3A_440 : i32
      %multiple_of3A_442 = tpu.assume_multiple %mul3A_441, 8 : i32
      %dma_start3A_443 = arith.constant 11 : i32
      %dma_start3A_444 = arith.constant 0 : i32
      %dma_start3A_445 = arith.constant 0 : i32
      %dma_start3A_446 = tpu.memref_slice %arg6[%dma_start3A_443, %dma_start3A_444, %dma_start3A_445] : memref<16x8x64xf32, #tpu.memory_space<vmem>> -> memref<1x8x64xf32, #tpu.memory_space<vmem>>
      %dma_start3A_447 = tpu.memref_squeeze %dma_start3A_446 : memref<1x8x64xf32, #tpu.memory_space<vmem>> -> memref<8x64xf32, #tpu.memory_space<vmem>>
      %dma_start3A_448 = arith.constant 0 : i32
      %dma_start3A_449 = tpu.memref_slice %arg3[%multiple_of3A_442, %dma_start3A_448] : memref<1100001x64xf32, #tpu.memory_space<hbm>> -> memref<8x64xf32, #tpu.memory_space<hbm>>
      %dma_start3A_450 = arith.constant 0 : i32
      %dma_start3A_451 = arith.constant 0 : i32
      %dma_start3A_452 = tpu.memref_slice %arg6[%dma_start3A_443, %dma_start3A_450, %dma_start3A_451] : memref<16x8x64xf32, #tpu.memory_space<vmem>> -> memref<1x8x64xf32, #tpu.memory_space<vmem>>
      %dma_start3A_453 = tpu.memref_squeeze %dma_start3A_452 : memref<1x8x64xf32, #tpu.memory_space<vmem>> -> memref<8x64xf32, #tpu.memory_space<vmem>>
      %dma_start3A_454 = arith.constant 0 : i32
      %dma_start3A_455 = tpu.memref_slice %arg3[%multiple_of3A_442, %dma_start3A_454] : memref<1100001x64xf32, #tpu.memory_space<hbm>> -> memref<8x64xf32, #tpu.memory_space<hbm>>
      tpu.enqueue_dma source(%dma_start3A_455 : memref<8x64xf32, #tpu.memory_space<hbm>>) target(%dma_start3A_453 : memref<8x64xf32, #tpu.memory_space<vmem>>) target_semaphore(%arg9 : memref<!tpu.dma_semaphore, #tpu.memory_space<semaphore_mem>>)
      %mul3A_456 = arith.constant 8 : i32
      %mul3A_457 = arith.muli %shift_right_arithmetic3A_62, %mul3A_456 : i32
      %multiple_of3A_458 = tpu.assume_multiple %mul3A_457, 8 : i32
      %dma_start3A_459 = arith.constant 12 : i32
      %dma_start3A_460 = arith.constant 0 : i32
      %dma_start3A_461 = arith.constant 0 : i32
      %dma_start3A_462 = tpu.memref_slice %arg6[%dma_start3A_459, %dma_start3A_460, %dma_start3A_461] : memref<16x8x64xf32, #tpu.memory_space<vmem>> -> memref<1x8x64xf32, #tpu.memory_space<vmem>>
      %dma_start3A_463 = tpu.memref_squeeze %dma_start3A_462 : memref<1x8x64xf32, #tpu.memory_space<vmem>> -> memref<8x64xf32, #tpu.memory_space<vmem>>
      %dma_start3A_464 = arith.constant 0 : i32
      %dma_start3A_465 = tpu.memref_slice %arg3[%multiple_of3A_458, %dma_start3A_464] : memref<1100001x64xf32, #tpu.memory_space<hbm>> -> memref<8x64xf32, #tpu.memory_space<hbm>>
      %dma_start3A_466 = arith.constant 0 : i32
      %dma_start3A_467 = arith.constant 0 : i32
      %dma_start3A_468 = tpu.memref_slice %arg6[%dma_start3A_459, %dma_start3A_466, %dma_start3A_467] : memref<16x8x64xf32, #tpu.memory_space<vmem>> -> memref<1x8x64xf32, #tpu.memory_space<vmem>>
      %dma_start3A_469 = tpu.memref_squeeze %dma_start3A_468 : memref<1x8x64xf32, #tpu.memory_space<vmem>> -> memref<8x64xf32, #tpu.memory_space<vmem>>
      %dma_start3A_470 = arith.constant 0 : i32
      %dma_start3A_471 = tpu.memref_slice %arg3[%multiple_of3A_458, %dma_start3A_470] : memref<1100001x64xf32, #tpu.memory_space<hbm>> -> memref<8x64xf32, #tpu.memory_space<hbm>>
      tpu.enqueue_dma source(%dma_start3A_471 : memref<8x64xf32, #tpu.memory_space<hbm>>) target(%dma_start3A_469 : memref<8x64xf32, #tpu.memory_space<vmem>>) target_semaphore(%arg9 : memref<!tpu.dma_semaphore, #tpu.memory_space<semaphore_mem>>)
      %mul3A_472 = arith.constant 8 : i32
      %mul3A_473 = arith.muli %shift_right_arithmetic3A_66, %mul3A_472 : i32
      %multiple_of3A_474 = tpu.assume_multiple %mul3A_473, 8 : i32
      %dma_start3A_475 = arith.constant 13 : i32
      %dma_start3A_476 = arith.constant 0 : i32
      %dma_start3A_477 = arith.constant 0 : i32
      %dma_start3A_478 = tpu.memref_slice %arg6[%dma_start3A_475, %dma_start3A_476, %dma_start3A_477] : memref<16x8x64xf32, #tpu.memory_space<vmem>> -> memref<1x8x64xf32, #tpu.memory_space<vmem>>
      %dma_start3A_479 = tpu.memref_squeeze %dma_start3A_478 : memref<1x8x64xf32, #tpu.memory_space<vmem>> -> memref<8x64xf32, #tpu.memory_space<vmem>>
      %dma_start3A_480 = arith.constant 0 : i32
      %dma_start3A_481 = tpu.memref_slice %arg3[%multiple_of3A_474, %dma_start3A_480] : memref<1100001x64xf32, #tpu.memory_space<hbm>> -> memref<8x64xf32, #tpu.memory_space<hbm>>
      %dma_start3A_482 = arith.constant 0 : i32
      %dma_start3A_483 = arith.constant 0 : i32
      %dma_start3A_484 = tpu.memref_slice %arg6[%dma_start3A_475, %dma_start3A_482, %dma_start3A_483] : memref<16x8x64xf32, #tpu.memory_space<vmem>> -> memref<1x8x64xf32, #tpu.memory_space<vmem>>
      %dma_start3A_485 = tpu.memref_squeeze %dma_start3A_484 : memref<1x8x64xf32, #tpu.memory_space<vmem>> -> memref<8x64xf32, #tpu.memory_space<vmem>>
      %dma_start3A_486 = arith.constant 0 : i32
      %dma_start3A_487 = tpu.memref_slice %arg3[%multiple_of3A_474, %dma_start3A_486] : memref<1100001x64xf32, #tpu.memory_space<hbm>> -> memref<8x64xf32, #tpu.memory_space<hbm>>
      tpu.enqueue_dma source(%dma_start3A_487 : memref<8x64xf32, #tpu.memory_space<hbm>>) target(%dma_start3A_485 : memref<8x64xf32, #tpu.memory_space<vmem>>) target_semaphore(%arg9 : memref<!tpu.dma_semaphore, #tpu.memory_space<semaphore_mem>>)
      %mul3A_488 = arith.constant 8 : i32
      %mul3A_489 = arith.muli %shift_right_arithmetic3A_70, %mul3A_488 : i32
      %multiple_of3A_490 = tpu.assume_multiple %mul3A_489, 8 : i32
      %dma_start3A_491 = arith.constant 14 : i32
      %dma_start3A_492 = arith.constant 0 : i32
      %dma_start3A_493 = arith.constant 0 : i32
      %dma_start3A_494 = tpu.memref_slice %arg6[%dma_start3A_491, %dma_start3A_492, %dma_start3A_493] : memref<16x8x64xf32, #tpu.memory_space<vmem>> -> memref<1x8x64xf32, #tpu.memory_space<vmem>>
      %dma_start3A_495 = tpu.memref_squeeze %dma_start3A_494 : memref<1x8x64xf32, #tpu.memory_space<vmem>> -> memref<8x64xf32, #tpu.memory_space<vmem>>
      %dma_start3A_496 = arith.constant 0 : i32
      %dma_start3A_497 = tpu.memref_slice %arg3[%multiple_of3A_490, %dma_start3A_496] : memref<1100001x64xf32, #tpu.memory_space<hbm>> -> memref<8x64xf32, #tpu.memory_space<hbm>>
      %dma_start3A_498 = arith.constant 0 : i32
      %dma_start3A_499 = arith.constant 0 : i32
      %dma_start3A_500 = tpu.memref_slice %arg6[%dma_start3A_491, %dma_start3A_498, %dma_start3A_499] : memref<16x8x64xf32, #tpu.memory_space<vmem>> -> memref<1x8x64xf32, #tpu.memory_space<vmem>>
      %dma_start3A_501 = tpu.memref_squeeze %dma_start3A_500 : memref<1x8x64xf32, #tpu.memory_space<vmem>> -> memref<8x64xf32, #tpu.memory_space<vmem>>
      %dma_start3A_502 = arith.constant 0 : i32
      %dma_start3A_503 = tpu.memref_slice %arg3[%multiple_of3A_490, %dma_start3A_502] : memref<1100001x64xf32, #tpu.memory_space<hbm>> -> memref<8x64xf32, #tpu.memory_space<hbm>>
      tpu.enqueue_dma source(%dma_start3A_503 : memref<8x64xf32, #tpu.memory_space<hbm>>) target(%dma_start3A_501 : memref<8x64xf32, #tpu.memory_space<vmem>>) target_semaphore(%arg9 : memref<!tpu.dma_semaphore, #tpu.memory_space<semaphore_mem>>)
      %mul3A_504 = arith.constant 8 : i32
      %mul3A_505 = arith.muli %shift_right_arithmetic3A_74, %mul3A_504 : i32
      %multiple_of3A_506 = tpu.assume_multiple %mul3A_505, 8 : i32
      %dma_start3A_507 = arith.constant 15 : i32
      %dma_start3A_508 = arith.constant 0 : i32
      %dma_start3A_509 = arith.constant 0 : i32
      %dma_start3A_510 = tpu.memref_slice %arg6[%dma_start3A_507, %dma_start3A_508, %dma_start3A_509] : memref<16x8x64xf32, #tpu.memory_space<vmem>> -> memref<1x8x64xf32, #tpu.memory_space<vmem>>
      %dma_start3A_511 = tpu.memref_squeeze %dma_start3A_510 : memref<1x8x64xf32, #tpu.memory_space<vmem>> -> memref<8x64xf32, #tpu.memory_space<vmem>>
      %dma_start3A_512 = arith.constant 0 : i32
      %dma_start3A_513 = tpu.memref_slice %arg3[%multiple_of3A_506, %dma_start3A_512] : memref<1100001x64xf32, #tpu.memory_space<hbm>> -> memref<8x64xf32, #tpu.memory_space<hbm>>
      %dma_start3A_514 = arith.constant 0 : i32
      %dma_start3A_515 = arith.constant 0 : i32
      %dma_start3A_516 = tpu.memref_slice %arg6[%dma_start3A_507, %dma_start3A_514, %dma_start3A_515] : memref<16x8x64xf32, #tpu.memory_space<vmem>> -> memref<1x8x64xf32, #tpu.memory_space<vmem>>
      %dma_start3A_517 = tpu.memref_squeeze %dma_start3A_516 : memref<1x8x64xf32, #tpu.memory_space<vmem>> -> memref<8x64xf32, #tpu.memory_space<vmem>>
      %dma_start3A_518 = arith.constant 0 : i32
      %dma_start3A_519 = tpu.memref_slice %arg3[%multiple_of3A_506, %dma_start3A_518] : memref<1100001x64xf32, #tpu.memory_space<hbm>> -> memref<8x64xf32, #tpu.memory_space<hbm>>
      tpu.enqueue_dma source(%dma_start3A_519 : memref<8x64xf32, #tpu.memory_space<hbm>>) target(%dma_start3A_517 : memref<8x64xf32, #tpu.memory_space<vmem>>) target_semaphore(%arg9 : memref<!tpu.dma_semaphore, #tpu.memory_space<semaphore_mem>>)
      %dma_wait3A = arith.constant 0 : i32
      %dma_wait3A_520 = arith.constant 0 : i32
      %dma_wait3A_521 = arith.constant 0 : i32
      %dma_wait3A_522 = tpu.memref_slice %arg6[%dma_wait3A, %dma_wait3A_520, %dma_wait3A_521] : memref<16x8x64xf32, #tpu.memory_space<vmem>> -> memref<1x8x64xf32, #tpu.memory_space<vmem>>
      %dma_wait3A_523 = tpu.memref_squeeze %dma_wait3A_522 : memref<1x8x64xf32, #tpu.memory_space<vmem>> -> memref<8x64xf32, #tpu.memory_space<vmem>>
      %dma_wait3A_524 = arith.constant 0 : i32
      %dma_wait3A_525 = arith.constant 0 : i32
      %dma_wait3A_526 = tpu.memref_slice %arg3[%dma_wait3A_524, %dma_wait3A_525] : memref<1100001x64xf32, #tpu.memory_space<hbm>> -> memref<8x64xf32, #tpu.memory_space<hbm>>
      %dma_wait3A_527 = arith.constant 0 : i32
      %dma_wait3A_528 = arith.constant 0 : i32
      %dma_wait3A_529 = tpu.memref_slice %arg6[%dma_wait3A, %dma_wait3A_527, %dma_wait3A_528] : memref<16x8x64xf32, #tpu.memory_space<vmem>> -> memref<1x8x64xf32, #tpu.memory_space<vmem>>
      %dma_wait3A_530 = tpu.memref_squeeze %dma_wait3A_529 : memref<1x8x64xf32, #tpu.memory_space<vmem>> -> memref<8x64xf32, #tpu.memory_space<vmem>>
      %dma_wait3A_531 = arith.constant 0 : i32
      %dma_wait3A_532 = arith.constant 0 : i32
      %dma_wait3A_533 = tpu.memref_slice %arg3[%dma_wait3A_531, %dma_wait3A_532] : memref<1100001x64xf32, #tpu.memory_space<hbm>> -> memref<8x64xf32, #tpu.memory_space<hbm>>
      tpu.wait_dma2 semaphore(%arg8 : memref<!tpu.dma_semaphore, #tpu.memory_space<semaphore_mem>>) src(%dma_wait3A_533 : memref<8x64xf32, #tpu.memory_space<hbm>>) dst(%dma_wait3A_530 : memref<8x64xf32, #tpu.memory_space<vmem>>)
      %dma_wait3A_534 = arith.constant 0 : i32
      %dma_wait3A_535 = arith.constant 0 : i32
      %dma_wait3A_536 = arith.constant 0 : i32
      %dma_wait3A_537 = tpu.memref_slice %arg6[%dma_wait3A_534, %dma_wait3A_535, %dma_wait3A_536] : memref<16x8x64xf32, #tpu.memory_space<vmem>> -> memref<1x8x64xf32, #tpu.memory_space<vmem>>
      %dma_wait3A_538 = tpu.memref_squeeze %dma_wait3A_537 : memref<1x8x64xf32, #tpu.memory_space<vmem>> -> memref<8x64xf32, #tpu.memory_space<vmem>>
      %dma_wait3A_539 = arith.constant 0 : i32
      %dma_wait3A_540 = arith.constant 0 : i32
      %dma_wait3A_541 = tpu.memref_slice %arg3[%dma_wait3A_539, %dma_wait3A_540] : memref<1100001x64xf32, #tpu.memory_space<hbm>> -> memref<8x64xf32, #tpu.memory_space<hbm>>
      %dma_wait3A_542 = arith.constant 0 : i32
      %dma_wait3A_543 = arith.constant 0 : i32
      %dma_wait3A_544 = tpu.memref_slice %arg6[%dma_wait3A_534, %dma_wait3A_542, %dma_wait3A_543] : memref<16x8x64xf32, #tpu.memory_space<vmem>> -> memref<1x8x64xf32, #tpu.memory_space<vmem>>
      %dma_wait3A_545 = tpu.memref_squeeze %dma_wait3A_544 : memref<1x8x64xf32, #tpu.memory_space<vmem>> -> memref<8x64xf32, #tpu.memory_space<vmem>>
      %dma_wait3A_546 = arith.constant 0 : i32
      %dma_wait3A_547 = arith.constant 0 : i32
      %dma_wait3A_548 = tpu.memref_slice %arg3[%dma_wait3A_546, %dma_wait3A_547] : memref<1100001x64xf32, #tpu.memory_space<hbm>> -> memref<8x64xf32, #tpu.memory_space<hbm>>
      tpu.wait_dma2 semaphore(%arg8 : memref<!tpu.dma_semaphore, #tpu.memory_space<semaphore_mem>>) src(%dma_wait3A_548 : memref<8x64xf32, #tpu.memory_space<hbm>>) dst(%dma_wait3A_545 : memref<8x64xf32, #tpu.memory_space<vmem>>)
      %dma_wait3A_549 = arith.constant 0 : i32
      %dma_wait3A_550 = arith.constant 0 : i32
      %dma_wait3A_551 = arith.constant 0 : i32
      %dma_wait3A_552 = tpu.memref_slice %arg6[%dma_wait3A_549, %dma_wait3A_550, %dma_wait3A_551] : memref<16x8x64xf32, #tpu.memory_space<vmem>> -> memref<1x8x64xf32, #tpu.memory_space<vmem>>
      %dma_wait3A_553 = tpu.memref_squeeze %dma_wait3A_552 : memref<1x8x64xf32, #tpu.memory_space<vmem>> -> memref<8x64xf32, #tpu.memory_space<vmem>>
      %dma_wait3A_554 = arith.constant 0 : i32
      %dma_wait3A_555 = arith.constant 0 : i32
      %dma_wait3A_556 = tpu.memref_slice %arg3[%dma_wait3A_554, %dma_wait3A_555] : memref<1100001x64xf32, #tpu.memory_space<hbm>> -> memref<8x64xf32, #tpu.memory_space<hbm>>
      %dma_wait3A_557 = arith.constant 0 : i32
      %dma_wait3A_558 = arith.constant 0 : i32
      %dma_wait3A_559 = tpu.memref_slice %arg6[%dma_wait3A_549, %dma_wait3A_557, %dma_wait3A_558] : memref<16x8x64xf32, #tpu.memory_space<vmem>> -> memref<1x8x64xf32, #tpu.memory_space<vmem>>
      %dma_wait3A_560 = tpu.memref_squeeze %dma_wait3A_559 : memref<1x8x64xf32, #tpu.memory_space<vmem>> -> memref<8x64xf32, #tpu.memory_space<vmem>>
      %dma_wait3A_561 = arith.constant 0 : i32
      %dma_wait3A_562 = arith.constant 0 : i32
      %dma_wait3A_563 = tpu.memref_slice %arg3[%dma_wait3A_561, %dma_wait3A_562] : memref<1100001x64xf32, #tpu.memory_space<hbm>> -> memref<8x64xf32, #tpu.memory_space<hbm>>
      tpu.wait_dma2 semaphore(%arg8 : memref<!tpu.dma_semaphore, #tpu.memory_space<semaphore_mem>>) src(%dma_wait3A_563 : memref<8x64xf32, #tpu.memory_space<hbm>>) dst(%dma_wait3A_560 : memref<8x64xf32, #tpu.memory_space<vmem>>)
      %dma_wait3A_564 = arith.constant 0 : i32
      %dma_wait3A_565 = arith.constant 0 : i32
      %dma_wait3A_566 = arith.constant 0 : i32
      %dma_wait3A_567 = tpu.memref_slice %arg6[%dma_wait3A_564, %dma_wait3A_565, %dma_wait3A_566] : memref<16x8x64xf32, #tpu.memory_space<vmem>> -> memref<1x8x64xf32, #tpu.memory_space<vmem>>
      %dma_wait3A_568 = tpu.memref_squeeze %dma_wait3A_567 : memref<1x8x64xf32, #tpu.memory_space<vmem>> -> memref<8x64xf32, #tpu.memory_space<vmem>>
      %dma_wait3A_569 = arith.constant 0 : i32
      %dma_wait3A_570 = arith.constant 0 : i32
      %dma_wait3A_571 = tpu.memref_slice %arg3[%dma_wait3A_569, %dma_wait3A_570] : memref<1100001x64xf32, #tpu.memory_space<hbm>> -> memref<8x64xf32, #tpu.memory_space<hbm>>
      %dma_wait3A_572 = arith.constant 0 : i32
      %dma_wait3A_573 = arith.constant 0 : i32
      %dma_wait3A_574 = tpu.memref_slice %arg6[%dma_wait3A_564, %dma_wait3A_572, %dma_wait3A_573] : memref<16x8x64xf32, #tpu.memory_space<vmem>> -> memref<1x8x64xf32, #tpu.memory_space<vmem>>
      %dma_wait3A_575 = tpu.memref_squeeze %dma_wait3A_574 : memref<1x8x64xf32, #tpu.memory_space<vmem>> -> memref<8x64xf32, #tpu.memory_space<vmem>>
      %dma_wait3A_576 = arith.constant 0 : i32
      %dma_wait3A_577 = arith.constant 0 : i32
      %dma_wait3A_578 = tpu.memref_slice %arg3[%dma_wait3A_576, %dma_wait3A_577] : memref<1100001x64xf32, #tpu.memory_space<hbm>> -> memref<8x64xf32, #tpu.memory_space<hbm>>
      tpu.wait_dma2 semaphore(%arg8 : memref<!tpu.dma_semaphore, #tpu.memory_space<semaphore_mem>>) src(%dma_wait3A_578 : memref<8x64xf32, #tpu.memory_space<hbm>>) dst(%dma_wait3A_575 : memref<8x64xf32, #tpu.memory_space<vmem>>)
      %dma_wait3A_579 = arith.constant 0 : i32
      %dma_wait3A_580 = arith.constant 0 : i32
      %dma_wait3A_581 = arith.constant 0 : i32
      %dma_wait3A_582 = tpu.memref_slice %arg6[%dma_wait3A_579, %dma_wait3A_580, %dma_wait3A_581] : memref<16x8x64xf32, #tpu.memory_space<vmem>> -> memref<1x8x64xf32, #tpu.memory_space<vmem>>
      %dma_wait3A_583 = tpu.memref_squeeze %dma_wait3A_582 : memref<1x8x64xf32, #tpu.memory_space<vmem>> -> memref<8x64xf32, #tpu.memory_space<vmem>>
      %dma_wait3A_584 = arith.constant 0 : i32
      %dma_wait3A_585 = arith.constant 0 : i32
      %dma_wait3A_586 = tpu.memref_slice %arg3[%dma_wait3A_584, %dma_wait3A_585] : memref<1100001x64xf32, #tpu.memory_space<hbm>> -> memref<8x64xf32, #tpu.memory_space<hbm>>
      %dma_wait3A_587 = arith.constant 0 : i32
      %dma_wait3A_588 = arith.constant 0 : i32
      %dma_wait3A_589 = tpu.memref_slice %arg6[%dma_wait3A_579, %dma_wait3A_587, %dma_wait3A_588] : memref<16x8x64xf32, #tpu.memory_space<vmem>> -> memref<1x8x64xf32, #tpu.memory_space<vmem>>
      %dma_wait3A_590 = tpu.memref_squeeze %dma_wait3A_589 : memref<1x8x64xf32, #tpu.memory_space<vmem>> -> memref<8x64xf32, #tpu.memory_space<vmem>>
      %dma_wait3A_591 = arith.constant 0 : i32
      %dma_wait3A_592 = arith.constant 0 : i32
      %dma_wait3A_593 = tpu.memref_slice %arg3[%dma_wait3A_591, %dma_wait3A_592] : memref<1100001x64xf32, #tpu.memory_space<hbm>> -> memref<8x64xf32, #tpu.memory_space<hbm>>
      tpu.wait_dma2 semaphore(%arg8 : memref<!tpu.dma_semaphore, #tpu.memory_space<semaphore_mem>>) src(%dma_wait3A_593 : memref<8x64xf32, #tpu.memory_space<hbm>>) dst(%dma_wait3A_590 : memref<8x64xf32, #tpu.memory_space<vmem>>)
      %dma_wait3A_594 = arith.constant 0 : i32
      %dma_wait3A_595 = arith.constant 0 : i32
      %dma_wait3A_596 = arith.constant 0 : i32
      %dma_wait3A_597 = tpu.memref_slice %arg6[%dma_wait3A_594, %dma_wait3A_595, %dma_wait3A_596] : memref<16x8x64xf32, #tpu.memory_space<vmem>> -> memref<1x8x64xf32, #tpu.memory_space<vmem>>
      %dma_wait3A_598 = tpu.memref_squeeze %dma_wait3A_597 : memref<1x8x64xf32, #tpu.memory_space<vmem>> -> memref<8x64xf32, #tpu.memory_space<vmem>>
      %dma_wait3A_599 = arith.constant 0 : i32
      %dma_wait3A_600 = arith.constant 0 : i32
      %dma_wait3A_601 = tpu.memref_slice %arg3[%dma_wait3A_599, %dma_wait3A_600] : memref<1100001x64xf32, #tpu.memory_space<hbm>> -> memref<8x64xf32, #tpu.memory_space<hbm>>
      %dma_wait3A_602 = arith.constant 0 : i32
      %dma_wait3A_603 = arith.constant 0 : i32
      %dma_wait3A_604 = tpu.memref_slice %arg6[%dma_wait3A_594, %dma_wait3A_602, %dma_wait3A_603] : memref<16x8x64xf32, #tpu.memory_space<vmem>> -> memref<1x8x64xf32, #tpu.memory_space<vmem>>
      %dma_wait3A_605 = tpu.memref_squeeze %dma_wait3A_604 : memref<1x8x64xf32, #tpu.memory_space<vmem>> -> memref<8x64xf32, #tpu.memory_space<vmem>>
      %dma_wait3A_606 = arith.constant 0 : i32
      %dma_wait3A_607 = arith.constant 0 : i32
      %dma_wait3A_608 = tpu.memref_slice %arg3[%dma_wait3A_606, %dma_wait3A_607] : memref<1100001x64xf32, #tpu.memory_space<hbm>> -> memref<8x64xf32, #tpu.memory_space<hbm>>
      tpu.wait_dma2 semaphore(%arg8 : memref<!tpu.dma_semaphore, #tpu.memory_space<semaphore_mem>>) src(%dma_wait3A_608 : memref<8x64xf32, #tpu.memory_space<hbm>>) dst(%dma_wait3A_605 : memref<8x64xf32, #tpu.memory_space<vmem>>)
      %dma_wait3A_609 = arith.constant 0 : i32
      %dma_wait3A_610 = arith.constant 0 : i32
      %dma_wait3A_611 = arith.constant 0 : i32
      %dma_wait3A_612 = tpu.memref_slice %arg6[%dma_wait3A_609, %dma_wait3A_610, %dma_wait3A_611] : memref<16x8x64xf32, #tpu.memory_space<vmem>> -> memref<1x8x64xf32, #tpu.memory_space<vmem>>
      %dma_wait3A_613 = tpu.memref_squeeze %dma_wait3A_612 : memref<1x8x64xf32, #tpu.memory_space<vmem>> -> memref<8x64xf32, #tpu.memory_space<vmem>>
      %dma_wait3A_614 = arith.constant 0 : i32
      %dma_wait3A_615 = arith.constant 0 : i32
      %dma_wait3A_616 = tpu.memref_slice %arg3[%dma_wait3A_614, %dma_wait3A_615] : memref<1100001x64xf32, #tpu.memory_space<hbm>> -> memref<8x64xf32, #tpu.memory_space<hbm>>
      %dma_wait3A_617 = arith.constant 0 : i32
      %dma_wait3A_618 = arith.constant 0 : i32
      %dma_wait3A_619 = tpu.memref_slice %arg6[%dma_wait3A_609, %dma_wait3A_617, %dma_wait3A_618] : memref<16x8x64xf32, #tpu.memory_space<vmem>> -> memref<1x8x64xf32, #tpu.memory_space<vmem>>
      %dma_wait3A_620 = tpu.memref_squeeze %dma_wait3A_619 : memref<1x8x64xf32, #tpu.memory_space<vmem>> -> memref<8x64xf32, #tpu.memory_space<vmem>>
      %dma_wait3A_621 = arith.constant 0 : i32
      %dma_wait3A_622 = arith.constant 0 : i32
      %dma_wait3A_623 = tpu.memref_slice %arg3[%dma_wait3A_621, %dma_wait3A_622] : memref<1100001x64xf32, #tpu.memory_space<hbm>> -> memref<8x64xf32, #tpu.memory_space<hbm>>
      tpu.wait_dma2 semaphore(%arg8 : memref<!tpu.dma_semaphore, #tpu.memory_space<semaphore_mem>>) src(%dma_wait3A_623 : memref<8x64xf32, #tpu.memory_space<hbm>>) dst(%dma_wait3A_620 : memref<8x64xf32, #tpu.memory_space<vmem>>)
      %dma_wait3A_624 = arith.constant 0 : i32
      %dma_wait3A_625 = arith.constant 0 : i32
      %dma_wait3A_626 = arith.constant 0 : i32
      %dma_wait3A_627 = tpu.memref_slice %arg6[%dma_wait3A_624, %dma_wait3A_625, %dma_wait3A_626] : memref<16x8x64xf32, #tpu.memory_space<vmem>> -> memref<1x8x64xf32, #tpu.memory_space<vmem>>
      %dma_wait3A_628 = tpu.memref_squeeze %dma_wait3A_627 : memref<1x8x64xf32, #tpu.memory_space<vmem>> -> memref<8x64xf32, #tpu.memory_space<vmem>>
      %dma_wait3A_629 = arith.constant 0 : i32
      %dma_wait3A_630 = arith.constant 0 : i32
      %dma_wait3A_631 = tpu.memref_slice %arg3[%dma_wait3A_629, %dma_wait3A_630] : memref<1100001x64xf32, #tpu.memory_space<hbm>> -> memref<8x64xf32, #tpu.memory_space<hbm>>
      %dma_wait3A_632 = arith.constant 0 : i32
      %dma_wait3A_633 = arith.constant 0 : i32
      %dma_wait3A_634 = tpu.memref_slice %arg6[%dma_wait3A_624, %dma_wait3A_632, %dma_wait3A_633] : memref<16x8x64xf32, #tpu.memory_space<vmem>> -> memref<1x8x64xf32, #tpu.memory_space<vmem>>
      %dma_wait3A_635 = tpu.memref_squeeze %dma_wait3A_634 : memref<1x8x64xf32, #tpu.memory_space<vmem>> -> memref<8x64xf32, #tpu.memory_space<vmem>>
      %dma_wait3A_636 = arith.constant 0 : i32
      %dma_wait3A_637 = arith.constant 0 : i32
      %dma_wait3A_638 = tpu.memref_slice %arg3[%dma_wait3A_636, %dma_wait3A_637] : memref<1100001x64xf32, #tpu.memory_space<hbm>> -> memref<8x64xf32, #tpu.memory_space<hbm>>
      tpu.wait_dma2 semaphore(%arg8 : memref<!tpu.dma_semaphore, #tpu.memory_space<semaphore_mem>>) src(%dma_wait3A_638 : memref<8x64xf32, #tpu.memory_space<hbm>>) dst(%dma_wait3A_635 : memref<8x64xf32, #tpu.memory_space<vmem>>)
      %mul3A_639 = arith.constant 32 : i32
      %mul3A_640 = arith.muli %scan3A_10, %mul3A_639 : i32
      %add3A_641 = arith.constant 0 : i32
      %add3A_642 = arith.addi %mul3A_640, %add3A_641 : i32
      %get3A_643 = arith.constant 0 : i32
      %get3A_644 = arith.index_cast %get3A_643 : i32 to index
      %get3A_645 = arith.index_cast %and3A_141 : i32 to index
      %get3A_646 = arith.constant 0 : index
      %get3A_647 = tpu.vector_load %arg6[%get3A_644, %get3A_645, %get3A_646] {strides = array<i32>} : memref<16x8x64xf32, #tpu.memory_space<vmem>>, vector<1x1x64xf32>,
      %get3A_648 = vector.shape_cast %get3A_647 : vector<1x1x64xf32> to vector<64xf32>
      %swap3A = arith.index_cast %add3A_642 : i32 to index
      %swap3A_649 = arith.constant 0 : index
      %swap3A_650 = tpu.vector_load %arg7[%swap3A, %swap3A_649] {strides = array<i32>} : memref<512x64xf32, #tpu.memory_space<vmem>>, vector<1x64xf32>,
      %swap3A_651 = vector.shape_cast %swap3A_650 : vector<1x64xf32> to vector<64xf32>
      %swap3A_652 = vector.shape_cast %get3A_648 : vector<64xf32> to vector<1x64xf32>
      tpu.vector_store %arg7[%swap3A, %swap3A_649], %swap3A_652 {strides = array<i32>} : memref<512x64xf32, #tpu.memory_space<vmem>>, vector<1x64xf32>,
      %mul3A_653 = arith.constant 32 : i32
      %mul3A_654 = arith.muli %scan3A_10, %mul3A_653 : i32
      %add3A_655 = arith.constant 1 : i32
      %add3A_656 = arith.addi %mul3A_654, %add3A_655 : i32
      %get3A_657 = arith.constant 1 : i32
      %get3A_658 = arith.index_cast %get3A_657 : i32 to index
      %get3A_659 = arith.index_cast %and3A_145 : i32 to index
      %get3A_660 = arith.constant 0 : index
      %get3A_661 = tpu.vector_load %arg6[%get3A_658, %get3A_659, %get3A_660] {strides = array<i32>} : memref<16x8x64xf32, #tpu.memory_space<vmem>>, vector<1x1x64xf32>,
      %get3A_662 = vector.shape_cast %get3A_661 : vector<1x1x64xf32> to vector<64xf32>
      %swap3A_663 = arith.index_cast %add3A_656 : i32 to index
      %swap3A_664 = arith.constant 0 : index
      %swap3A_665 = tpu.vector_load %arg7[%swap3A_663, %swap3A_664] {strides = array<i32>} : memref<512x64xf32, #tpu.memory_space<vmem>>, vector<1x64xf32>,
      %swap3A_666 = vector.shape_cast %swap3A_665 : vector<1x64xf32> to vector<64xf32>
      %swap3A_667 = vector.shape_cast %get3A_662 : vector<64xf32> to vector<1x64xf32>
      tpu.vector_store %arg7[%swap3A_663, %swap3A_664], %swap3A_667 {strides = array<i32>} : memref<512x64xf32, #tpu.memory_space<vmem>>, vector<1x64xf32>,
      %mul3A_668 = arith.constant 32 : i32
      %mul3A_669 = arith.muli %scan3A_10, %mul3A_668 : i32
      %add3A_670 = arith.constant 2 : i32
      %add3A_671 = arith.addi %mul3A_669, %add3A_670 : i32
      %get3A_672 = arith.constant 2 : i32
      %get3A_673 = arith.index_cast %get3A_672 : i32 to index
      %get3A_674 = arith.index_cast %and3A_149 : i32 to index
      %get3A_675 = arith.constant 0 : index
      %get3A_676 = tpu.vector_load %arg6[%get3A_673, %get3A_674, %get3A_675] {strides = array<i32>} : memref<16x8x64xf32, #tpu.memory_space<vmem>>, vector<1x1x64xf32>,
      %get3A_677 = vector.shape_cast %get3A_676 : vector<1x1x64xf32> to vector<64xf32>
      %swap3A_678 = arith.index_cast %add3A_671 : i32 to index
      %swap3A_679 = arith.constant 0 : index
      %swap3A_680 = tpu.vector_load %arg7[%swap3A_678, %swap3A_679] {strides = array<i32>} : memref<512x64xf32, #tpu.memory_space<vmem>>, vector<1x64xf32>,
      %swap3A_681 = vector.shape_cast %swap3A_680 : vector<1x64xf32> to vector<64xf32>
      %swap3A_682 = vector.shape_cast %get3A_677 : vector<64xf32> to vector<1x64xf32>
      tpu.vector_store %arg7[%swap3A_678, %swap3A_679], %swap3A_682 {strides = array<i32>} : memref<512x64xf32, #tpu.memory_space<vmem>>, vector<1x64xf32>,
      %mul3A_683 = arith.constant 32 : i32
      %mul3A_684 = arith.muli %scan3A_10, %mul3A_683 : i32
      %add3A_685 = arith.constant 3 : i32
      %add3A_686 = arith.addi %mul3A_684, %add3A_685 : i32
      %get3A_687 = arith.constant 3 : i32
      %get3A_688 = arith.index_cast %get3A_687 : i32 to index
      %get3A_689 = arith.index_cast %and3A_153 : i32 to index
      %get3A_690 = arith.constant 0 : index
      %get3A_691 = tpu.vector_load %arg6[%get3A_688, %get3A_689, %get3A_690] {strides = array<i32>} : memref<16x8x64xf32, #tpu.memory_space<vmem>>, vector<1x1x64xf32>,
      %get3A_692 = vector.shape_cast %get3A_691 : vector<1x1x64xf32> to vector<64xf32>
      %swap3A_693 = arith.index_cast %add3A_686 : i32 to index
      %swap3A_694 = arith.constant 0 : index
      %swap3A_695 = tpu.vector_load %arg7[%swap3A_693, %swap3A_694] {strides = array<i32>} : memref<512x64xf32, #tpu.memory_space<vmem>>, vector<1x64xf32>,
      %swap3A_696 = vector.shape_cast %swap3A_695 : vector<1x64xf32> to vector<64xf32>
      %swap3A_697 = vector.shape_cast %get3A_692 : vector<64xf32> to vector<1x64xf32>
      tpu.vector_store %arg7[%swap3A_693, %swap3A_694], %swap3A_697 {strides = array<i32>} : memref<512x64xf32, #tpu.memory_space<vmem>>, vector<1x64xf32>,
      %mul3A_698 = arith.constant 32 : i32
      %mul3A_699 = arith.muli %scan3A_10, %mul3A_698 : i32
      %add3A_700 = arith.constant 4 : i32
      %add3A_701 = arith.addi %mul3A_699, %add3A_700 : i32
      %get3A_702 = arith.constant 4 : i32
      %get3A_703 = arith.index_cast %get3A_702 : i32 to index
      %get3A_704 = arith.index_cast %and3A_157 : i32 to index
      %get3A_705 = arith.constant 0 : index
      %get3A_706 = tpu.vector_load %arg6[%get3A_703, %get3A_704, %get3A_705] {strides = array<i32>} : memref<16x8x64xf32, #tpu.memory_space<vmem>>, vector<1x1x64xf32>,
      %get3A_707 = vector.shape_cast %get3A_706 : vector<1x1x64xf32> to vector<64xf32>
      %swap3A_708 = arith.index_cast %add3A_701 : i32 to index
      %swap3A_709 = arith.constant 0 : index
      %swap3A_710 = tpu.vector_load %arg7[%swap3A_708, %swap3A_709] {strides = array<i32>} : memref<512x64xf32, #tpu.memory_space<vmem>>, vector<1x64xf32>,
      %swap3A_711 = vector.shape_cast %swap3A_710 : vector<1x64xf32> to vector<64xf32>
      %swap3A_712 = vector.shape_cast %get3A_707 : vector<64xf32> to vector<1x64xf32>
      tpu.vector_store %arg7[%swap3A_708, %swap3A_709], %swap3A_712 {strides = array<i32>} : memref<512x64xf32, #tpu.memory_space<vmem>>, vector<1x64xf32>,
      %mul3A_713 = arith.constant 32 : i32
      %mul3A_714 = arith.muli %scan3A_10, %mul3A_713 : i32
      %add3A_715 = arith.constant 5 : i32
      %add3A_716 = arith.addi %mul3A_714, %add3A_715 : i32
      %get3A_717 = arith.constant 5 : i32
      %get3A_718 = arith.index_cast %get3A_717 : i32 to index
      %get3A_719 = arith.index_cast %and3A_161 : i32 to index
      %get3A_720 = arith.constant 0 : index
      %get3A_721 = tpu.vector_load %arg6[%get3A_718, %get3A_719, %get3A_720] {strides = array<i32>} : memref<16x8x64xf32, #tpu.memory_space<vmem>>, vector<1x1x64xf32>,
      %get3A_722 = vector.shape_cast %get3A_721 : vector<1x1x64xf32> to vector<64xf32>
      %swap3A_723 = arith.index_cast %add3A_716 : i32 to index
      %swap3A_724 = arith.constant 0 : index
      %swap3A_725 = tpu.vector_load %arg7[%swap3A_723, %swap3A_724] {strides = array<i32>} : memref<512x64xf32, #tpu.memory_space<vmem>>, vector<1x64xf32>,
      %swap3A_726 = vector.shape_cast %swap3A_725 : vector<1x64xf32> to vector<64xf32>
      %swap3A_727 = vector.shape_cast %get3A_722 : vector<64xf32> to vector<1x64xf32>
      tpu.vector_store %arg7[%swap3A_723, %swap3A_724], %swap3A_727 {strides = array<i32>} : memref<512x64xf32, #tpu.memory_space<vmem>>, vector<1x64xf32>,
      %mul3A_728 = arith.constant 32 : i32
      %mul3A_729 = arith.muli %scan3A_10, %mul3A_728 : i32
      %add3A_730 = arith.constant 6 : i32
      %add3A_731 = arith.addi %mul3A_729, %add3A_730 : i32
      %get3A_732 = arith.constant 6 : i32
      %get3A_733 = arith.index_cast %get3A_732 : i32 to index
      %get3A_734 = arith.index_cast %and3A_165 : i32 to index
      %get3A_735 = arith.constant 0 : index
      %get3A_736 = tpu.vector_load %arg6[%get3A_733, %get3A_734, %get3A_735] {strides = array<i32>} : memref<16x8x64xf32, #tpu.memory_space<vmem>>, vector<1x1x64xf32>,
      %get3A_737 = vector.shape_cast %get3A_736 : vector<1x1x64xf32> to vector<64xf32>
      %swap3A_738 = arith.index_cast %add3A_731 : i32 to index
      %swap3A_739 = arith.constant 0 : index
      %swap3A_740 = tpu.vector_load %arg7[%swap3A_738, %swap3A_739] {strides = array<i32>} : memref<512x64xf32, #tpu.memory_space<vmem>>, vector<1x64xf32>,
      %swap3A_741 = vector.shape_cast %swap3A_740 : vector<1x64xf32> to vector<64xf32>
      %swap3A_742 = vector.shape_cast %get3A_737 : vector<64xf32> to vector<1x64xf32>
      tpu.vector_store %arg7[%swap3A_738, %swap3A_739], %swap3A_742 {strides = array<i32>} : memref<512x64xf32, #tpu.memory_space<vmem>>, vector<1x64xf32>,
      %mul3A_743 = arith.constant 32 : i32
      %mul3A_744 = arith.muli %scan3A_10, %mul3A_743 : i32
      %add3A_745 = arith.constant 7 : i32
      %add3A_746 = arith.addi %mul3A_744, %add3A_745 : i32
      %get3A_747 = arith.constant 7 : i32
      %get3A_748 = arith.index_cast %get3A_747 : i32 to index
      %get3A_749 = arith.index_cast %and3A_169 : i32 to index
      %get3A_750 = arith.constant 0 : index
      %get3A_751 = tpu.vector_load %arg6[%get3A_748, %get3A_749, %get3A_750] {strides = array<i32>} : memref<16x8x64xf32, #tpu.memory_space<vmem>>, vector<1x1x64xf32>,
      %get3A_752 = vector.shape_cast %get3A_751 : vector<1x1x64xf32> to vector<64xf32>
      %swap3A_753 = arith.index_cast %add3A_746 : i32 to index
      %swap3A_754 = arith.constant 0 : index
      %swap3A_755 = tpu.vector_load %arg7[%swap3A_753, %swap3A_754] {strides = array<i32>} : memref<512x64xf32, #tpu.memory_space<vmem>>, vector<1x64xf32>,
      %swap3A_756 = vector.shape_cast %swap3A_755 : vector<1x64xf32> to vector<64xf32>
      %swap3A_757 = vector.shape_cast %get3A_752 : vector<64xf32> to vector<1x64xf32>
      tpu.vector_store %arg7[%swap3A_753, %swap3A_754], %swap3A_757 {strides = array<i32>} : memref<512x64xf32, #tpu.memory_space<vmem>>, vector<1x64xf32>,
      %mul3A_758 = arith.constant 8 : i32
      %mul3A_759 = arith.muli %shift_right_arithmetic3A_78, %mul3A_758 : i32
      %multiple_of3A_760 = tpu.assume_multiple %mul3A_759, 8 : i32
      %dma_start3A_761 = arith.constant 0 : i32
      %dma_start3A_762 = arith.constant 0 : i32
      %dma_start3A_763 = arith.constant 0 : i32
      %dma_start3A_764 = tpu.memref_slice %arg6[%dma_start3A_761, %dma_start3A_762, %dma_start3A_763] : memref<16x8x64xf32, #tpu.memory_space<vmem>> -> memref<1x8x64xf32, #tpu.memory_space<vmem>>
      %dma_start3A_765 = tpu.memref_squeeze %dma_start3A_764 : memref<1x8x64xf32, #tpu.memory_space<vmem>> -> memref<8x64xf32, #tpu.memory_space<vmem>>
      %dma_start3A_766 = arith.constant 0 : i32
      %dma_start3A_767 = tpu.memref_slice %arg3[%multiple_of3A_760, %dma_start3A_766] : memref<1100001x64xf32, #tpu.memory_space<hbm>> -> memref<8x64xf32, #tpu.memory_space<hbm>>
      %dma_start3A_768 = arith.constant 0 : i32
      %dma_start3A_769 = arith.constant 0 : i32
      %dma_start3A_770 = tpu.memref_slice %arg6[%dma_start3A_761, %dma_start3A_768, %dma_start3A_769] : memref<16x8x64xf32, #tpu.memory_space<vmem>> -> memref<1x8x64xf32, #tpu.memory_space<vmem>>
      %dma_start3A_771 = tpu.memref_squeeze %dma_start3A_770 : memref<1x8x64xf32, #tpu.memory_space<vmem>> -> memref<8x64xf32, #tpu.memory_space<vmem>>
      %dma_start3A_772 = arith.constant 0 : i32
      %dma_start3A_773 = tpu.memref_slice %arg3[%multiple_of3A_760, %dma_start3A_772] : memref<1100001x64xf32, #tpu.memory_space<hbm>> -> memref<8x64xf32, #tpu.memory_space<hbm>>
      tpu.enqueue_dma source(%dma_start3A_773 : memref<8x64xf32, #tpu.memory_space<hbm>>) target(%dma_start3A_771 : memref<8x64xf32, #tpu.memory_space<vmem>>) target_semaphore(%arg8 : memref<!tpu.dma_semaphore, #tpu.memory_space<semaphore_mem>>)
      %mul3A_774 = arith.constant 8 : i32
      %mul3A_775 = arith.muli %shift_right_arithmetic3A_82, %mul3A_774 : i32
      %multiple_of3A_776 = tpu.assume_multiple %mul3A_775, 8 : i32
      %dma_start3A_777 = arith.constant 1 : i32
      %dma_start3A_778 = arith.constant 0 : i32
      %dma_start3A_779 = arith.constant 0 : i32
      %dma_start3A_780 = tpu.memref_slice %arg6[%dma_start3A_777, %dma_start3A_778, %dma_start3A_779] : memref<16x8x64xf32, #tpu.memory_space<vmem>> -> memref<1x8x64xf32, #tpu.memory_space<vmem>>
      %dma_start3A_781 = tpu.memref_squeeze %dma_start3A_780 : memref<1x8x64xf32, #tpu.memory_space<vmem>> -> memref<8x64xf32, #tpu.memory_space<vmem>>
      %dma_start3A_782 = arith.constant 0 : i32
      %dma_start3A_783 = tpu.memref_slice %arg3[%multiple_of3A_776, %dma_start3A_782] : memref<1100001x64xf32, #tpu.memory_space<hbm>> -> memref<8x64xf32, #tpu.memory_space<hbm>>
      %dma_start3A_784 = arith.constant 0 : i32
      %dma_start3A_785 = arith.constant 0 : i32
      %dma_start3A_786 = tpu.memref_slice %arg6[%dma_start3A_777, %dma_start3A_784, %dma_start3A_785] : memref<16x8x64xf32, #tpu.memory_space<vmem>> -> memref<1x8x64xf32, #tpu.memory_space<vmem>>
      %dma_start3A_787 = tpu.memref_squeeze %dma_start3A_786 : memref<1x8x64xf32, #tpu.memory_space<vmem>> -> memref<8x64xf32, #tpu.memory_space<vmem>>
      %dma_start3A_788 = arith.constant 0 : i32
      %dma_start3A_789 = tpu.memref_slice %arg3[%multiple_of3A_776, %dma_start3A_788] : memref<1100001x64xf32, #tpu.memory_space<hbm>> -> memref<8x64xf32, #tpu.memory_space<hbm>>
      tpu.enqueue_dma source(%dma_start3A_789 : memref<8x64xf32, #tpu.memory_space<hbm>>) target(%dma_start3A_787 : memref<8x64xf32, #tpu.memory_space<vmem>>) target_semaphore(%arg8 : memref<!tpu.dma_semaphore, #tpu.memory_space<semaphore_mem>>)
      %mul3A_790 = arith.constant 8 : i32
      %mul3A_791 = arith.muli %shift_right_arithmetic3A_86, %mul3A_790 : i32
      %multiple_of3A_792 = tpu.assume_multiple %mul3A_791, 8 : i32
      %dma_start3A_793 = arith.constant 2 : i32
      %dma_start3A_794 = arith.constant 0 : i32
      %dma_start3A_795 = arith.constant 0 : i32
      %dma_start3A_796 = tpu.memref_slice %arg6[%dma_start3A_793, %dma_start3A_794, %dma_start3A_795] : memref<16x8x64xf32, #tpu.memory_space<vmem>> -> memref<1x8x64xf32, #tpu.memory_space<vmem>>
      %dma_start3A_797 = tpu.memref_squeeze %dma_start3A_796 : memref<1x8x64xf32, #tpu.memory_space<vmem>> -> memref<8x64xf32, #tpu.memory_space<vmem>>
      %dma_start3A_798 = arith.constant 0 : i32
      %dma_start3A_799 = tpu.memref_slice %arg3[%multiple_of3A_792, %dma_start3A_798] : memref<1100001x64xf32, #tpu.memory_space<hbm>> -> memref<8x64xf32, #tpu.memory_space<hbm>>
      %dma_start3A_800 = arith.constant 0 : i32
      %dma_start3A_801 = arith.constant 0 : i32
      %dma_start3A_802 = tpu.memref_slice %arg6[%dma_start3A_793, %dma_start3A_800, %dma_start3A_801] : memref<16x8x64xf32, #tpu.memory_space<vmem>> -> memref<1x8x64xf32, #tpu.memory_space<vmem>>
      %dma_start3A_803 = tpu.memref_squeeze %dma_start3A_802 : memref<1x8x64xf32, #tpu.memory_space<vmem>> -> memref<8x64xf32, #tpu.memory_space<vmem>>
      %dma_start3A_804 = arith.constant 0 : i32
      %dma_start3A_805 = tpu.memref_slice %arg3[%multiple_of3A_792, %dma_start3A_804] : memref<1100001x64xf32, #tpu.memory_space<hbm>> -> memref<8x64xf32, #tpu.memory_space<hbm>>
      tpu.enqueue_dma source(%dma_start3A_805 : memref<8x64xf32, #tpu.memory_space<hbm>>) target(%dma_start3A_803 : memref<8x64xf32, #tpu.memory_space<vmem>>) target_semaphore(%arg8 : memref<!tpu.dma_semaphore, #tpu.memory_space<semaphore_mem>>)
      %mul3A_806 = arith.constant 8 : i32
      %mul3A_807 = arith.muli %shift_right_arithmetic3A_90, %mul3A_806 : i32
      %multiple_of3A_808 = tpu.assume_multiple %mul3A_807, 8 : i32
      %dma_start3A_809 = arith.constant 3 : i32
      %dma_start3A_810 = arith.constant 0 : i32
      %dma_start3A_811 = arith.constant 0 : i32
      %dma_start3A_812 = tpu.memref_slice %arg6[%dma_start3A_809, %dma_start3A_810, %dma_start3A_811] : memref<16x8x64xf32, #tpu.memory_space<vmem>> -> memref<1x8x64xf32, #tpu.memory_space<vmem>>
      %dma_start3A_813 = tpu.memref_squeeze %dma_start3A_812 : memref<1x8x64xf32, #tpu.memory_space<vmem>> -> memref<8x64xf32, #tpu.memory_space<vmem>>
      %dma_start3A_814 = arith.constant 0 : i32
      %dma_start3A_815 = tpu.memref_slice %arg3[%multiple_of3A_808, %dma_start3A_814] : memref<1100001x64xf32, #tpu.memory_space<hbm>> -> memref<8x64xf32, #tpu.memory_space<hbm>>
      %dma_start3A_816 = arith.constant 0 : i32
      %dma_start3A_817 = arith.constant 0 : i32
      %dma_start3A_818 = tpu.memref_slice %arg6[%dma_start3A_809, %dma_start3A_816, %dma_start3A_817] : memref<16x8x64xf32, #tpu.memory_space<vmem>> -> memref<1x8x64xf32, #tpu.memory_space<vmem>>
      %dma_start3A_819 = tpu.memref_squeeze %dma_start3A_818 : memref<1x8x64xf32, #tpu.memory_space<vmem>> -> memref<8x64xf32, #tpu.memory_space<vmem>>
      %dma_start3A_820 = arith.constant 0 : i32
      %dma_start3A_821 = tpu.memref_slice %arg3[%multiple_of3A_808, %dma_start3A_820] : memref<1100001x64xf32, #tpu.memory_space<hbm>> -> memref<8x64xf32, #tpu.memory_space<hbm>>
      tpu.enqueue_dma source(%dma_start3A_821 : memref<8x64xf32, #tpu.memory_space<hbm>>) target(%dma_start3A_819 : memref<8x64xf32, #tpu.memory_space<vmem>>) target_semaphore(%arg8 : memref<!tpu.dma_semaphore, #tpu.memory_space<semaphore_mem>>)
      %mul3A_822 = arith.constant 8 : i32
      %mul3A_823 = arith.muli %shift_right_arithmetic3A_94, %mul3A_822 : i32
      %multiple_of3A_824 = tpu.assume_multiple %mul3A_823, 8 : i32
      %dma_start3A_825 = arith.constant 4 : i32
      %dma_start3A_826 = arith.constant 0 : i32
      %dma_start3A_827 = arith.constant 0 : i32
      %dma_start3A_828 = tpu.memref_slice %arg6[%dma_start3A_825, %dma_start3A_826, %dma_start3A_827] : memref<16x8x64xf32, #tpu.memory_space<vmem>> -> memref<1x8x64xf32, #tpu.memory_space<vmem>>
      %dma_start3A_829 = tpu.memref_squeeze %dma_start3A_828 : memref<1x8x64xf32, #tpu.memory_space<vmem>> -> memref<8x64xf32, #tpu.memory_space<vmem>>
      %dma_start3A_830 = arith.constant 0 : i32
      %dma_start3A_831 = tpu.memref_slice %arg3[%multiple_of3A_824, %dma_start3A_830] : memref<1100001x64xf32, #tpu.memory_space<hbm>> -> memref<8x64xf32, #tpu.memory_space<hbm>>
      %dma_start3A_832 = arith.constant 0 : i32
      %dma_start3A_833 = arith.constant 0 : i32
      %dma_start3A_834 = tpu.memref_slice %arg6[%dma_start3A_825, %dma_start3A_832, %dma_start3A_833] : memref<16x8x64xf32, #tpu.memory_space<vmem>> -> memref<1x8x64xf32, #tpu.memory_space<vmem>>
      %dma_start3A_835 = tpu.memref_squeeze %dma_start3A_834 : memref<1x8x64xf32, #tpu.memory_space<vmem>> -> memref<8x64xf32, #tpu.memory_space<vmem>>
      %dma_start3A_836 = arith.constant 0 : i32
      %dma_start3A_837 = tpu.memref_slice %arg3[%multiple_of3A_824, %dma_start3A_836] : memref<1100001x64xf32, #tpu.memory_space<hbm>> -> memref<8x64xf32, #tpu.memory_space<hbm>>
      tpu.enqueue_dma source(%dma_start3A_837 : memref<8x64xf32, #tpu.memory_space<hbm>>) target(%dma_start3A_835 : memref<8x64xf32, #tpu.memory_space<vmem>>) target_semaphore(%arg8 : memref<!tpu.dma_semaphore, #tpu.memory_space<semaphore_mem>>)
      %mul3A_838 = arith.constant 8 : i32
      %mul3A_839 = arith.muli %shift_right_arithmetic3A_98, %mul3A_838 : i32
      %multiple_of3A_840 = tpu.assume_multiple %mul3A_839, 8 : i32
      %dma_start3A_841 = arith.constant 5 : i32
      %dma_start3A_842 = arith.constant 0 : i32
      %dma_start3A_843 = arith.constant 0 : i32
      %dma_start3A_844 = tpu.memref_slice %arg6[%dma_start3A_841, %dma_start3A_842, %dma_start3A_843] : memref<16x8x64xf32, #tpu.memory_space<vmem>> -> memref<1x8x64xf32, #tpu.memory_space<vmem>>
      %dma_start3A_845 = tpu.memref_squeeze %dma_start3A_844 : memref<1x8x64xf32, #tpu.memory_space<vmem>> -> memref<8x64xf32, #tpu.memory_space<vmem>>
      %dma_start3A_846 = arith.constant 0 : i32
      %dma_start3A_847 = tpu.memref_slice %arg3[%multiple_of3A_840, %dma_start3A_846] : memref<1100001x64xf32, #tpu.memory_space<hbm>> -> memref<8x64xf32, #tpu.memory_space<hbm>>
      %dma_start3A_848 = arith.constant 0 : i32
      %dma_start3A_849 = arith.constant 0 : i32
      %dma_start3A_850 = tpu.memref_slice %arg6[%dma_start3A_841, %dma_start3A_848, %dma_start3A_849] : memref<16x8x64xf32, #tpu.memory_space<vmem>> -> memref<1x8x64xf32, #tpu.memory_space<vmem>>
      %dma_start3A_851 = tpu.memref_squeeze %dma_start3A_850 : memref<1x8x64xf32, #tpu.memory_space<vmem>> -> memref<8x64xf32, #tpu.memory_space<vmem>>
      %dma_start3A_852 = arith.constant 0 : i32
      %dma_start3A_853 = tpu.memref_slice %arg3[%multiple_of3A_840, %dma_start3A_852] : memref<1100001x64xf32, #tpu.memory_space<hbm>> -> memref<8x64xf32, #tpu.memory_space<hbm>>
      tpu.enqueue_dma source(%dma_start3A_853 : memref<8x64xf32, #tpu.memory_space<hbm>>) target(%dma_start3A_851 : memref<8x64xf32, #tpu.memory_space<vmem>>) target_semaphore(%arg8 : memref<!tpu.dma_semaphore, #tpu.memory_space<semaphore_mem>>)
      %mul3A_854 = arith.constant 8 : i32
      %mul3A_855 = arith.muli %shift_right_arithmetic3A_102, %mul3A_854 : i32
      %multiple_of3A_856 = tpu.assume_multiple %mul3A_855, 8 : i32
      %dma_start3A_857 = arith.constant 6 : i32
      %dma_start3A_858 = arith.constant 0 : i32
      %dma_start3A_859 = arith.constant 0 : i32
      %dma_start3A_860 = tpu.memref_slice %arg6[%dma_start3A_857, %dma_start3A_858, %dma_start3A_859] : memref<16x8x64xf32, #tpu.memory_space<vmem>> -> memref<1x8x64xf32, #tpu.memory_space<vmem>>
      %dma_start3A_861 = tpu.memref_squeeze %dma_start3A_860 : memref<1x8x64xf32, #tpu.memory_space<vmem>> -> memref<8x64xf32, #tpu.memory_space<vmem>>
      %dma_start3A_862 = arith.constant 0 : i32
      %dma_start3A_863 = tpu.memref_slice %arg3[%multiple_of3A_856, %dma_start3A_862] : memref<1100001x64xf32, #tpu.memory_space<hbm>> -> memref<8x64xf32, #tpu.memory_space<hbm>>
      %dma_start3A_864 = arith.constant 0 : i32
      %dma_start3A_865 = arith.constant 0 : i32
      %dma_start3A_866 = tpu.memref_slice %arg6[%dma_start3A_857, %dma_start3A_864, %dma_start3A_865] : memref<16x8x64xf32, #tpu.memory_space<vmem>> -> memref<1x8x64xf32, #tpu.memory_space<vmem>>
      %dma_start3A_867 = tpu.memref_squeeze %dma_start3A_866 : memref<1x8x64xf32, #tpu.memory_space<vmem>> -> memref<8x64xf32, #tpu.memory_space<vmem>>
      %dma_start3A_868 = arith.constant 0 : i32
      %dma_start3A_869 = tpu.memref_slice %arg3[%multiple_of3A_856, %dma_start3A_868] : memref<1100001x64xf32, #tpu.memory_space<hbm>> -> memref<8x64xf32, #tpu.memory_space<hbm>>
      tpu.enqueue_dma source(%dma_start3A_869 : memref<8x64xf32, #tpu.memory_space<hbm>>) target(%dma_start3A_867 : memref<8x64xf32, #tpu.memory_space<vmem>>) target_semaphore(%arg8 : memref<!tpu.dma_semaphore, #tpu.memory_space<semaphore_mem>>)
      %mul3A_870 = arith.constant 8 : i32
      %mul3A_871 = arith.muli %shift_right_arithmetic3A_106, %mul3A_870 : i32
      %multiple_of3A_872 = tpu.assume_multiple %mul3A_871, 8 : i32
      %dma_start3A_873 = arith.constant 7 : i32
      %dma_start3A_874 = arith.constant 0 : i32
      %dma_start3A_875 = arith.constant 0 : i32
      %dma_start3A_876 = tpu.memref_slice %arg6[%dma_start3A_873, %dma_start3A_874, %dma_start3A_875] : memref<16x8x64xf32, #tpu.memory_space<vmem>> -> memref<1x8x64xf32, #tpu.memory_space<vmem>>
      %dma_start3A_877 = tpu.memref_squeeze %dma_start3A_876 : memref<1x8x64xf32, #tpu.memory_space<vmem>> -> memref<8x64xf32, #tpu.memory_space<vmem>>
      %dma_start3A_878 = arith.constant 0 : i32
      %dma_start3A_879 = tpu.memref_slice %arg3[%multiple_of3A_872, %dma_start3A_878] : memref<1100001x64xf32, #tpu.memory_space<hbm>> -> memref<8x64xf32, #tpu.memory_space<hbm>>
      %dma_start3A_880 = arith.constant 0 : i32
      %dma_start3A_881 = arith.constant 0 : i32
      %dma_start3A_882 = tpu.memref_slice %arg6[%dma_start3A_873, %dma_start3A_880, %dma_start3A_881] : memref<16x8x64xf32, #tpu.memory_space<vmem>> -> memref<1x8x64xf32, #tpu.memory_space<vmem>>
      %dma_start3A_883 = tpu.memref_squeeze %dma_start3A_882 : memref<1x8x64xf32, #tpu.memory_space<vmem>> -> memref<8x64xf32, #tpu.memory_space<vmem>>
      %dma_start3A_884 = arith.constant 0 : i32
      %dma_start3A_885 = tpu.memref_slice %arg3[%multiple_of3A_872, %dma_start3A_884] : memref<1100001x64xf32, #tpu.memory_space<hbm>> -> memref<8x64xf32, #tpu.memory_space<hbm>>
      tpu.enqueue_dma source(%dma_start3A_885 : memref<8x64xf32, #tpu.memory_space<hbm>>) target(%dma_start3A_883 : memref<8x64xf32, #tpu.memory_space<vmem>>) target_semaphore(%arg8 : memref<!tpu.dma_semaphore, #tpu.memory_space<semaphore_mem>>)
      %dma_wait3A_886 = arith.constant 0 : i32
      %dma_wait3A_887 = arith.constant 0 : i32
      %dma_wait3A_888 = arith.constant 0 : i32
      %dma_wait3A_889 = tpu.memref_slice %arg6[%dma_wait3A_886, %dma_wait3A_887, %dma_wait3A_888] : memref<16x8x64xf32, #tpu.memory_space<vmem>> -> memref<1x8x64xf32, #tpu.memory_space<vmem>>
      %dma_wait3A_890 = tpu.memref_squeeze %dma_wait3A_889 : memref<1x8x64xf32, #tpu.memory_space<vmem>> -> memref<8x64xf32, #tpu.memory_space<vmem>>
      %dma_wait3A_891 = arith.constant 0 : i32
      %dma_wait3A_892 = arith.constant 0 : i32
      %dma_wait3A_893 = tpu.memref_slice %arg3[%dma_wait3A_891, %dma_wait3A_892] : memref<1100001x64xf32, #tpu.memory_space<hbm>> -> memref<8x64xf32, #tpu.memory_space<hbm>>
      %dma_wait3A_894 = arith.constant 0 : i32
      %dma_wait3A_895 = arith.constant 0 : i32
      %dma_wait3A_896 = tpu.memref_slice %arg6[%dma_wait3A_886, %dma_wait3A_894, %dma_wait3A_895] : memref<16x8x64xf32, #tpu.memory_space<vmem>> -> memref<1x8x64xf32, #tpu.memory_space<vmem>>
      %dma_wait3A_897 = tpu.memref_squeeze %dma_wait3A_896 : memref<1x8x64xf32, #tpu.memory_space<vmem>> -> memref<8x64xf32, #tpu.memory_space<vmem>>
      %dma_wait3A_898 = arith.constant 0 : i32
      %dma_wait3A_899 = arith.constant 0 : i32
      %dma_wait3A_900 = tpu.memref_slice %arg3[%dma_wait3A_898, %dma_wait3A_899] : memref<1100001x64xf32, #tpu.memory_space<hbm>> -> memref<8x64xf32, #tpu.memory_space<hbm>>
      tpu.wait_dma2 semaphore(%arg9 : memref<!tpu.dma_semaphore, #tpu.memory_space<semaphore_mem>>) src(%dma_wait3A_900 : memref<8x64xf32, #tpu.memory_space<hbm>>) dst(%dma_wait3A_897 : memref<8x64xf32, #tpu.memory_space<vmem>>)
      %dma_wait3A_901 = arith.constant 0 : i32
      %dma_wait3A_902 = arith.constant 0 : i32
      %dma_wait3A_903 = arith.constant 0 : i32
      %dma_wait3A_904 = tpu.memref_slice %arg6[%dma_wait3A_901, %dma_wait3A_902, %dma_wait3A_903] : memref<16x8x64xf32, #tpu.memory_space<vmem>> -> memref<1x8x64xf32, #tpu.memory_space<vmem>>
      %dma_wait3A_905 = tpu.memref_squeeze %dma_wait3A_904 : memref<1x8x64xf32, #tpu.memory_space<vmem>> -> memref<8x64xf32, #tpu.memory_space<vmem>>
      %dma_wait3A_906 = arith.constant 0 : i32
      %dma_wait3A_907 = arith.constant 0 : i32
      %dma_wait3A_908 = tpu.memref_slice %arg3[%dma_wait3A_906, %dma_wait3A_907] : memref<1100001x64xf32, #tpu.memory_space<hbm>> -> memref<8x64xf32, #tpu.memory_space<hbm>>
      %dma_wait3A_909 = arith.constant 0 : i32
      %dma_wait3A_910 = arith.constant 0 : i32
      %dma_wait3A_911 = tpu.memref_slice %arg6[%dma_wait3A_901, %dma_wait3A_909, %dma_wait3A_910] : memref<16x8x64xf32, #tpu.memory_space<vmem>> -> memref<1x8x64xf32, #tpu.memory_space<vmem>>
      %dma_wait3A_912 = tpu.memref_squeeze %dma_wait3A_911 : memref<1x8x64xf32, #tpu.memory_space<vmem>> -> memref<8x64xf32, #tpu.memory_space<vmem>>
      %dma_wait3A_913 = arith.constant 0 : i32
      %dma_wait3A_914 = arith.constant 0 : i32
      %dma_wait3A_915 = tpu.memref_slice %arg3[%dma_wait3A_913, %dma_wait3A_914] : memref<1100001x64xf32, #tpu.memory_space<hbm>> -> memref<8x64xf32, #tpu.memory_space<hbm>>
      tpu.wait_dma2 semaphore(%arg9 : memref<!tpu.dma_semaphore, #tpu.memory_space<semaphore_mem>>) src(%dma_wait3A_915 : memref<8x64xf32, #tpu.memory_space<hbm>>) dst(%dma_wait3A_912 : memref<8x64xf32, #tpu.memory_space<vmem>>)
      %dma_wait3A_916 = arith.constant 0 : i32
      %dma_wait3A_917 = arith.constant 0 : i32
      %dma_wait3A_918 = arith.constant 0 : i32
      %dma_wait3A_919 = tpu.memref_slice %arg6[%dma_wait3A_916, %dma_wait3A_917, %dma_wait3A_918] : memref<16x8x64xf32, #tpu.memory_space<vmem>> -> memref<1x8x64xf32, #tpu.memory_space<vmem>>
      %dma_wait3A_920 = tpu.memref_squeeze %dma_wait3A_919 : memref<1x8x64xf32, #tpu.memory_space<vmem>> -> memref<8x64xf32, #tpu.memory_space<vmem>>
      %dma_wait3A_921 = arith.constant 0 : i32
      %dma_wait3A_922 = arith.constant 0 : i32
      %dma_wait3A_923 = tpu.memref_slice %arg3[%dma_wait3A_921, %dma_wait3A_922] : memref<1100001x64xf32, #tpu.memory_space<hbm>> -> memref<8x64xf32, #tpu.memory_space<hbm>>
      %dma_wait3A_924 = arith.constant 0 : i32
      %dma_wait3A_925 = arith.constant 0 : i32
      %dma_wait3A_926 = tpu.memref_slice %arg6[%dma_wait3A_916, %dma_wait3A_924, %dma_wait3A_925] : memref<16x8x64xf32, #tpu.memory_space<vmem>> -> memref<1x8x64xf32, #tpu.memory_space<vmem>>
      %dma_wait3A_927 = tpu.memref_squeeze %dma_wait3A_926 : memref<1x8x64xf32, #tpu.memory_space<vmem>> -> memref<8x64xf32, #tpu.memory_space<vmem>>
      %dma_wait3A_928 = arith.constant 0 : i32
      %dma_wait3A_929 = arith.constant 0 : i32
      %dma_wait3A_930 = tpu.memref_slice %arg3[%dma_wait3A_928, %dma_wait3A_929] : memref<1100001x64xf32, #tpu.memory_space<hbm>> -> memref<8x64xf32, #tpu.memory_space<hbm>>
      tpu.wait_dma2 semaphore(%arg9 : memref<!tpu.dma_semaphore, #tpu.memory_space<semaphore_mem>>) src(%dma_wait3A_930 : memref<8x64xf32, #tpu.memory_space<hbm>>) dst(%dma_wait3A_927 : memref<8x64xf32, #tpu.memory_space<vmem>>)
      %dma_wait3A_931 = arith.constant 0 : i32
      %dma_wait3A_932 = arith.constant 0 : i32
      %dma_wait3A_933 = arith.constant 0 : i32
      %dma_wait3A_934 = tpu.memref_slice %arg6[%dma_wait3A_931, %dma_wait3A_932, %dma_wait3A_933] : memref<16x8x64xf32, #tpu.memory_space<vmem>> -> memref<1x8x64xf32, #tpu.memory_space<vmem>>
      %dma_wait3A_935 = tpu.memref_squeeze %dma_wait3A_934 : memref<1x8x64xf32, #tpu.memory_space<vmem>> -> memref<8x64xf32, #tpu.memory_space<vmem>>
      %dma_wait3A_936 = arith.constant 0 : i32
      %dma_wait3A_937 = arith.constant 0 : i32
      %dma_wait3A_938 = tpu.memref_slice %arg3[%dma_wait3A_936, %dma_wait3A_937] : memref<1100001x64xf32, #tpu.memory_space<hbm>> -> memref<8x64xf32, #tpu.memory_space<hbm>>
      %dma_wait3A_939 = arith.constant 0 : i32
      %dma_wait3A_940 = arith.constant 0 : i32
      %dma_wait3A_941 = tpu.memref_slice %arg6[%dma_wait3A_931, %dma_wait3A_939, %dma_wait3A_940] : memref<16x8x64xf32, #tpu.memory_space<vmem>> -> memref<1x8x64xf32, #tpu.memory_space<vmem>>
      %dma_wait3A_942 = tpu.memref_squeeze %dma_wait3A_941 : memref<1x8x64xf32, #tpu.memory_space<vmem>> -> memref<8x64xf32, #tpu.memory_space<vmem>>
      %dma_wait3A_943 = arith.constant 0 : i32
      %dma_wait3A_944 = arith.constant 0 : i32
      %dma_wait3A_945 = tpu.memref_slice %arg3[%dma_wait3A_943, %dma_wait3A_944] : memref<1100001x64xf32, #tpu.memory_space<hbm>> -> memref<8x64xf32, #tpu.memory_space<hbm>>
      tpu.wait_dma2 semaphore(%arg9 : memref<!tpu.dma_semaphore, #tpu.memory_space<semaphore_mem>>) src(%dma_wait3A_945 : memref<8x64xf32, #tpu.memory_space<hbm>>) dst(%dma_wait3A_942 : memref<8x64xf32, #tpu.memory_space<vmem>>)
      %dma_wait3A_946 = arith.constant 0 : i32
      %dma_wait3A_947 = arith.constant 0 : i32
      %dma_wait3A_948 = arith.constant 0 : i32
      %dma_wait3A_949 = tpu.memref_slice %arg6[%dma_wait3A_946, %dma_wait3A_947, %dma_wait3A_948] : memref<16x8x64xf32, #tpu.memory_space<vmem>> -> memref<1x8x64xf32, #tpu.memory_space<vmem>>
      %dma_wait3A_950 = tpu.memref_squeeze %dma_wait3A_949 : memref<1x8x64xf32, #tpu.memory_space<vmem>> -> memref<8x64xf32, #tpu.memory_space<vmem>>
      %dma_wait3A_951 = arith.constant 0 : i32
      %dma_wait3A_952 = arith.constant 0 : i32
      %dma_wait3A_953 = tpu.memref_slice %arg3[%dma_wait3A_951, %dma_wait3A_952] : memref<1100001x64xf32, #tpu.memory_space<hbm>> -> memref<8x64xf32, #tpu.memory_space<hbm>>
      %dma_wait3A_954 = arith.constant 0 : i32
      %dma_wait3A_955 = arith.constant 0 : i32
      %dma_wait3A_956 = tpu.memref_slice %arg6[%dma_wait3A_946, %dma_wait3A_954, %dma_wait3A_955] : memref<16x8x64xf32, #tpu.memory_space<vmem>> -> memref<1x8x64xf32, #tpu.memory_space<vmem>>
      %dma_wait3A_957 = tpu.memref_squeeze %dma_wait3A_956 : memref<1x8x64xf32, #tpu.memory_space<vmem>> -> memref<8x64xf32, #tpu.memory_space<vmem>>
      %dma_wait3A_958 = arith.constant 0 : i32
      %dma_wait3A_959 = arith.constant 0 : i32
      %dma_wait3A_960 = tpu.memref_slice %arg3[%dma_wait3A_958, %dma_wait3A_959] : memref<1100001x64xf32, #tpu.memory_space<hbm>> -> memref<8x64xf32, #tpu.memory_space<hbm>>
      tpu.wait_dma2 semaphore(%arg9 : memref<!tpu.dma_semaphore, #tpu.memory_space<semaphore_mem>>) src(%dma_wait3A_960 : memref<8x64xf32, #tpu.memory_space<hbm>>) dst(%dma_wait3A_957 : memref<8x64xf32, #tpu.memory_space<vmem>>)
      %dma_wait3A_961 = arith.constant 0 : i32
      %dma_wait3A_962 = arith.constant 0 : i32
      %dma_wait3A_963 = arith.constant 0 : i32
      %dma_wait3A_964 = tpu.memref_slice %arg6[%dma_wait3A_961, %dma_wait3A_962, %dma_wait3A_963] : memref<16x8x64xf32, #tpu.memory_space<vmem>> -> memref<1x8x64xf32, #tpu.memory_space<vmem>>
      %dma_wait3A_965 = tpu.memref_squeeze %dma_wait3A_964 : memref<1x8x64xf32, #tpu.memory_space<vmem>> -> memref<8x64xf32, #tpu.memory_space<vmem>>
      %dma_wait3A_966 = arith.constant 0 : i32
      %dma_wait3A_967 = arith.constant 0 : i32
      %dma_wait3A_968 = tpu.memref_slice %arg3[%dma_wait3A_966, %dma_wait3A_967] : memref<1100001x64xf32, #tpu.memory_space<hbm>> -> memref<8x64xf32, #tpu.memory_space<hbm>>
      %dma_wait3A_969 = arith.constant 0 : i32
      %dma_wait3A_970 = arith.constant 0 : i32
      %dma_wait3A_971 = tpu.memref_slice %arg6[%dma_wait3A_961, %dma_wait3A_969, %dma_wait3A_970] : memref<16x8x64xf32, #tpu.memory_space<vmem>> -> memref<1x8x64xf32, #tpu.memory_space<vmem>>
      %dma_wait3A_972 = tpu.memref_squeeze %dma_wait3A_971 : memref<1x8x64xf32, #tpu.memory_space<vmem>> -> memref<8x64xf32, #tpu.memory_space<vmem>>
      %dma_wait3A_973 = arith.constant 0 : i32
      %dma_wait3A_974 = arith.constant 0 : i32
      %dma_wait3A_975 = tpu.memref_slice %arg3[%dma_wait3A_973, %dma_wait3A_974] : memref<1100001x64xf32, #tpu.memory_space<hbm>> -> memref<8x64xf32, #tpu.memory_space<hbm>>
      tpu.wait_dma2 semaphore(%arg9 : memref<!tpu.dma_semaphore, #tpu.memory_space<semaphore_mem>>) src(%dma_wait3A_975 : memref<8x64xf32, #tpu.memory_space<hbm>>) dst(%dma_wait3A_972 : memref<8x64xf32, #tpu.memory_space<vmem>>)
      %dma_wait3A_976 = arith.constant 0 : i32
      %dma_wait3A_977 = arith.constant 0 : i32
      %dma_wait3A_978 = arith.constant 0 : i32
      %dma_wait3A_979 = tpu.memref_slice %arg6[%dma_wait3A_976, %dma_wait3A_977, %dma_wait3A_978] : memref<16x8x64xf32, #tpu.memory_space<vmem>> -> memref<1x8x64xf32, #tpu.memory_space<vmem>>
      %dma_wait3A_980 = tpu.memref_squeeze %dma_wait3A_979 : memref<1x8x64xf32, #tpu.memory_space<vmem>> -> memref<8x64xf32, #tpu.memory_space<vmem>>
      %dma_wait3A_981 = arith.constant 0 : i32
      %dma_wait3A_982 = arith.constant 0 : i32
      %dma_wait3A_983 = tpu.memref_slice %arg3[%dma_wait3A_981, %dma_wait3A_982] : memref<1100001x64xf32, #tpu.memory_space<hbm>> -> memref<8x64xf32, #tpu.memory_space<hbm>>
      %dma_wait3A_984 = arith.constant 0 : i32
      %dma_wait3A_985 = arith.constant 0 : i32
      %dma_wait3A_986 = tpu.memref_slice %arg6[%dma_wait3A_976, %dma_wait3A_984, %dma_wait3A_985] : memref<16x8x64xf32, #tpu.memory_space<vmem>> -> memref<1x8x64xf32, #tpu.memory_space<vmem>>
      %dma_wait3A_987 = tpu.memref_squeeze %dma_wait3A_986 : memref<1x8x64xf32, #tpu.memory_space<vmem>> -> memref<8x64xf32, #tpu.memory_space<vmem>>
      %dma_wait3A_988 = arith.constant 0 : i32
      %dma_wait3A_989 = arith.constant 0 : i32
      %dma_wait3A_990 = tpu.memref_slice %arg3[%dma_wait3A_988, %dma_wait3A_989] : memref<1100001x64xf32, #tpu.memory_space<hbm>> -> memref<8x64xf32, #tpu.memory_space<hbm>>
      tpu.wait_dma2 semaphore(%arg9 : memref<!tpu.dma_semaphore, #tpu.memory_space<semaphore_mem>>) src(%dma_wait3A_990 : memref<8x64xf32, #tpu.memory_space<hbm>>) dst(%dma_wait3A_987 : memref<8x64xf32, #tpu.memory_space<vmem>>)
      %dma_wait3A_991 = arith.constant 0 : i32
      %dma_wait3A_992 = arith.constant 0 : i32
      %dma_wait3A_993 = arith.constant 0 : i32
      %dma_wait3A_994 = tpu.memref_slice %arg6[%dma_wait3A_991, %dma_wait3A_992, %dma_wait3A_993] : memref<16x8x64xf32, #tpu.memory_space<vmem>> -> memref<1x8x64xf32, #tpu.memory_space<vmem>>
      %dma_wait3A_995 = tpu.memref_squeeze %dma_wait3A_994 : memref<1x8x64xf32, #tpu.memory_space<vmem>> -> memref<8x64xf32, #tpu.memory_space<vmem>>
      %dma_wait3A_996 = arith.constant 0 : i32
      %dma_wait3A_997 = arith.constant 0 : i32
      %dma_wait3A_998 = tpu.memref_slice %arg3[%dma_wait3A_996, %dma_wait3A_997] : memref<1100001x64xf32, #tpu.memory_space<hbm>> -> memref<8x64xf32, #tpu.memory_space<hbm>>
      %dma_wait3A_999 = arith.constant 0 : i32
      %dma_wait3A_1000 = arith.constant 0 : i32
      %dma_wait3A_1001 = tpu.memref_slice %arg6[%dma_wait3A_991, %dma_wait3A_999, %dma_wait3A_1000] : memref<16x8x64xf32, #tpu.memory_space<vmem>> -> memref<1x8x64xf32, #tpu.memory_space<vmem>>
      %dma_wait3A_1002 = tpu.memref_squeeze %dma_wait3A_1001 : memref<1x8x64xf32, #tpu.memory_space<vmem>> -> memref<8x64xf32, #tpu.memory_space<vmem>>
      %dma_wait3A_1003 = arith.constant 0 : i32
      %dma_wait3A_1004 = arith.constant 0 : i32
      %dma_wait3A_1005 = tpu.memref_slice %arg3[%dma_wait3A_1003, %dma_wait3A_1004] : memref<1100001x64xf32, #tpu.memory_space<hbm>> -> memref<8x64xf32, #tpu.memory_space<hbm>>
      tpu.wait_dma2 semaphore(%arg9 : memref<!tpu.dma_semaphore, #tpu.memory_space<semaphore_mem>>) src(%dma_wait3A_1005 : memref<8x64xf32, #tpu.memory_space<hbm>>) dst(%dma_wait3A_1002 : memref<8x64xf32, #tpu.memory_space<vmem>>)
      %mul3A_1006 = arith.constant 32 : i32
      %mul3A_1007 = arith.muli %scan3A_10, %mul3A_1006 : i32
      %add3A_1008 = arith.constant 8 : i32
      %add3A_1009 = arith.addi %mul3A_1007, %add3A_1008 : i32
      %get3A_1010 = arith.constant 8 : i32
      %get3A_1011 = arith.index_cast %get3A_1010 : i32 to index
      %get3A_1012 = arith.index_cast %and3A_173 : i32 to index
      %get3A_1013 = arith.constant 0 : index
      %get3A_1014 = tpu.vector_load %arg6[%get3A_1011, %get3A_1012, %get3A_1013] {strides = array<i32>} : memref<16x8x64xf32, #tpu.memory_space<vmem>>, vector<1x1x64xf32>,
      %get3A_1015 = vector.shape_cast %get3A_1014 : vector<1x1x64xf32> to vector<64xf32>
      %swap3A_1016 = arith.index_cast %add3A_1009 : i32 to index
      %swap3A_1017 = arith.constant 0 : index
      %swap3A_1018 = tpu.vector_load %arg7[%swap3A_1016, %swap3A_1017] {strides = array<i32>} : memref<512x64xf32, #tpu.memory_space<vmem>>, vector<1x64xf32>,
      %swap3A_1019 = vector.shape_cast %swap3A_1018 : vector<1x64xf32> to vector<64xf32>
      %swap3A_1020 = vector.shape_cast %get3A_1015 : vector<64xf32> to vector<1x64xf32>
      tpu.vector_store %arg7[%swap3A_1016, %swap3A_1017], %swap3A_1020 {strides = array<i32>} : memref<512x64xf32, #tpu.memory_space<vmem>>, vector<1x64xf32>,
      %mul3A_1021 = arith.constant 32 : i32
      %mul3A_1022 = arith.muli %scan3A_10, %mul3A_1021 : i32
      %add3A_1023 = arith.constant 9 : i32
      %add3A_1024 = arith.addi %mul3A_1022, %add3A_1023 : i32
      %get3A_1025 = arith.constant 9 : i32
      %get3A_1026 = arith.index_cast %get3A_1025 : i32 to index
      %get3A_1027 = arith.index_cast %and3A_177 : i32 to index
      %get3A_1028 = arith.constant 0 : index
      %get3A_1029 = tpu.vector_load %arg6[%get3A_1026, %get3A_1027, %get3A_1028] {strides = array<i32>} : memref<16x8x64xf32, #tpu.memory_space<vmem>>, vector<1x1x64xf32>,
      %get3A_1030 = vector.shape_cast %get3A_1029 : vector<1x1x64xf32> to vector<64xf32>
      %swap3A_1031 = arith.index_cast %add3A_1024 : i32 to index
      %swap3A_1032 = arith.constant 0 : index
      %swap3A_1033 = tpu.vector_load %arg7[%swap3A_1031, %swap3A_1032] {strides = array<i32>} : memref<512x64xf32, #tpu.memory_space<vmem>>, vector<1x64xf32>,
      %swap3A_1034 = vector.shape_cast %swap3A_1033 : vector<1x64xf32> to vector<64xf32>
      %swap3A_1035 = vector.shape_cast %get3A_1030 : vector<64xf32> to vector<1x64xf32>
      tpu.vector_store %arg7[%swap3A_1031, %swap3A_1032], %swap3A_1035 {strides = array<i32>} : memref<512x64xf32, #tpu.memory_space<vmem>>, vector<1x64xf32>,
      %mul3A_1036 = arith.constant 32 : i32
      %mul3A_1037 = arith.muli %scan3A_10, %mul3A_1036 : i32
      %add3A_1038 = arith.constant 10 : i32
      %add3A_1039 = arith.addi %mul3A_1037, %add3A_1038 : i32
      %get3A_1040 = arith.constant 10 : i32
      %get3A_1041 = arith.index_cast %get3A_1040 : i32 to index
      %get3A_1042 = arith.index_cast %and3A_181 : i32 to index
      %get3A_1043 = arith.constant 0 : index
      %get3A_1044 = tpu.vector_load %arg6[%get3A_1041, %get3A_1042, %get3A_1043] {strides = array<i32>} : memref<16x8x64xf32, #tpu.memory_space<vmem>>, vector<1x1x64xf32>,
      %get3A_1045 = vector.shape_cast %get3A_1044 : vector<1x1x64xf32> to vector<64xf32>
      %swap3A_1046 = arith.index_cast %add3A_1039 : i32 to index
      %swap3A_1047 = arith.constant 0 : index
      %swap3A_1048 = tpu.vector_load %arg7[%swap3A_1046, %swap3A_1047] {strides = array<i32>} : memref<512x64xf32, #tpu.memory_space<vmem>>, vector<1x64xf32>,
      %swap3A_1049 = vector.shape_cast %swap3A_1048 : vector<1x64xf32> to vector<64xf32>
      %swap3A_1050 = vector.shape_cast %get3A_1045 : vector<64xf32> to vector<1x64xf32>
      tpu.vector_store %arg7[%swap3A_1046, %swap3A_1047], %swap3A_1050 {strides = array<i32>} : memref<512x64xf32, #tpu.memory_space<vmem>>, vector<1x64xf32>,
      %mul3A_1051 = arith.constant 32 : i32
      %mul3A_1052 = arith.muli %scan3A_10, %mul3A_1051 : i32
      %add3A_1053 = arith.constant 11 : i32
      %add3A_1054 = arith.addi %mul3A_1052, %add3A_1053 : i32
      %get3A_1055 = arith.constant 11 : i32
      %get3A_1056 = arith.index_cast %get3A_1055 : i32 to index
      %get3A_1057 = arith.index_cast %and3A_185 : i32 to index
      %get3A_1058 = arith.constant 0 : index
      %get3A_1059 = tpu.vector_load %arg6[%get3A_1056, %get3A_1057, %get3A_1058] {strides = array<i32>} : memref<16x8x64xf32, #tpu.memory_space<vmem>>, vector<1x1x64xf32>,
      %get3A_1060 = vector.shape_cast %get3A_1059 : vector<1x1x64xf32> to vector<64xf32>
      %swap3A_1061 = arith.index_cast %add3A_1054 : i32 to index
      %swap3A_1062 = arith.constant 0 : index
      %swap3A_1063 = tpu.vector_load %arg7[%swap3A_1061, %swap3A_1062] {strides = array<i32>} : memref<512x64xf32, #tpu.memory_space<vmem>>, vector<1x64xf32>,
      %swap3A_1064 = vector.shape_cast %swap3A_1063 : vector<1x64xf32> to vector<64xf32>
      %swap3A_1065 = vector.shape_cast %get3A_1060 : vector<64xf32> to vector<1x64xf32>
      tpu.vector_store %arg7[%swap3A_1061, %swap3A_1062], %swap3A_1065 {strides = array<i32>} : memref<512x64xf32, #tpu.memory_space<vmem>>, vector<1x64xf32>,
      %mul3A_1066 = arith.constant 32 : i32
      %mul3A_1067 = arith.muli %scan3A_10, %mul3A_1066 : i32
      %add3A_1068 = arith.constant 12 : i32
      %add3A_1069 = arith.addi %mul3A_1067, %add3A_1068 : i32
      %get3A_1070 = arith.constant 12 : i32
      %get3A_1071 = arith.index_cast %get3A_1070 : i32 to index
      %get3A_1072 = arith.index_cast %and3A_189 : i32 to index
      %get3A_1073 = arith.constant 0 : index
      %get3A_1074 = tpu.vector_load %arg6[%get3A_1071, %get3A_1072, %get3A_1073] {strides = array<i32>} : memref<16x8x64xf32, #tpu.memory_space<vmem>>, vector<1x1x64xf32>,
      %get3A_1075 = vector.shape_cast %get3A_1074 : vector<1x1x64xf32> to vector<64xf32>
      %swap3A_1076 = arith.index_cast %add3A_1069 : i32 to index
      %swap3A_1077 = arith.constant 0 : index
      %swap3A_1078 = tpu.vector_load %arg7[%swap3A_1076, %swap3A_1077] {strides = array<i32>} : memref<512x64xf32, #tpu.memory_space<vmem>>, vector<1x64xf32>,
      %swap3A_1079 = vector.shape_cast %swap3A_1078 : vector<1x64xf32> to vector<64xf32>
      %swap3A_1080 = vector.shape_cast %get3A_1075 : vector<64xf32> to vector<1x64xf32>
      tpu.vector_store %arg7[%swap3A_1076, %swap3A_1077], %swap3A_1080 {strides = array<i32>} : memref<512x64xf32, #tpu.memory_space<vmem>>, vector<1x64xf32>,
      %mul3A_1081 = arith.constant 32 : i32
      %mul3A_1082 = arith.muli %scan3A_10, %mul3A_1081 : i32
      %add3A_1083 = arith.constant 13 : i32
      %add3A_1084 = arith.addi %mul3A_1082, %add3A_1083 : i32
      %get3A_1085 = arith.constant 13 : i32
      %get3A_1086 = arith.index_cast %get3A_1085 : i32 to index
      %get3A_1087 = arith.index_cast %and3A_193 : i32 to index
      %get3A_1088 = arith.constant 0 : index
      %get3A_1089 = tpu.vector_load %arg6[%get3A_1086, %get3A_1087, %get3A_1088] {strides = array<i32>} : memref<16x8x64xf32, #tpu.memory_space<vmem>>, vector<1x1x64xf32>,
      %get3A_1090 = vector.shape_cast %get3A_1089 : vector<1x1x64xf32> to vector<64xf32>
      %swap3A_1091 = arith.index_cast %add3A_1084 : i32 to index
      %swap3A_1092 = arith.constant 0 : index
      %swap3A_1093 = tpu.vector_load %arg7[%swap3A_1091, %swap3A_1092] {strides = array<i32>} : memref<512x64xf32, #tpu.memory_space<vmem>>, vector<1x64xf32>,
      %swap3A_1094 = vector.shape_cast %swap3A_1093 : vector<1x64xf32> to vector<64xf32>
      %swap3A_1095 = vector.shape_cast %get3A_1090 : vector<64xf32> to vector<1x64xf32>
      tpu.vector_store %arg7[%swap3A_1091, %swap3A_1092], %swap3A_1095 {strides = array<i32>} : memref<512x64xf32, #tpu.memory_space<vmem>>, vector<1x64xf32>,
      %mul3A_1096 = arith.constant 32 : i32
      %mul3A_1097 = arith.muli %scan3A_10, %mul3A_1096 : i32
      %add3A_1098 = arith.constant 14 : i32
      %add3A_1099 = arith.addi %mul3A_1097, %add3A_1098 : i32
      %get3A_1100 = arith.constant 14 : i32
      %get3A_1101 = arith.index_cast %get3A_1100 : i32 to index
      %get3A_1102 = arith.index_cast %and3A_197 : i32 to index
      %get3A_1103 = arith.constant 0 : index
      %get3A_1104 = tpu.vector_load %arg6[%get3A_1101, %get3A_1102, %get3A_1103] {strides = array<i32>} : memref<16x8x64xf32, #tpu.memory_space<vmem>>, vector<1x1x64xf32>,
      %get3A_1105 = vector.shape_cast %get3A_1104 : vector<1x1x64xf32> to vector<64xf32>
      %swap3A_1106 = arith.index_cast %add3A_1099 : i32 to index
      %swap3A_1107 = arith.constant 0 : index
      %swap3A_1108 = tpu.vector_load %arg7[%swap3A_1106, %swap3A_1107] {strides = array<i32>} : memref<512x64xf32, #tpu.memory_space<vmem>>, vector<1x64xf32>,
      %swap3A_1109 = vector.shape_cast %swap3A_1108 : vector<1x64xf32> to vector<64xf32>
      %swap3A_1110 = vector.shape_cast %get3A_1105 : vector<64xf32> to vector<1x64xf32>
      tpu.vector_store %arg7[%swap3A_1106, %swap3A_1107], %swap3A_1110 {strides = array<i32>} : memref<512x64xf32, #tpu.memory_space<vmem>>, vector<1x64xf32>,
      %mul3A_1111 = arith.constant 32 : i32
      %mul3A_1112 = arith.muli %scan3A_10, %mul3A_1111 : i32
      %add3A_1113 = arith.constant 15 : i32
      %add3A_1114 = arith.addi %mul3A_1112, %add3A_1113 : i32
      %get3A_1115 = arith.constant 15 : i32
      %get3A_1116 = arith.index_cast %get3A_1115 : i32 to index
      %get3A_1117 = arith.index_cast %and3A_201 : i32 to index
      %get3A_1118 = arith.constant 0 : index
      %get3A_1119 = tpu.vector_load %arg6[%get3A_1116, %get3A_1117, %get3A_1118] {strides = array<i32>} : memref<16x8x64xf32, #tpu.memory_space<vmem>>, vector<1x1x64xf32>,
      %get3A_1120 = vector.shape_cast %get3A_1119 : vector<1x1x64xf32> to vector<64xf32>
      %swap3A_1121 = arith.index_cast %add3A_1114 : i32 to index
      %swap3A_1122 = arith.constant 0 : index
      %swap3A_1123 = tpu.vector_load %arg7[%swap3A_1121, %swap3A_1122] {strides = array<i32>} : memref<512x64xf32, #tpu.memory_space<vmem>>, vector<1x64xf32>,
      %swap3A_1124 = vector.shape_cast %swap3A_1123 : vector<1x64xf32> to vector<64xf32>
      %swap3A_1125 = vector.shape_cast %get3A_1120 : vector<64xf32> to vector<1x64xf32>
      tpu.vector_store %arg7[%swap3A_1121, %swap3A_1122], %swap3A_1125 {strides = array<i32>} : memref<512x64xf32, #tpu.memory_space<vmem>>, vector<1x64xf32>,
      %mul3A_1126 = arith.constant 8 : i32
      %mul3A_1127 = arith.muli %shift_right_arithmetic3A_110, %mul3A_1126 : i32
      %multiple_of3A_1128 = tpu.assume_multiple %mul3A_1127, 8 : i32
      %dma_start3A_1129 = arith.constant 8 : i32
      %dma_start3A_1130 = arith.constant 0 : i32
      %dma_start3A_1131 = arith.constant 0 : i32
      %dma_start3A_1132 = tpu.memref_slice %arg6[%dma_start3A_1129, %dma_start3A_1130, %dma_start3A_1131] : memref<16x8x64xf32, #tpu.memory_space<vmem>> -> memref<1x8x64xf32, #tpu.memory_space<vmem>>
      %dma_start3A_1133 = tpu.memref_squeeze %dma_start3A_1132 : memref<1x8x64xf32, #tpu.memory_space<vmem>> -> memref<8x64xf32, #tpu.memory_space<vmem>>
      %dma_start3A_1134 = arith.constant 0 : i32
      %dma_start3A_1135 = tpu.memref_slice %arg3[%multiple_of3A_1128, %dma_start3A_1134] : memref<1100001x64xf32, #tpu.memory_space<hbm>> -> memref<8x64xf32, #tpu.memory_space<hbm>>
      %dma_start3A_1136 = arith.constant 0 : i32
      %dma_start3A_1137 = arith.constant 0 : i32
      %dma_start3A_1138 = tpu.memref_slice %arg6[%dma_start3A_1129, %dma_start3A_1136, %dma_start3A_1137] : memref<16x8x64xf32, #tpu.memory_space<vmem>> -> memref<1x8x64xf32, #tpu.memory_space<vmem>>
      %dma_start3A_1139 = tpu.memref_squeeze %dma_start3A_1138 : memref<1x8x64xf32, #tpu.memory_space<vmem>> -> memref<8x64xf32, #tpu.memory_space<vmem>>
      %dma_start3A_1140 = arith.constant 0 : i32
      %dma_start3A_1141 = tpu.memref_slice %arg3[%multiple_of3A_1128, %dma_start3A_1140] : memref<1100001x64xf32, #tpu.memory_space<hbm>> -> memref<8x64xf32, #tpu.memory_space<hbm>>
      tpu.enqueue_dma source(%dma_start3A_1141 : memref<8x64xf32, #tpu.memory_space<hbm>>) target(%dma_start3A_1139 : memref<8x64xf32, #tpu.memory_space<vmem>>) target_semaphore(%arg9 : memref<!tpu.dma_semaphore, #tpu.memory_space<semaphore_mem>>)
      %mul3A_1142 = arith.constant 8 : i32
      %mul3A_1143 = arith.muli %shift_right_arithmetic3A_114, %mul3A_1142 : i32
      %multiple_of3A_1144 = tpu.assume_multiple %mul3A_1143, 8 : i32
      %dma_start3A_1145 = arith.constant 9 : i32
      %dma_start3A_1146 = arith.constant 0 : i32
      %dma_start3A_1147 = arith.constant 0 : i32
      %dma_start3A_1148 = tpu.memref_slice %arg6[%dma_start3A_1145, %dma_start3A_1146, %dma_start3A_1147] : memref<16x8x64xf32, #tpu.memory_space<vmem>> -> memref<1x8x64xf32, #tpu.memory_space<vmem>>
      %dma_start3A_1149 = tpu.memref_squeeze %dma_start3A_1148 : memref<1x8x64xf32, #tpu.memory_space<vmem>> -> memref<8x64xf32, #tpu.memory_space<vmem>>
      %dma_start3A_1150 = arith.constant 0 : i32
      %dma_start3A_1151 = tpu.memref_slice %arg3[%multiple_of3A_1144, %dma_start3A_1150] : memref<1100001x64xf32, #tpu.memory_space<hbm>> -> memref<8x64xf32, #tpu.memory_space<hbm>>
      %dma_start3A_1152 = arith.constant 0 : i32
      %dma_start3A_1153 = arith.constant 0 : i32
      %dma_start3A_1154 = tpu.memref_slice %arg6[%dma_start3A_1145, %dma_start3A_1152, %dma_start3A_1153] : memref<16x8x64xf32, #tpu.memory_space<vmem>> -> memref<1x8x64xf32, #tpu.memory_space<vmem>>
      %dma_start3A_1155 = tpu.memref_squeeze %dma_start3A_1154 : memref<1x8x64xf32, #tpu.memory_space<vmem>> -> memref<8x64xf32, #tpu.memory_space<vmem>>
      %dma_start3A_1156 = arith.constant 0 : i32
      %dma_start3A_1157 = tpu.memref_slice %arg3[%multiple_of3A_1144, %dma_start3A_1156] : memref<1100001x64xf32, #tpu.memory_space<hbm>> -> memref<8x64xf32, #tpu.memory_space<hbm>>
      tpu.enqueue_dma source(%dma_start3A_1157 : memref<8x64xf32, #tpu.memory_space<hbm>>) target(%dma_start3A_1155 : memref<8x64xf32, #tpu.memory_space<vmem>>) target_semaphore(%arg9 : memref<!tpu.dma_semaphore, #tpu.memory_space<semaphore_mem>>)
      %mul3A_1158 = arith.constant 8 : i32
      %mul3A_1159 = arith.muli %shift_right_arithmetic3A_118, %mul3A_1158 : i32
      %multiple_of3A_1160 = tpu.assume_multiple %mul3A_1159, 8 : i32
      %dma_start3A_1161 = arith.constant 10 : i32
      %dma_start3A_1162 = arith.constant 0 : i32
      %dma_start3A_1163 = arith.constant 0 : i32
      %dma_start3A_1164 = tpu.memref_slice %arg6[%dma_start3A_1161, %dma_start3A_1162, %dma_start3A_1163] : memref<16x8x64xf32, #tpu.memory_space<vmem>> -> memref<1x8x64xf32, #tpu.memory_space<vmem>>
      %dma_start3A_1165 = tpu.memref_squeeze %dma_start3A_1164 : memref<1x8x64xf32, #tpu.memory_space<vmem>> -> memref<8x64xf32, #tpu.memory_space<vmem>>
      %dma_start3A_1166 = arith.constant 0 : i32
      %dma_start3A_1167 = tpu.memref_slice %arg3[%multiple_of3A_1160, %dma_start3A_1166] : memref<1100001x64xf32, #tpu.memory_space<hbm>> -> memref<8x64xf32, #tpu.memory_space<hbm>>
      %dma_start3A_1168 = arith.constant 0 : i32
      %dma_start3A_1169 = arith.constant 0 : i32
      %dma_start3A_1170 = tpu.memref_slice %arg6[%dma_start3A_1161, %dma_start3A_1168, %dma_start3A_1169] : memref<16x8x64xf32, #tpu.memory_space<vmem>> -> memref<1x8x64xf32, #tpu.memory_space<vmem>>
      %dma_start3A_1171 = tpu.memref_squeeze %dma_start3A_1170 : memref<1x8x64xf32, #tpu.memory_space<vmem>> -> memref<8x64xf32, #tpu.memory_space<vmem>>
      %dma_start3A_1172 = arith.constant 0 : i32
      %dma_start3A_1173 = tpu.memref_slice %arg3[%multiple_of3A_1160, %dma_start3A_1172] : memref<1100001x64xf32, #tpu.memory_space<hbm>> -> memref<8x64xf32, #tpu.memory_space<hbm>>
      tpu.enqueue_dma source(%dma_start3A_1173 : memref<8x64xf32, #tpu.memory_space<hbm>>) target(%dma_start3A_1171 : memref<8x64xf32, #tpu.memory_space<vmem>>) target_semaphore(%arg9 : memref<!tpu.dma_semaphore, #tpu.memory_space<semaphore_mem>>)
      %mul3A_1174 = arith.constant 8 : i32
      %mul3A_1175 = arith.muli %shift_right_arithmetic3A_122, %mul3A_1174 : i32
      %multiple_of3A_1176 = tpu.assume_multiple %mul3A_1175, 8 : i32
      %dma_start3A_1177 = arith.constant 11 : i32
      %dma_start3A_1178 = arith.constant 0 : i32
      %dma_start3A_1179 = arith.constant 0 : i32
      %dma_start3A_1180 = tpu.memref_slice %arg6[%dma_start3A_1177, %dma_start3A_1178, %dma_start3A_1179] : memref<16x8x64xf32, #tpu.memory_space<vmem>> -> memref<1x8x64xf32, #tpu.memory_space<vmem>>
      %dma_start3A_1181 = tpu.memref_squeeze %dma_start3A_1180 : memref<1x8x64xf32, #tpu.memory_space<vmem>> -> memref<8x64xf32, #tpu.memory_space<vmem>>
      %dma_start3A_1182 = arith.constant 0 : i32
      %dma_start3A_1183 = tpu.memref_slice %arg3[%multiple_of3A_1176, %dma_start3A_1182] : memref<1100001x64xf32, #tpu.memory_space<hbm>> -> memref<8x64xf32, #tpu.memory_space<hbm>>
      %dma_start3A_1184 = arith.constant 0 : i32
      %dma_start3A_1185 = arith.constant 0 : i32
      %dma_start3A_1186 = tpu.memref_slice %arg6[%dma_start3A_1177, %dma_start3A_1184, %dma_start3A_1185] : memref<16x8x64xf32, #tpu.memory_space<vmem>> -> memref<1x8x64xf32, #tpu.memory_space<vmem>>
      %dma_start3A_1187 = tpu.memref_squeeze %dma_start3A_1186 : memref<1x8x64xf32, #tpu.memory_space<vmem>> -> memref<8x64xf32, #tpu.memory_space<vmem>>
      %dma_start3A_1188 = arith.constant 0 : i32
      %dma_start3A_1189 = tpu.memref_slice %arg3[%multiple_of3A_1176, %dma_start3A_1188] : memref<1100001x64xf32, #tpu.memory_space<hbm>> -> memref<8x64xf32, #tpu.memory_space<hbm>>
      tpu.enqueue_dma source(%dma_start3A_1189 : memref<8x64xf32, #tpu.memory_space<hbm>>) target(%dma_start3A_1187 : memref<8x64xf32, #tpu.memory_space<vmem>>) target_semaphore(%arg9 : memref<!tpu.dma_semaphore, #tpu.memory_space<semaphore_mem>>)
      %mul3A_1190 = arith.constant 8 : i32
      %mul3A_1191 = arith.muli %shift_right_arithmetic3A_126, %mul3A_1190 : i32
      %multiple_of3A_1192 = tpu.assume_multiple %mul3A_1191, 8 : i32
      %dma_start3A_1193 = arith.constant 12 : i32
      %dma_start3A_1194 = arith.constant 0 : i32
      %dma_start3A_1195 = arith.constant 0 : i32
      %dma_start3A_1196 = tpu.memref_slice %arg6[%dma_start3A_1193, %dma_start3A_1194, %dma_start3A_1195] : memref<16x8x64xf32, #tpu.memory_space<vmem>> -> memref<1x8x64xf32, #tpu.memory_space<vmem>>
      %dma_start3A_1197 = tpu.memref_squeeze %dma_start3A_1196 : memref<1x8x64xf32, #tpu.memory_space<vmem>> -> memref<8x64xf32, #tpu.memory_space<vmem>>
      %dma_start3A_1198 = arith.constant 0 : i32
      %dma_start3A_1199 = tpu.memref_slice %arg3[%multiple_of3A_1192, %dma_start3A_1198] : memref<1100001x64xf32, #tpu.memory_space<hbm>> -> memref<8x64xf32, #tpu.memory_space<hbm>>
      %dma_start3A_1200 = arith.constant 0 : i32
      %dma_start3A_1201 = arith.constant 0 : i32
      %dma_start3A_1202 = tpu.memref_slice %arg6[%dma_start3A_1193, %dma_start3A_1200, %dma_start3A_1201] : memref<16x8x64xf32, #tpu.memory_space<vmem>> -> memref<1x8x64xf32, #tpu.memory_space<vmem>>
      %dma_start3A_1203 = tpu.memref_squeeze %dma_start3A_1202 : memref<1x8x64xf32, #tpu.memory_space<vmem>> -> memref<8x64xf32, #tpu.memory_space<vmem>>
      %dma_start3A_1204 = arith.constant 0 : i32
      %dma_start3A_1205 = tpu.memref_slice %arg3[%multiple_of3A_1192, %dma_start3A_1204] : memref<1100001x64xf32, #tpu.memory_space<hbm>> -> memref<8x64xf32, #tpu.memory_space<hbm>>
      tpu.enqueue_dma source(%dma_start3A_1205 : memref<8x64xf32, #tpu.memory_space<hbm>>) target(%dma_start3A_1203 : memref<8x64xf32, #tpu.memory_space<vmem>>) target_semaphore(%arg9 : memref<!tpu.dma_semaphore, #tpu.memory_space<semaphore_mem>>)
      %mul3A_1206 = arith.constant 8 : i32
      %mul3A_1207 = arith.muli %shift_right_arithmetic3A_130, %mul3A_1206 : i32
      %multiple_of3A_1208 = tpu.assume_multiple %mul3A_1207, 8 : i32
      %dma_start3A_1209 = arith.constant 13 : i32
      %dma_start3A_1210 = arith.constant 0 : i32
      %dma_start3A_1211 = arith.constant 0 : i32
      %dma_start3A_1212 = tpu.memref_slice %arg6[%dma_start3A_1209, %dma_start3A_1210, %dma_start3A_1211] : memref<16x8x64xf32, #tpu.memory_space<vmem>> -> memref<1x8x64xf32, #tpu.memory_space<vmem>>
      %dma_start3A_1213 = tpu.memref_squeeze %dma_start3A_1212 : memref<1x8x64xf32, #tpu.memory_space<vmem>> -> memref<8x64xf32, #tpu.memory_space<vmem>>
      %dma_start3A_1214 = arith.constant 0 : i32
      %dma_start3A_1215 = tpu.memref_slice %arg3[%multiple_of3A_1208, %dma_start3A_1214] : memref<1100001x64xf32, #tpu.memory_space<hbm>> -> memref<8x64xf32, #tpu.memory_space<hbm>>
      %dma_start3A_1216 = arith.constant 0 : i32
      %dma_start3A_1217 = arith.constant 0 : i32
      %dma_start3A_1218 = tpu.memref_slice %arg6[%dma_start3A_1209, %dma_start3A_1216, %dma_start3A_1217] : memref<16x8x64xf32, #tpu.memory_space<vmem>> -> memref<1x8x64xf32, #tpu.memory_space<vmem>>
      %dma_start3A_1219 = tpu.memref_squeeze %dma_start3A_1218 : memref<1x8x64xf32, #tpu.memory_space<vmem>> -> memref<8x64xf32, #tpu.memory_space<vmem>>
      %dma_start3A_1220 = arith.constant 0 : i32
      %dma_start3A_1221 = tpu.memref_slice %arg3[%multiple_of3A_1208, %dma_start3A_1220] : memref<1100001x64xf32, #tpu.memory_space<hbm>> -> memref<8x64xf32, #tpu.memory_space<hbm>>
      tpu.enqueue_dma source(%dma_start3A_1221 : memref<8x64xf32, #tpu.memory_space<hbm>>) target(%dma_start3A_1219 : memref<8x64xf32, #tpu.memory_space<vmem>>) target_semaphore(%arg9 : memref<!tpu.dma_semaphore, #tpu.memory_space<semaphore_mem>>)
      %mul3A_1222 = arith.constant 8 : i32
      %mul3A_1223 = arith.muli %shift_right_arithmetic3A_134, %mul3A_1222 : i32
      %multiple_of3A_1224 = tpu.assume_multiple %mul3A_1223, 8 : i32
      %dma_start3A_1225 = arith.constant 14 : i32
      %dma_start3A_1226 = arith.constant 0 : i32
      %dma_start3A_1227 = arith.constant 0 : i32
      %dma_start3A_1228 = tpu.memref_slice %arg6[%dma_start3A_1225, %dma_start3A_1226, %dma_start3A_1227] : memref<16x8x64xf32, #tpu.memory_space<vmem>> -> memref<1x8x64xf32, #tpu.memory_space<vmem>>
      %dma_start3A_1229 = tpu.memref_squeeze %dma_start3A_1228 : memref<1x8x64xf32, #tpu.memory_space<vmem>> -> memref<8x64xf32, #tpu.memory_space<vmem>>
      %dma_start3A_1230 = arith.constant 0 : i32
      %dma_start3A_1231 = tpu.memref_slice %arg3[%multiple_of3A_1224, %dma_start3A_1230] : memref<1100001x64xf32, #tpu.memory_space<hbm>> -> memref<8x64xf32, #tpu.memory_space<hbm>>
      %dma_start3A_1232 = arith.constant 0 : i32
      %dma_start3A_1233 = arith.constant 0 : i32
      %dma_start3A_1234 = tpu.memref_slice %arg6[%dma_start3A_1225, %dma_start3A_1232, %dma_start3A_1233] : memref<16x8x64xf32, #tpu.memory_space<vmem>> -> memref<1x8x64xf32, #tpu.memory_space<vmem>>
      %dma_start3A_1235 = tpu.memref_squeeze %dma_start3A_1234 : memref<1x8x64xf32, #tpu.memory_space<vmem>> -> memref<8x64xf32, #tpu.memory_space<vmem>>
      %dma_start3A_1236 = arith.constant 0 : i32
      %dma_start3A_1237 = tpu.memref_slice %arg3[%multiple_of3A_1224, %dma_start3A_1236] : memref<1100001x64xf32, #tpu.memory_space<hbm>> -> memref<8x64xf32, #tpu.memory_space<hbm>>
      tpu.enqueue_dma source(%dma_start3A_1237 : memref<8x64xf32, #tpu.memory_space<hbm>>) target(%dma_start3A_1235 : memref<8x64xf32, #tpu.memory_space<vmem>>) target_semaphore(%arg9 : memref<!tpu.dma_semaphore, #tpu.memory_space<semaphore_mem>>)
      %mul3A_1238 = arith.constant 8 : i32
      %mul3A_1239 = arith.muli %shift_right_arithmetic3A_138, %mul3A_1238 : i32
      %multiple_of3A_1240 = tpu.assume_multiple %mul3A_1239, 8 : i32
      %dma_start3A_1241 = arith.constant 15 : i32
      %dma_start3A_1242 = arith.constant 0 : i32
      %dma_start3A_1243 = arith.constant 0 : i32
      %dma_start3A_1244 = tpu.memref_slice %arg6[%dma_start3A_1241, %dma_start3A_1242, %dma_start3A_1243] : memref<16x8x64xf32, #tpu.memory_space<vmem>> -> memref<1x8x64xf32, #tpu.memory_space<vmem>>
      %dma_start3A_1245 = tpu.memref_squeeze %dma_start3A_1244 : memref<1x8x64xf32, #tpu.memory_space<vmem>> -> memref<8x64xf32, #tpu.memory_space<vmem>>
      %dma_start3A_1246 = arith.constant 0 : i32
      %dma_start3A_1247 = tpu.memref_slice %arg3[%multiple_of3A_1240, %dma_start3A_1246] : memref<1100001x64xf32, #tpu.memory_space<hbm>> -> memref<8x64xf32, #tpu.memory_space<hbm>>
      %dma_start3A_1248 = arith.constant 0 : i32
      %dma_start3A_1249 = arith.constant 0 : i32
      %dma_start3A_1250 = tpu.memref_slice %arg6[%dma_start3A_1241, %dma_start3A_1248, %dma_start3A_1249] : memref<16x8x64xf32, #tpu.memory_space<vmem>> -> memref<1x8x64xf32, #tpu.memory_space<vmem>>
      %dma_start3A_1251 = tpu.memref_squeeze %dma_start3A_1250 : memref<1x8x64xf32, #tpu.memory_space<vmem>> -> memref<8x64xf32, #tpu.memory_space<vmem>>
      %dma_start3A_1252 = arith.constant 0 : i32
      %dma_start3A_1253 = tpu.memref_slice %arg3[%multiple_of3A_1240, %dma_start3A_1252] : memref<1100001x64xf32, #tpu.memory_space<hbm>> -> memref<8x64xf32, #tpu.memory_space<hbm>>
      tpu.enqueue_dma source(%dma_start3A_1253 : memref<8x64xf32, #tpu.memory_space<hbm>>) target(%dma_start3A_1251 : memref<8x64xf32, #tpu.memory_space<vmem>>) target_semaphore(%arg9 : memref<!tpu.dma_semaphore, #tpu.memory_space<semaphore_mem>>)
      %dma_wait3A_1254 = arith.constant 0 : i32
      %dma_wait3A_1255 = arith.constant 0 : i32
      %dma_wait3A_1256 = arith.constant 0 : i32
      %dma_wait3A_1257 = tpu.memref_slice %arg6[%dma_wait3A_1254, %dma_wait3A_1255, %dma_wait3A_1256] : memref<16x8x64xf32, #tpu.memory_space<vmem>> -> memref<1x8x64xf32, #tpu.memory_space<vmem>>
      %dma_wait3A_1258 = tpu.memref_squeeze %dma_wait3A_1257 : memref<1x8x64xf32, #tpu.memory_space<vmem>> -> memref<8x64xf32, #tpu.memory_space<vmem>>
      %dma_wait3A_1259 = arith.constant 0 : i32
      %dma_wait3A_1260 = arith.constant 0 : i32
      %dma_wait3A_1261 = tpu.memref_slice %arg3[%dma_wait3A_1259, %dma_wait3A_1260] : memref<1100001x64xf32, #tpu.memory_space<hbm>> -> memref<8x64xf32, #tpu.memory_space<hbm>>
      %dma_wait3A_1262 = arith.constant 0 : i32
      %dma_wait3A_1263 = arith.constant 0 : i32
      %dma_wait3A_1264 = tpu.memref_slice %arg6[%dma_wait3A_1254, %dma_wait3A_1262, %dma_wait3A_1263] : memref<16x8x64xf32, #tpu.memory_space<vmem>> -> memref<1x8x64xf32, #tpu.memory_space<vmem>>
      %dma_wait3A_1265 = tpu.memref_squeeze %dma_wait3A_1264 : memref<1x8x64xf32, #tpu.memory_space<vmem>> -> memref<8x64xf32, #tpu.memory_space<vmem>>
      %dma_wait3A_1266 = arith.constant 0 : i32
      %dma_wait3A_1267 = arith.constant 0 : i32
      %dma_wait3A_1268 = tpu.memref_slice %arg3[%dma_wait3A_1266, %dma_wait3A_1267] : memref<1100001x64xf32, #tpu.memory_space<hbm>> -> memref<8x64xf32, #tpu.memory_space<hbm>>
      tpu.wait_dma2 semaphore(%arg8 : memref<!tpu.dma_semaphore, #tpu.memory_space<semaphore_mem>>) src(%dma_wait3A_1268 : memref<8x64xf32, #tpu.memory_space<hbm>>) dst(%dma_wait3A_1265 : memref<8x64xf32, #tpu.memory_space<vmem>>)
      %dma_wait3A_1269 = arith.constant 0 : i32
      %dma_wait3A_1270 = arith.constant 0 : i32
      %dma_wait3A_1271 = arith.constant 0 : i32
      %dma_wait3A_1272 = tpu.memref_slice %arg6[%dma_wait3A_1269, %dma_wait3A_1270, %dma_wait3A_1271] : memref<16x8x64xf32, #tpu.memory_space<vmem>> -> memref<1x8x64xf32, #tpu.memory_space<vmem>>
      %dma_wait3A_1273 = tpu.memref_squeeze %dma_wait3A_1272 : memref<1x8x64xf32, #tpu.memory_space<vmem>> -> memref<8x64xf32, #tpu.memory_space<vmem>>
      %dma_wait3A_1274 = arith.constant 0 : i32
      %dma_wait3A_1275 = arith.constant 0 : i32
      %dma_wait3A_1276 = tpu.memref_slice %arg3[%dma_wait3A_1274, %dma_wait3A_1275] : memref<1100001x64xf32, #tpu.memory_space<hbm>> -> memref<8x64xf32, #tpu.memory_space<hbm>>
      %dma_wait3A_1277 = arith.constant 0 : i32
      %dma_wait3A_1278 = arith.constant 0 : i32
      %dma_wait3A_1279 = tpu.memref_slice %arg6[%dma_wait3A_1269, %dma_wait3A_1277, %dma_wait3A_1278] : memref<16x8x64xf32, #tpu.memory_space<vmem>> -> memref<1x8x64xf32, #tpu.memory_space<vmem>>
      %dma_wait3A_1280 = tpu.memref_squeeze %dma_wait3A_1279 : memref<1x8x64xf32, #tpu.memory_space<vmem>> -> memref<8x64xf32, #tpu.memory_space<vmem>>
      %dma_wait3A_1281 = arith.constant 0 : i32
      %dma_wait3A_1282 = arith.constant 0 : i32
      %dma_wait3A_1283 = tpu.memref_slice %arg3[%dma_wait3A_1281, %dma_wait3A_1282] : memref<1100001x64xf32, #tpu.memory_space<hbm>> -> memref<8x64xf32, #tpu.memory_space<hbm>>
      tpu.wait_dma2 semaphore(%arg8 : memref<!tpu.dma_semaphore, #tpu.memory_space<semaphore_mem>>) src(%dma_wait3A_1283 : memref<8x64xf32, #tpu.memory_space<hbm>>) dst(%dma_wait3A_1280 : memref<8x64xf32, #tpu.memory_space<vmem>>)
      %dma_wait3A_1284 = arith.constant 0 : i32
      %dma_wait3A_1285 = arith.constant 0 : i32
      %dma_wait3A_1286 = arith.constant 0 : i32
      %dma_wait3A_1287 = tpu.memref_slice %arg6[%dma_wait3A_1284, %dma_wait3A_1285, %dma_wait3A_1286] : memref<16x8x64xf32, #tpu.memory_space<vmem>> -> memref<1x8x64xf32, #tpu.memory_space<vmem>>
      %dma_wait3A_1288 = tpu.memref_squeeze %dma_wait3A_1287 : memref<1x8x64xf32, #tpu.memory_space<vmem>> -> memref<8x64xf32, #tpu.memory_space<vmem>>
      %dma_wait3A_1289 = arith.constant 0 : i32
      %dma_wait3A_1290 = arith.constant 0 : i32
      %dma_wait3A_1291 = tpu.memref_slice %arg3[%dma_wait3A_1289, %dma_wait3A_1290] : memref<1100001x64xf32, #tpu.memory_space<hbm>> -> memref<8x64xf32, #tpu.memory_space<hbm>>
      %dma_wait3A_1292 = arith.constant 0 : i32
      %dma_wait3A_1293 = arith.constant 0 : i32
      %dma_wait3A_1294 = tpu.memref_slice %arg6[%dma_wait3A_1284, %dma_wait3A_1292, %dma_wait3A_1293] : memref<16x8x64xf32, #tpu.memory_space<vmem>> -> memref<1x8x64xf32, #tpu.memory_space<vmem>>
      %dma_wait3A_1295 = tpu.memref_squeeze %dma_wait3A_1294 : memref<1x8x64xf32, #tpu.memory_space<vmem>> -> memref<8x64xf32, #tpu.memory_space<vmem>>
      %dma_wait3A_1296 = arith.constant 0 : i32
      %dma_wait3A_1297 = arith.constant 0 : i32
      %dma_wait3A_1298 = tpu.memref_slice %arg3[%dma_wait3A_1296, %dma_wait3A_1297] : memref<1100001x64xf32, #tpu.memory_space<hbm>> -> memref<8x64xf32, #tpu.memory_space<hbm>>
      tpu.wait_dma2 semaphore(%arg8 : memref<!tpu.dma_semaphore, #tpu.memory_space<semaphore_mem>>) src(%dma_wait3A_1298 : memref<8x64xf32, #tpu.memory_space<hbm>>) dst(%dma_wait3A_1295 : memref<8x64xf32, #tpu.memory_space<vmem>>)
      %dma_wait3A_1299 = arith.constant 0 : i32
      %dma_wait3A_1300 = arith.constant 0 : i32
      %dma_wait3A_1301 = arith.constant 0 : i32
      %dma_wait3A_1302 = tpu.memref_slice %arg6[%dma_wait3A_1299, %dma_wait3A_1300, %dma_wait3A_1301] : memref<16x8x64xf32, #tpu.memory_space<vmem>> -> memref<1x8x64xf32, #tpu.memory_space<vmem>>
      %dma_wait3A_1303 = tpu.memref_squeeze %dma_wait3A_1302 : memref<1x8x64xf32, #tpu.memory_space<vmem>> -> memref<8x64xf32, #tpu.memory_space<vmem>>
      %dma_wait3A_1304 = arith.constant 0 : i32
      %dma_wait3A_1305 = arith.constant 0 : i32
      %dma_wait3A_1306 = tpu.memref_slice %arg3[%dma_wait3A_1304, %dma_wait3A_1305] : memref<1100001x64xf32, #tpu.memory_space<hbm>> -> memref<8x64xf32, #tpu.memory_space<hbm>>
      %dma_wait3A_1307 = arith.constant 0 : i32
      %dma_wait3A_1308 = arith.constant 0 : i32
      %dma_wait3A_1309 = tpu.memref_slice %arg6[%dma_wait3A_1299, %dma_wait3A_1307, %dma_wait3A_1308] : memref<16x8x64xf32, #tpu.memory_space<vmem>> -> memref<1x8x64xf32, #tpu.memory_space<vmem>>
      %dma_wait3A_1310 = tpu.memref_squeeze %dma_wait3A_1309 : memref<1x8x64xf32, #tpu.memory_space<vmem>> -> memref<8x64xf32, #tpu.memory_space<vmem>>
      %dma_wait3A_1311 = arith.constant 0 : i32
      %dma_wait3A_1312 = arith.constant 0 : i32
      %dma_wait3A_1313 = tpu.memref_slice %arg3[%dma_wait3A_1311, %dma_wait3A_1312] : memref<1100001x64xf32, #tpu.memory_space<hbm>> -> memref<8x64xf32, #tpu.memory_space<hbm>>
      tpu.wait_dma2 semaphore(%arg8 : memref<!tpu.dma_semaphore, #tpu.memory_space<semaphore_mem>>) src(%dma_wait3A_1313 : memref<8x64xf32, #tpu.memory_space<hbm>>) dst(%dma_wait3A_1310 : memref<8x64xf32, #tpu.memory_space<vmem>>)
      %dma_wait3A_1314 = arith.constant 0 : i32
      %dma_wait3A_1315 = arith.constant 0 : i32
      %dma_wait3A_1316 = arith.constant 0 : i32
      %dma_wait3A_1317 = tpu.memref_slice %arg6[%dma_wait3A_1314, %dma_wait3A_1315, %dma_wait3A_1316] : memref<16x8x64xf32, #tpu.memory_space<vmem>> -> memref<1x8x64xf32, #tpu.memory_space<vmem>>
      %dma_wait3A_1318 = tpu.memref_squeeze %dma_wait3A_1317 : memref<1x8x64xf32, #tpu.memory_space<vmem>> -> memref<8x64xf32, #tpu.memory_space<vmem>>
      %dma_wait3A_1319 = arith.constant 0 : i32
      %dma_wait3A_1320 = arith.constant 0 : i32
      %dma_wait3A_1321 = tpu.memref_slice %arg3[%dma_wait3A_1319, %dma_wait3A_1320] : memref<1100001x64xf32, #tpu.memory_space<hbm>> -> memref<8x64xf32, #tpu.memory_space<hbm>>
      %dma_wait3A_1322 = arith.constant 0 : i32
      %dma_wait3A_1323 = arith.constant 0 : i32
      %dma_wait3A_1324 = tpu.memref_slice %arg6[%dma_wait3A_1314, %dma_wait3A_1322, %dma_wait3A_1323] : memref<16x8x64xf32, #tpu.memory_space<vmem>> -> memref<1x8x64xf32, #tpu.memory_space<vmem>>
      %dma_wait3A_1325 = tpu.memref_squeeze %dma_wait3A_1324 : memref<1x8x64xf32, #tpu.memory_space<vmem>> -> memref<8x64xf32, #tpu.memory_space<vmem>>
      %dma_wait3A_1326 = arith.constant 0 : i32
      %dma_wait3A_1327 = arith.constant 0 : i32
      %dma_wait3A_1328 = tpu.memref_slice %arg3[%dma_wait3A_1326, %dma_wait3A_1327] : memref<1100001x64xf32, #tpu.memory_space<hbm>> -> memref<8x64xf32, #tpu.memory_space<hbm>>
      tpu.wait_dma2 semaphore(%arg8 : memref<!tpu.dma_semaphore, #tpu.memory_space<semaphore_mem>>) src(%dma_wait3A_1328 : memref<8x64xf32, #tpu.memory_space<hbm>>) dst(%dma_wait3A_1325 : memref<8x64xf32, #tpu.memory_space<vmem>>)
      %dma_wait3A_1329 = arith.constant 0 : i32
      %dma_wait3A_1330 = arith.constant 0 : i32
      %dma_wait3A_1331 = arith.constant 0 : i32
      %dma_wait3A_1332 = tpu.memref_slice %arg6[%dma_wait3A_1329, %dma_wait3A_1330, %dma_wait3A_1331] : memref<16x8x64xf32, #tpu.memory_space<vmem>> -> memref<1x8x64xf32, #tpu.memory_space<vmem>>
      %dma_wait3A_1333 = tpu.memref_squeeze %dma_wait3A_1332 : memref<1x8x64xf32, #tpu.memory_space<vmem>> -> memref<8x64xf32, #tpu.memory_space<vmem>>
      %dma_wait3A_1334 = arith.constant 0 : i32
      %dma_wait3A_1335 = arith.constant 0 : i32
      %dma_wait3A_1336 = tpu.memref_slice %arg3[%dma_wait3A_1334, %dma_wait3A_1335] : memref<1100001x64xf32, #tpu.memory_space<hbm>> -> memref<8x64xf32, #tpu.memory_space<hbm>>
      %dma_wait3A_1337 = arith.constant 0 : i32
      %dma_wait3A_1338 = arith.constant 0 : i32
      %dma_wait3A_1339 = tpu.memref_slice %arg6[%dma_wait3A_1329, %dma_wait3A_1337, %dma_wait3A_1338] : memref<16x8x64xf32, #tpu.memory_space<vmem>> -> memref<1x8x64xf32, #tpu.memory_space<vmem>>
      %dma_wait3A_1340 = tpu.memref_squeeze %dma_wait3A_1339 : memref<1x8x64xf32, #tpu.memory_space<vmem>> -> memref<8x64xf32, #tpu.memory_space<vmem>>
      %dma_wait3A_1341 = arith.constant 0 : i32
      %dma_wait3A_1342 = arith.constant 0 : i32
      %dma_wait3A_1343 = tpu.memref_slice %arg3[%dma_wait3A_1341, %dma_wait3A_1342] : memref<1100001x64xf32, #tpu.memory_space<hbm>> -> memref<8x64xf32, #tpu.memory_space<hbm>>
      tpu.wait_dma2 semaphore(%arg8 : memref<!tpu.dma_semaphore, #tpu.memory_space<semaphore_mem>>) src(%dma_wait3A_1343 : memref<8x64xf32, #tpu.memory_space<hbm>>) dst(%dma_wait3A_1340 : memref<8x64xf32, #tpu.memory_space<vmem>>)
      %dma_wait3A_1344 = arith.constant 0 : i32
      %dma_wait3A_1345 = arith.constant 0 : i32
      %dma_wait3A_1346 = arith.constant 0 : i32
      %dma_wait3A_1347 = tpu.memref_slice %arg6[%dma_wait3A_1344, %dma_wait3A_1345, %dma_wait3A_1346] : memref<16x8x64xf32, #tpu.memory_space<vmem>> -> memref<1x8x64xf32, #tpu.memory_space<vmem>>
      %dma_wait3A_1348 = tpu.memref_squeeze %dma_wait3A_1347 : memref<1x8x64xf32, #tpu.memory_space<vmem>> -> memref<8x64xf32, #tpu.memory_space<vmem>>
      %dma_wait3A_1349 = arith.constant 0 : i32
      %dma_wait3A_1350 = arith.constant 0 : i32
      %dma_wait3A_1351 = tpu.memref_slice %arg3[%dma_wait3A_1349, %dma_wait3A_1350] : memref<1100001x64xf32, #tpu.memory_space<hbm>> -> memref<8x64xf32, #tpu.memory_space<hbm>>
      %dma_wait3A_1352 = arith.constant 0 : i32
      %dma_wait3A_1353 = arith.constant 0 : i32
      %dma_wait3A_1354 = tpu.memref_slice %arg6[%dma_wait3A_1344, %dma_wait3A_1352, %dma_wait3A_1353] : memref<16x8x64xf32, #tpu.memory_space<vmem>> -> memref<1x8x64xf32, #tpu.memory_space<vmem>>
      %dma_wait3A_1355 = tpu.memref_squeeze %dma_wait3A_1354 : memref<1x8x64xf32, #tpu.memory_space<vmem>> -> memref<8x64xf32, #tpu.memory_space<vmem>>
      %dma_wait3A_1356 = arith.constant 0 : i32
      %dma_wait3A_1357 = arith.constant 0 : i32
      %dma_wait3A_1358 = tpu.memref_slice %arg3[%dma_wait3A_1356, %dma_wait3A_1357] : memref<1100001x64xf32, #tpu.memory_space<hbm>> -> memref<8x64xf32, #tpu.memory_space<hbm>>
      tpu.wait_dma2 semaphore(%arg8 : memref<!tpu.dma_semaphore, #tpu.memory_space<semaphore_mem>>) src(%dma_wait3A_1358 : memref<8x64xf32, #tpu.memory_space<hbm>>) dst(%dma_wait3A_1355 : memref<8x64xf32, #tpu.memory_space<vmem>>)
      %dma_wait3A_1359 = arith.constant 0 : i32
      %dma_wait3A_1360 = arith.constant 0 : i32
      %dma_wait3A_1361 = arith.constant 0 : i32
      %dma_wait3A_1362 = tpu.memref_slice %arg6[%dma_wait3A_1359, %dma_wait3A_1360, %dma_wait3A_1361] : memref<16x8x64xf32, #tpu.memory_space<vmem>> -> memref<1x8x64xf32, #tpu.memory_space<vmem>>
      %dma_wait3A_1363 = tpu.memref_squeeze %dma_wait3A_1362 : memref<1x8x64xf32, #tpu.memory_space<vmem>> -> memref<8x64xf32, #tpu.memory_space<vmem>>
      %dma_wait3A_1364 = arith.constant 0 : i32
      %dma_wait3A_1365 = arith.constant 0 : i32
      %dma_wait3A_1366 = tpu.memref_slice %arg3[%dma_wait3A_1364, %dma_wait3A_1365] : memref<1100001x64xf32, #tpu.memory_space<hbm>> -> memref<8x64xf32, #tpu.memory_space<hbm>>
      %dma_wait3A_1367 = arith.constant 0 : i32
      %dma_wait3A_1368 = arith.constant 0 : i32
      %dma_wait3A_1369 = tpu.memref_slice %arg6[%dma_wait3A_1359, %dma_wait3A_1367, %dma_wait3A_1368] : memref<16x8x64xf32, #tpu.memory_space<vmem>> -> memref<1x8x64xf32, #tpu.memory_space<vmem>>
      %dma_wait3A_1370 = tpu.memref_squeeze %dma_wait3A_1369 : memref<1x8x64xf32, #tpu.memory_space<vmem>> -> memref<8x64xf32, #tpu.memory_space<vmem>>
      %dma_wait3A_1371 = arith.constant 0 : i32
      %dma_wait3A_1372 = arith.constant 0 : i32
      %dma_wait3A_1373 = tpu.memref_slice %arg3[%dma_wait3A_1371, %dma_wait3A_1372] : memref<1100001x64xf32, #tpu.memory_space<hbm>> -> memref<8x64xf32, #tpu.memory_space<hbm>>
      tpu.wait_dma2 semaphore(%arg8 : memref<!tpu.dma_semaphore, #tpu.memory_space<semaphore_mem>>) src(%dma_wait3A_1373 : memref<8x64xf32, #tpu.memory_space<hbm>>) dst(%dma_wait3A_1370 : memref<8x64xf32, #tpu.memory_space<vmem>>)
      %mul3A_1374 = arith.constant 32 : i32
      %mul3A_1375 = arith.muli %scan3A_10, %mul3A_1374 : i32
      %add3A_1376 = arith.constant 16 : i32
      %add3A_1377 = arith.addi %mul3A_1375, %add3A_1376 : i32
      %get3A_1378 = arith.constant 0 : i32
      %get3A_1379 = arith.index_cast %get3A_1378 : i32 to index
      %get3A_1380 = arith.index_cast %and3A_205 : i32 to index
      %get3A_1381 = arith.constant 0 : index
      %get3A_1382 = tpu.vector_load %arg6[%get3A_1379, %get3A_1380, %get3A_1381] {strides = array<i32>} : memref<16x8x64xf32, #tpu.memory_space<vmem>>, vector<1x1x64xf32>,
      %get3A_1383 = vector.shape_cast %get3A_1382 : vector<1x1x64xf32> to vector<64xf32>
      %swap3A_1384 = arith.index_cast %add3A_1377 : i32 to index
      %swap3A_1385 = arith.constant 0 : index
      %swap3A_1386 = tpu.vector_load %arg7[%swap3A_1384, %swap3A_1385] {strides = array<i32>} : memref<512x64xf32, #tpu.memory_space<vmem>>, vector<1x64xf32>,
      %swap3A_1387 = vector.shape_cast %swap3A_1386 : vector<1x64xf32> to vector<64xf32>
      %swap3A_1388 = vector.shape_cast %get3A_1383 : vector<64xf32> to vector<1x64xf32>
      tpu.vector_store %arg7[%swap3A_1384, %swap3A_1385], %swap3A_1388 {strides = array<i32>} : memref<512x64xf32, #tpu.memory_space<vmem>>, vector<1x64xf32>,
      %mul3A_1389 = arith.constant 32 : i32
      %mul3A_1390 = arith.muli %scan3A_10, %mul3A_1389 : i32
      %add3A_1391 = arith.constant 17 : i32
      %add3A_1392 = arith.addi %mul3A_1390, %add3A_1391 : i32
      %get3A_1393 = arith.constant 1 : i32
      %get3A_1394 = arith.index_cast %get3A_1393 : i32 to index
      %get3A_1395 = arith.index_cast %and3A_209 : i32 to index
      %get3A_1396 = arith.constant 0 : index
      %get3A_1397 = tpu.vector_load %arg6[%get3A_1394, %get3A_1395, %get3A_1396] {strides = array<i32>} : memref<16x8x64xf32, #tpu.memory_space<vmem>>, vector<1x1x64xf32>,
      %get3A_1398 = vector.shape_cast %get3A_1397 : vector<1x1x64xf32> to vector<64xf32>
      %swap3A_1399 = arith.index_cast %add3A_1392 : i32 to index
      %swap3A_1400 = arith.constant 0 : index
      %swap3A_1401 = tpu.vector_load %arg7[%swap3A_1399, %swap3A_1400] {strides = array<i32>} : memref<512x64xf32, #tpu.memory_space<vmem>>, vector<1x64xf32>,
      %swap3A_1402 = vector.shape_cast %swap3A_1401 : vector<1x64xf32> to vector<64xf32>
      %swap3A_1403 = vector.shape_cast %get3A_1398 : vector<64xf32> to vector<1x64xf32>
      tpu.vector_store %arg7[%swap3A_1399, %swap3A_1400], %swap3A_1403 {strides = array<i32>} : memref<512x64xf32, #tpu.memory_space<vmem>>, vector<1x64xf32>,
      %mul3A_1404 = arith.constant 32 : i32
      %mul3A_1405 = arith.muli %scan3A_10, %mul3A_1404 : i32
      %add3A_1406 = arith.constant 18 : i32
      %add3A_1407 = arith.addi %mul3A_1405, %add3A_1406 : i32
      %get3A_1408 = arith.constant 2 : i32
      %get3A_1409 = arith.index_cast %get3A_1408 : i32 to index
      %get3A_1410 = arith.index_cast %and3A_213 : i32 to index
      %get3A_1411 = arith.constant 0 : index
      %get3A_1412 = tpu.vector_load %arg6[%get3A_1409, %get3A_1410, %get3A_1411] {strides = array<i32>} : memref<16x8x64xf32, #tpu.memory_space<vmem>>, vector<1x1x64xf32>,
      %get3A_1413 = vector.shape_cast %get3A_1412 : vector<1x1x64xf32> to vector<64xf32>
      %swap3A_1414 = arith.index_cast %add3A_1407 : i32 to index
      %swap3A_1415 = arith.constant 0 : index
      %swap3A_1416 = tpu.vector_load %arg7[%swap3A_1414, %swap3A_1415] {strides = array<i32>} : memref<512x64xf32, #tpu.memory_space<vmem>>, vector<1x64xf32>,
      %swap3A_1417 = vector.shape_cast %swap3A_1416 : vector<1x64xf32> to vector<64xf32>
      %swap3A_1418 = vector.shape_cast %get3A_1413 : vector<64xf32> to vector<1x64xf32>
      tpu.vector_store %arg7[%swap3A_1414, %swap3A_1415], %swap3A_1418 {strides = array<i32>} : memref<512x64xf32, #tpu.memory_space<vmem>>, vector<1x64xf32>,
      %mul3A_1419 = arith.constant 32 : i32
      %mul3A_1420 = arith.muli %scan3A_10, %mul3A_1419 : i32
      %add3A_1421 = arith.constant 19 : i32
      %add3A_1422 = arith.addi %mul3A_1420, %add3A_1421 : i32
      %get3A_1423 = arith.constant 3 : i32
      %get3A_1424 = arith.index_cast %get3A_1423 : i32 to index
      %get3A_1425 = arith.index_cast %and3A_217 : i32 to index
      %get3A_1426 = arith.constant 0 : index
      %get3A_1427 = tpu.vector_load %arg6[%get3A_1424, %get3A_1425, %get3A_1426] {strides = array<i32>} : memref<16x8x64xf32, #tpu.memory_space<vmem>>, vector<1x1x64xf32>,
      %get3A_1428 = vector.shape_cast %get3A_1427 : vector<1x1x64xf32> to vector<64xf32>
      %swap3A_1429 = arith.index_cast %add3A_1422 : i32 to index
      %swap3A_1430 = arith.constant 0 : index
      %swap3A_1431 = tpu.vector_load %arg7[%swap3A_1429, %swap3A_1430] {strides = array<i32>} : memref<512x64xf32, #tpu.memory_space<vmem>>, vector<1x64xf32>,
      %swap3A_1432 = vector.shape_cast %swap3A_1431 : vector<1x64xf32> to vector<64xf32>
      %swap3A_1433 = vector.shape_cast %get3A_1428 : vector<64xf32> to vector<1x64xf32>
      tpu.vector_store %arg7[%swap3A_1429, %swap3A_1430], %swap3A_1433 {strides = array<i32>} : memref<512x64xf32, #tpu.memory_space<vmem>>, vector<1x64xf32>,
      %mul3A_1434 = arith.constant 32 : i32
      %mul3A_1435 = arith.muli %scan3A_10, %mul3A_1434 : i32
      %add3A_1436 = arith.constant 20 : i32
      %add3A_1437 = arith.addi %mul3A_1435, %add3A_1436 : i32
      %get3A_1438 = arith.constant 4 : i32
      %get3A_1439 = arith.index_cast %get3A_1438 : i32 to index
      %get3A_1440 = arith.index_cast %and3A_221 : i32 to index
      %get3A_1441 = arith.constant 0 : index
      %get3A_1442 = tpu.vector_load %arg6[%get3A_1439, %get3A_1440, %get3A_1441] {strides = array<i32>} : memref<16x8x64xf32, #tpu.memory_space<vmem>>, vector<1x1x64xf32>,
      %get3A_1443 = vector.shape_cast %get3A_1442 : vector<1x1x64xf32> to vector<64xf32>
      %swap3A_1444 = arith.index_cast %add3A_1437 : i32 to index
      %swap3A_1445 = arith.constant 0 : index
      %swap3A_1446 = tpu.vector_load %arg7[%swap3A_1444, %swap3A_1445] {strides = array<i32>} : memref<512x64xf32, #tpu.memory_space<vmem>>, vector<1x64xf32>,
      %swap3A_1447 = vector.shape_cast %swap3A_1446 : vector<1x64xf32> to vector<64xf32>
      %swap3A_1448 = vector.shape_cast %get3A_1443 : vector<64xf32> to vector<1x64xf32>
      tpu.vector_store %arg7[%swap3A_1444, %swap3A_1445], %swap3A_1448 {strides = array<i32>} : memref<512x64xf32, #tpu.memory_space<vmem>>, vector<1x64xf32>,
      %mul3A_1449 = arith.constant 32 : i32
      %mul3A_1450 = arith.muli %scan3A_10, %mul3A_1449 : i32
      %add3A_1451 = arith.constant 21 : i32
      %add3A_1452 = arith.addi %mul3A_1450, %add3A_1451 : i32
      %get3A_1453 = arith.constant 5 : i32
      %get3A_1454 = arith.index_cast %get3A_1453 : i32 to index
      %get3A_1455 = arith.index_cast %and3A_225 : i32 to index
      %get3A_1456 = arith.constant 0 : index
      %get3A_1457 = tpu.vector_load %arg6[%get3A_1454, %get3A_1455, %get3A_1456] {strides = array<i32>} : memref<16x8x64xf32, #tpu.memory_space<vmem>>, vector<1x1x64xf32>,
      %get3A_1458 = vector.shape_cast %get3A_1457 : vector<1x1x64xf32> to vector<64xf32>
      %swap3A_1459 = arith.index_cast %add3A_1452 : i32 to index
      %swap3A_1460 = arith.constant 0 : index
      %swap3A_1461 = tpu.vector_load %arg7[%swap3A_1459, %swap3A_1460] {strides = array<i32>} : memref<512x64xf32, #tpu.memory_space<vmem>>, vector<1x64xf32>,
      %swap3A_1462 = vector.shape_cast %swap3A_1461 : vector<1x64xf32> to vector<64xf32>
      %swap3A_1463 = vector.shape_cast %get3A_1458 : vector<64xf32> to vector<1x64xf32>
      tpu.vector_store %arg7[%swap3A_1459, %swap3A_1460], %swap3A_1463 {strides = array<i32>} : memref<512x64xf32, #tpu.memory_space<vmem>>, vector<1x64xf32>,
      %mul3A_1464 = arith.constant 32 : i32
      %mul3A_1465 = arith.muli %scan3A_10, %mul3A_1464 : i32
      %add3A_1466 = arith.constant 22 : i32
      %add3A_1467 = arith.addi %mul3A_1465, %add3A_1466 : i32
      %get3A_1468 = arith.constant 6 : i32
      %get3A_1469 = arith.index_cast %get3A_1468 : i32 to index
      %get3A_1470 = arith.index_cast %and3A_229 : i32 to index
      %get3A_1471 = arith.constant 0 : index
      %get3A_1472 = tpu.vector_load %arg6[%get3A_1469, %get3A_1470, %get3A_1471] {strides = array<i32>} : memref<16x8x64xf32, #tpu.memory_space<vmem>>, vector<1x1x64xf32>,
      %get3A_1473 = vector.shape_cast %get3A_1472 : vector<1x1x64xf32> to vector<64xf32>
      %swap3A_1474 = arith.index_cast %add3A_1467 : i32 to index
      %swap3A_1475 = arith.constant 0 : index
      %swap3A_1476 = tpu.vector_load %arg7[%swap3A_1474, %swap3A_1475] {strides = array<i32>} : memref<512x64xf32, #tpu.memory_space<vmem>>, vector<1x64xf32>,
      %swap3A_1477 = vector.shape_cast %swap3A_1476 : vector<1x64xf32> to vector<64xf32>
      %swap3A_1478 = vector.shape_cast %get3A_1473 : vector<64xf32> to vector<1x64xf32>
      tpu.vector_store %arg7[%swap3A_1474, %swap3A_1475], %swap3A_1478 {strides = array<i32>} : memref<512x64xf32, #tpu.memory_space<vmem>>, vector<1x64xf32>,
      %mul3A_1479 = arith.constant 32 : i32
      %mul3A_1480 = arith.muli %scan3A_10, %mul3A_1479 : i32
      %add3A_1481 = arith.constant 23 : i32
      %add3A_1482 = arith.addi %mul3A_1480, %add3A_1481 : i32
      %get3A_1483 = arith.constant 7 : i32
      %get3A_1484 = arith.index_cast %get3A_1483 : i32 to index
      %get3A_1485 = arith.index_cast %and3A_233 : i32 to index
      %get3A_1486 = arith.constant 0 : index
      %get3A_1487 = tpu.vector_load %arg6[%get3A_1484, %get3A_1485, %get3A_1486] {strides = array<i32>} : memref<16x8x64xf32, #tpu.memory_space<vmem>>, vector<1x1x64xf32>,
      %get3A_1488 = vector.shape_cast %get3A_1487 : vector<1x1x64xf32> to vector<64xf32>
      %swap3A_1489 = arith.index_cast %add3A_1482 : i32 to index
      %swap3A_1490 = arith.constant 0 : index
      %swap3A_1491 = tpu.vector_load %arg7[%swap3A_1489, %swap3A_1490] {strides = array<i32>} : memref<512x64xf32, #tpu.memory_space<vmem>>, vector<1x64xf32>,
      %swap3A_1492 = vector.shape_cast %swap3A_1491 : vector<1x64xf32> to vector<64xf32>
      %swap3A_1493 = vector.shape_cast %get3A_1488 : vector<64xf32> to vector<1x64xf32>
      tpu.vector_store %arg7[%swap3A_1489, %swap3A_1490], %swap3A_1493 {strides = array<i32>} : memref<512x64xf32, #tpu.memory_space<vmem>>, vector<1x64xf32>,
      %dma_wait3A_1494 = arith.constant 0 : i32
      %dma_wait3A_1495 = arith.constant 0 : i32
      %dma_wait3A_1496 = arith.constant 0 : i32
      %dma_wait3A_1497 = tpu.memref_slice %arg6[%dma_wait3A_1494, %dma_wait3A_1495, %dma_wait3A_1496] : memref<16x8x64xf32, #tpu.memory_space<vmem>> -> memref<1x8x64xf32, #tpu.memory_space<vmem>>
      %dma_wait3A_1498 = tpu.memref_squeeze %dma_wait3A_1497 : memref<1x8x64xf32, #tpu.memory_space<vmem>> -> memref<8x64xf32, #tpu.memory_space<vmem>>
      %dma_wait3A_1499 = arith.constant 0 : i32
      %dma_wait3A_1500 = arith.constant 0 : i32
      %dma_wait3A_1501 = tpu.memref_slice %arg3[%dma_wait3A_1499, %dma_wait3A_1500] : memref<1100001x64xf32, #tpu.memory_space<hbm>> -> memref<8x64xf32, #tpu.memory_space<hbm>>
      %dma_wait3A_1502 = arith.constant 0 : i32
      %dma_wait3A_1503 = arith.constant 0 : i32
      %dma_wait3A_1504 = tpu.memref_slice %arg6[%dma_wait3A_1494, %dma_wait3A_1502, %dma_wait3A_1503] : memref<16x8x64xf32, #tpu.memory_space<vmem>> -> memref<1x8x64xf32, #tpu.memory_space<vmem>>
      %dma_wait3A_1505 = tpu.memref_squeeze %dma_wait3A_1504 : memref<1x8x64xf32, #tpu.memory_space<vmem>> -> memref<8x64xf32, #tpu.memory_space<vmem>>
      %dma_wait3A_1506 = arith.constant 0 : i32
      %dma_wait3A_1507 = arith.constant 0 : i32
      %dma_wait3A_1508 = tpu.memref_slice %arg3[%dma_wait3A_1506, %dma_wait3A_1507] : memref<1100001x64xf32, #tpu.memory_space<hbm>> -> memref<8x64xf32, #tpu.memory_space<hbm>>
      tpu.wait_dma2 semaphore(%arg9 : memref<!tpu.dma_semaphore, #tpu.memory_space<semaphore_mem>>) src(%dma_wait3A_1508 : memref<8x64xf32, #tpu.memory_space<hbm>>) dst(%dma_wait3A_1505 : memref<8x64xf32, #tpu.memory_space<vmem>>)
      %dma_wait3A_1509 = arith.constant 0 : i32
      %dma_wait3A_1510 = arith.constant 0 : i32
      %dma_wait3A_1511 = arith.constant 0 : i32
      %dma_wait3A_1512 = tpu.memref_slice %arg6[%dma_wait3A_1509, %dma_wait3A_1510, %dma_wait3A_1511] : memref<16x8x64xf32, #tpu.memory_space<vmem>> -> memref<1x8x64xf32, #tpu.memory_space<vmem>>
      %dma_wait3A_1513 = tpu.memref_squeeze %dma_wait3A_1512 : memref<1x8x64xf32, #tpu.memory_space<vmem>> -> memref<8x64xf32, #tpu.memory_space<vmem>>
      %dma_wait3A_1514 = arith.constant 0 : i32
      %dma_wait3A_1515 = arith.constant 0 : i32
      %dma_wait3A_1516 = tpu.memref_slice %arg3[%dma_wait3A_1514, %dma_wait3A_1515] : memref<1100001x64xf32, #tpu.memory_space<hbm>> -> memref<8x64xf32, #tpu.memory_space<hbm>>
      %dma_wait3A_1517 = arith.constant 0 : i32
      %dma_wait3A_1518 = arith.constant 0 : i32
      %dma_wait3A_1519 = tpu.memref_slice %arg6[%dma_wait3A_1509, %dma_wait3A_1517, %dma_wait3A_1518] : memref<16x8x64xf32, #tpu.memory_space<vmem>> -> memref<1x8x64xf32, #tpu.memory_space<vmem>>
      %dma_wait3A_1520 = tpu.memref_squeeze %dma_wait3A_1519 : memref<1x8x64xf32, #tpu.memory_space<vmem>> -> memref<8x64xf32, #tpu.memory_space<vmem>>
      %dma_wait3A_1521 = arith.constant 0 : i32
      %dma_wait3A_1522 = arith.constant 0 : i32
      %dma_wait3A_1523 = tpu.memref_slice %arg3[%dma_wait3A_1521, %dma_wait3A_1522] : memref<1100001x64xf32, #tpu.memory_space<hbm>> -> memref<8x64xf32, #tpu.memory_space<hbm>>
      tpu.wait_dma2 semaphore(%arg9 : memref<!tpu.dma_semaphore, #tpu.memory_space<semaphore_mem>>) src(%dma_wait3A_1523 : memref<8x64xf32, #tpu.memory_space<hbm>>) dst(%dma_wait3A_1520 : memref<8x64xf32, #tpu.memory_space<vmem>>)
      %dma_wait3A_1524 = arith.constant 0 : i32
      %dma_wait3A_1525 = arith.constant 0 : i32
      %dma_wait3A_1526 = arith.constant 0 : i32
      %dma_wait3A_1527 = tpu.memref_slice %arg6[%dma_wait3A_1524, %dma_wait3A_1525, %dma_wait3A_1526] : memref<16x8x64xf32, #tpu.memory_space<vmem>> -> memref<1x8x64xf32, #tpu.memory_space<vmem>>
      %dma_wait3A_1528 = tpu.memref_squeeze %dma_wait3A_1527 : memref<1x8x64xf32, #tpu.memory_space<vmem>> -> memref<8x64xf32, #tpu.memory_space<vmem>>
      %dma_wait3A_1529 = arith.constant 0 : i32
      %dma_wait3A_1530 = arith.constant 0 : i32
      %dma_wait3A_1531 = tpu.memref_slice %arg3[%dma_wait3A_1529, %dma_wait3A_1530] : memref<1100001x64xf32, #tpu.memory_space<hbm>> -> memref<8x64xf32, #tpu.memory_space<hbm>>
      %dma_wait3A_1532 = arith.constant 0 : i32
      %dma_wait3A_1533 = arith.constant 0 : i32
      %dma_wait3A_1534 = tpu.memref_slice %arg6[%dma_wait3A_1524, %dma_wait3A_1532, %dma_wait3A_1533] : memref<16x8x64xf32, #tpu.memory_space<vmem>> -> memref<1x8x64xf32, #tpu.memory_space<vmem>>
      %dma_wait3A_1535 = tpu.memref_squeeze %dma_wait3A_1534 : memref<1x8x64xf32, #tpu.memory_space<vmem>> -> memref<8x64xf32, #tpu.memory_space<vmem>>
      %dma_wait3A_1536 = arith.constant 0 : i32
      %dma_wait3A_1537 = arith.constant 0 : i32
      %dma_wait3A_1538 = tpu.memref_slice %arg3[%dma_wait3A_1536, %dma_wait3A_1537] : memref<1100001x64xf32, #tpu.memory_space<hbm>> -> memref<8x64xf32, #tpu.memory_space<hbm>>
      tpu.wait_dma2 semaphore(%arg9 : memref<!tpu.dma_semaphore, #tpu.memory_space<semaphore_mem>>) src(%dma_wait3A_1538 : memref<8x64xf32, #tpu.memory_space<hbm>>) dst(%dma_wait3A_1535 : memref<8x64xf32, #tpu.memory_space<vmem>>)
      %dma_wait3A_1539 = arith.constant 0 : i32
      %dma_wait3A_1540 = arith.constant 0 : i32
      %dma_wait3A_1541 = arith.constant 0 : i32
      %dma_wait3A_1542 = tpu.memref_slice %arg6[%dma_wait3A_1539, %dma_wait3A_1540, %dma_wait3A_1541] : memref<16x8x64xf32, #tpu.memory_space<vmem>> -> memref<1x8x64xf32, #tpu.memory_space<vmem>>
      %dma_wait3A_1543 = tpu.memref_squeeze %dma_wait3A_1542 : memref<1x8x64xf32, #tpu.memory_space<vmem>> -> memref<8x64xf32, #tpu.memory_space<vmem>>
      %dma_wait3A_1544 = arith.constant 0 : i32
      %dma_wait3A_1545 = arith.constant 0 : i32
      %dma_wait3A_1546 = tpu.memref_slice %arg3[%dma_wait3A_1544, %dma_wait3A_1545] : memref<1100001x64xf32, #tpu.memory_space<hbm>> -> memref<8x64xf32, #tpu.memory_space<hbm>>
      %dma_wait3A_1547 = arith.constant 0 : i32
      %dma_wait3A_1548 = arith.constant 0 : i32
      %dma_wait3A_1549 = tpu.memref_slice %arg6[%dma_wait3A_1539, %dma_wait3A_1547, %dma_wait3A_1548] : memref<16x8x64xf32, #tpu.memory_space<vmem>> -> memref<1x8x64xf32, #tpu.memory_space<vmem>>
      %dma_wait3A_1550 = tpu.memref_squeeze %dma_wait3A_1549 : memref<1x8x64xf32, #tpu.memory_space<vmem>> -> memref<8x64xf32, #tpu.memory_space<vmem>>
      %dma_wait3A_1551 = arith.constant 0 : i32
      %dma_wait3A_1552 = arith.constant 0 : i32
      %dma_wait3A_1553 = tpu.memref_slice %arg3[%dma_wait3A_1551, %dma_wait3A_1552] : memref<1100001x64xf32, #tpu.memory_space<hbm>> -> memref<8x64xf32, #tpu.memory_space<hbm>>
      tpu.wait_dma2 semaphore(%arg9 : memref<!tpu.dma_semaphore, #tpu.memory_space<semaphore_mem>>) src(%dma_wait3A_1553 : memref<8x64xf32, #tpu.memory_space<hbm>>) dst(%dma_wait3A_1550 : memref<8x64xf32, #tpu.memory_space<vmem>>)
      %dma_wait3A_1554 = arith.constant 0 : i32
      %dma_wait3A_1555 = arith.constant 0 : i32
      %dma_wait3A_1556 = arith.constant 0 : i32
      %dma_wait3A_1557 = tpu.memref_slice %arg6[%dma_wait3A_1554, %dma_wait3A_1555, %dma_wait3A_1556] : memref<16x8x64xf32, #tpu.memory_space<vmem>> -> memref<1x8x64xf32, #tpu.memory_space<vmem>>
      %dma_wait3A_1558 = tpu.memref_squeeze %dma_wait3A_1557 : memref<1x8x64xf32, #tpu.memory_space<vmem>> -> memref<8x64xf32, #tpu.memory_space<vmem>>
      %dma_wait3A_1559 = arith.constant 0 : i32
      %dma_wait3A_1560 = arith.constant 0 : i32
      %dma_wait3A_1561 = tpu.memref_slice %arg3[%dma_wait3A_1559, %dma_wait3A_1560] : memref<1100001x64xf32, #tpu.memory_space<hbm>> -> memref<8x64xf32, #tpu.memory_space<hbm>>
      %dma_wait3A_1562 = arith.constant 0 : i32
      %dma_wait3A_1563 = arith.constant 0 : i32
      %dma_wait3A_1564 = tpu.memref_slice %arg6[%dma_wait3A_1554, %dma_wait3A_1562, %dma_wait3A_1563] : memref<16x8x64xf32, #tpu.memory_space<vmem>> -> memref<1x8x64xf32, #tpu.memory_space<vmem>>
      %dma_wait3A_1565 = tpu.memref_squeeze %dma_wait3A_1564 : memref<1x8x64xf32, #tpu.memory_space<vmem>> -> memref<8x64xf32, #tpu.memory_space<vmem>>
      %dma_wait3A_1566 = arith.constant 0 : i32
      %dma_wait3A_1567 = arith.constant 0 : i32
      %dma_wait3A_1568 = tpu.memref_slice %arg3[%dma_wait3A_1566, %dma_wait3A_1567] : memref<1100001x64xf32, #tpu.memory_space<hbm>> -> memref<8x64xf32, #tpu.memory_space<hbm>>
      tpu.wait_dma2 semaphore(%arg9 : memref<!tpu.dma_semaphore, #tpu.memory_space<semaphore_mem>>) src(%dma_wait3A_1568 : memref<8x64xf32, #tpu.memory_space<hbm>>) dst(%dma_wait3A_1565 : memref<8x64xf32, #tpu.memory_space<vmem>>)
      %dma_wait3A_1569 = arith.constant 0 : i32
      %dma_wait3A_1570 = arith.constant 0 : i32
      %dma_wait3A_1571 = arith.constant 0 : i32
      %dma_wait3A_1572 = tpu.memref_slice %arg6[%dma_wait3A_1569, %dma_wait3A_1570, %dma_wait3A_1571] : memref<16x8x64xf32, #tpu.memory_space<vmem>> -> memref<1x8x64xf32, #tpu.memory_space<vmem>>
      %dma_wait3A_1573 = tpu.memref_squeeze %dma_wait3A_1572 : memref<1x8x64xf32, #tpu.memory_space<vmem>> -> memref<8x64xf32, #tpu.memory_space<vmem>>
      %dma_wait3A_1574 = arith.constant 0 : i32
      %dma_wait3A_1575 = arith.constant 0 : i32
      %dma_wait3A_1576 = tpu.memref_slice %arg3[%dma_wait3A_1574, %dma_wait3A_1575] : memref<1100001x64xf32, #tpu.memory_space<hbm>> -> memref<8x64xf32, #tpu.memory_space<hbm>>
      %dma_wait3A_1577 = arith.constant 0 : i32
      %dma_wait3A_1578 = arith.constant 0 : i32
      %dma_wait3A_1579 = tpu.memref_slice %arg6[%dma_wait3A_1569, %dma_wait3A_1577, %dma_wait3A_1578] : memref<16x8x64xf32, #tpu.memory_space<vmem>> -> memref<1x8x64xf32, #tpu.memory_space<vmem>>
      %dma_wait3A_1580 = tpu.memref_squeeze %dma_wait3A_1579 : memref<1x8x64xf32, #tpu.memory_space<vmem>> -> memref<8x64xf32, #tpu.memory_space<vmem>>
      %dma_wait3A_1581 = arith.constant 0 : i32
      %dma_wait3A_1582 = arith.constant 0 : i32
      %dma_wait3A_1583 = tpu.memref_slice %arg3[%dma_wait3A_1581, %dma_wait3A_1582] : memref<1100001x64xf32, #tpu.memory_space<hbm>> -> memref<8x64xf32, #tpu.memory_space<hbm>>
      tpu.wait_dma2 semaphore(%arg9 : memref<!tpu.dma_semaphore, #tpu.memory_space<semaphore_mem>>) src(%dma_wait3A_1583 : memref<8x64xf32, #tpu.memory_space<hbm>>) dst(%dma_wait3A_1580 : memref<8x64xf32, #tpu.memory_space<vmem>>)
      %dma_wait3A_1584 = arith.constant 0 : i32
      %dma_wait3A_1585 = arith.constant 0 : i32
      %dma_wait3A_1586 = arith.constant 0 : i32
      %dma_wait3A_1587 = tpu.memref_slice %arg6[%dma_wait3A_1584, %dma_wait3A_1585, %dma_wait3A_1586] : memref<16x8x64xf32, #tpu.memory_space<vmem>> -> memref<1x8x64xf32, #tpu.memory_space<vmem>>
      %dma_wait3A_1588 = tpu.memref_squeeze %dma_wait3A_1587 : memref<1x8x64xf32, #tpu.memory_space<vmem>> -> memref<8x64xf32, #tpu.memory_space<vmem>>
      %dma_wait3A_1589 = arith.constant 0 : i32
      %dma_wait3A_1590 = arith.constant 0 : i32
      %dma_wait3A_1591 = tpu.memref_slice %arg3[%dma_wait3A_1589, %dma_wait3A_1590] : memref<1100001x64xf32, #tpu.memory_space<hbm>> -> memref<8x64xf32, #tpu.memory_space<hbm>>
      %dma_wait3A_1592 = arith.constant 0 : i32
      %dma_wait3A_1593 = arith.constant 0 : i32
      %dma_wait3A_1594 = tpu.memref_slice %arg6[%dma_wait3A_1584, %dma_wait3A_1592, %dma_wait3A_1593] : memref<16x8x64xf32, #tpu.memory_space<vmem>> -> memref<1x8x64xf32, #tpu.memory_space<vmem>>
      %dma_wait3A_1595 = tpu.memref_squeeze %dma_wait3A_1594 : memref<1x8x64xf32, #tpu.memory_space<vmem>> -> memref<8x64xf32, #tpu.memory_space<vmem>>
      %dma_wait3A_1596 = arith.constant 0 : i32
      %dma_wait3A_1597 = arith.constant 0 : i32
      %dma_wait3A_1598 = tpu.memref_slice %arg3[%dma_wait3A_1596, %dma_wait3A_1597] : memref<1100001x64xf32, #tpu.memory_space<hbm>> -> memref<8x64xf32, #tpu.memory_space<hbm>>
      tpu.wait_dma2 semaphore(%arg9 : memref<!tpu.dma_semaphore, #tpu.memory_space<semaphore_mem>>) src(%dma_wait3A_1598 : memref<8x64xf32, #tpu.memory_space<hbm>>) dst(%dma_wait3A_1595 : memref<8x64xf32, #tpu.memory_space<vmem>>)
      %dma_wait3A_1599 = arith.constant 0 : i32
      %dma_wait3A_1600 = arith.constant 0 : i32
      %dma_wait3A_1601 = arith.constant 0 : i32
      %dma_wait3A_1602 = tpu.memref_slice %arg6[%dma_wait3A_1599, %dma_wait3A_1600, %dma_wait3A_1601] : memref<16x8x64xf32, #tpu.memory_space<vmem>> -> memref<1x8x64xf32, #tpu.memory_space<vmem>>
      %dma_wait3A_1603 = tpu.memref_squeeze %dma_wait3A_1602 : memref<1x8x64xf32, #tpu.memory_space<vmem>> -> memref<8x64xf32, #tpu.memory_space<vmem>>
      %dma_wait3A_1604 = arith.constant 0 : i32
      %dma_wait3A_1605 = arith.constant 0 : i32
      %dma_wait3A_1606 = tpu.memref_slice %arg3[%dma_wait3A_1604, %dma_wait3A_1605] : memref<1100001x64xf32, #tpu.memory_space<hbm>> -> memref<8x64xf32, #tpu.memory_space<hbm>>
      %dma_wait3A_1607 = arith.constant 0 : i32
      %dma_wait3A_1608 = arith.constant 0 : i32
      %dma_wait3A_1609 = tpu.memref_slice %arg6[%dma_wait3A_1599, %dma_wait3A_1607, %dma_wait3A_1608] : memref<16x8x64xf32, #tpu.memory_space<vmem>> -> memref<1x8x64xf32, #tpu.memory_space<vmem>>
      %dma_wait3A_1610 = tpu.memref_squeeze %dma_wait3A_1609 : memref<1x8x64xf32, #tpu.memory_space<vmem>> -> memref<8x64xf32, #tpu.memory_space<vmem>>
      %dma_wait3A_1611 = arith.constant 0 : i32
      %dma_wait3A_1612 = arith.constant 0 : i32
      %dma_wait3A_1613 = tpu.memref_slice %arg3[%dma_wait3A_1611, %dma_wait3A_1612] : memref<1100001x64xf32, #tpu.memory_space<hbm>> -> memref<8x64xf32, #tpu.memory_space<hbm>>
      tpu.wait_dma2 semaphore(%arg9 : memref<!tpu.dma_semaphore, #tpu.memory_space<semaphore_mem>>) src(%dma_wait3A_1613 : memref<8x64xf32, #tpu.memory_space<hbm>>) dst(%dma_wait3A_1610 : memref<8x64xf32, #tpu.memory_space<vmem>>)
      %mul3A_1614 = arith.constant 32 : i32
      %mul3A_1615 = arith.muli %scan3A_10, %mul3A_1614 : i32
      %add3A_1616 = arith.constant 24 : i32
      %add3A_1617 = arith.addi %mul3A_1615, %add3A_1616 : i32
      %get3A_1618 = arith.constant 8 : i32
      %get3A_1619 = arith.index_cast %get3A_1618 : i32 to index
      %get3A_1620 = arith.index_cast %and3A_237 : i32 to index
      %get3A_1621 = arith.constant 0 : index
      %get3A_1622 = tpu.vector_load %arg6[%get3A_1619, %get3A_1620, %get3A_1621] {strides = array<i32>} : memref<16x8x64xf32, #tpu.memory_space<vmem>>, vector<1x1x64xf32>,
      %get3A_1623 = vector.shape_cast %get3A_1622 : vector<1x1x64xf32> to vector<64xf32>
      %swap3A_1624 = arith.index_cast %add3A_1617 : i32 to index
      %swap3A_1625 = arith.constant 0 : index
      %swap3A_1626 = tpu.vector_load %arg7[%swap3A_1624, %swap3A_1625] {strides = array<i32>} : memref<512x64xf32, #tpu.memory_space<vmem>>, vector<1x64xf32>,
      %swap3A_1627 = vector.shape_cast %swap3A_1626 : vector<1x64xf32> to vector<64xf32>
      %swap3A_1628 = vector.shape_cast %get3A_1623 : vector<64xf32> to vector<1x64xf32>
      tpu.vector_store %arg7[%swap3A_1624, %swap3A_1625], %swap3A_1628 {strides = array<i32>} : memref<512x64xf32, #tpu.memory_space<vmem>>, vector<1x64xf32>,
      %mul3A_1629 = arith.constant 32 : i32
      %mul3A_1630 = arith.muli %scan3A_10, %mul3A_1629 : i32
      %add3A_1631 = arith.constant 25 : i32
      %add3A_1632 = arith.addi %mul3A_1630, %add3A_1631 : i32
      %get3A_1633 = arith.constant 9 : i32
      %get3A_1634 = arith.index_cast %get3A_1633 : i32 to index
      %get3A_1635 = arith.index_cast %and3A_241 : i32 to index
      %get3A_1636 = arith.constant 0 : index
      %get3A_1637 = tpu.vector_load %arg6[%get3A_1634, %get3A_1635, %get3A_1636] {strides = array<i32>} : memref<16x8x64xf32, #tpu.memory_space<vmem>>, vector<1x1x64xf32>,
      %get3A_1638 = vector.shape_cast %get3A_1637 : vector<1x1x64xf32> to vector<64xf32>
      %swap3A_1639 = arith.index_cast %add3A_1632 : i32 to index
      %swap3A_1640 = arith.constant 0 : index
      %swap3A_1641 = tpu.vector_load %arg7[%swap3A_1639, %swap3A_1640] {strides = array<i32>} : memref<512x64xf32, #tpu.memory_space<vmem>>, vector<1x64xf32>,
      %swap3A_1642 = vector.shape_cast %swap3A_1641 : vector<1x64xf32> to vector<64xf32>
      %swap3A_1643 = vector.shape_cast %get3A_1638 : vector<64xf32> to vector<1x64xf32>
      tpu.vector_store %arg7[%swap3A_1639, %swap3A_1640], %swap3A_1643 {strides = array<i32>} : memref<512x64xf32, #tpu.memory_space<vmem>>, vector<1x64xf32>,
      %mul3A_1644 = arith.constant 32 : i32
      %mul3A_1645 = arith.muli %scan3A_10, %mul3A_1644 : i32
      %add3A_1646 = arith.constant 26 : i32
      %add3A_1647 = arith.addi %mul3A_1645, %add3A_1646 : i32
      %get3A_1648 = arith.constant 10 : i32
      %get3A_1649 = arith.index_cast %get3A_1648 : i32 to index
      %get3A_1650 = arith.index_cast %and3A_245 : i32 to index
      %get3A_1651 = arith.constant 0 : index
      %get3A_1652 = tpu.vector_load %arg6[%get3A_1649, %get3A_1650, %get3A_1651] {strides = array<i32>} : memref<16x8x64xf32, #tpu.memory_space<vmem>>, vector<1x1x64xf32>,
      %get3A_1653 = vector.shape_cast %get3A_1652 : vector<1x1x64xf32> to vector<64xf32>
      %swap3A_1654 = arith.index_cast %add3A_1647 : i32 to index
      %swap3A_1655 = arith.constant 0 : index
      %swap3A_1656 = tpu.vector_load %arg7[%swap3A_1654, %swap3A_1655] {strides = array<i32>} : memref<512x64xf32, #tpu.memory_space<vmem>>, vector<1x64xf32>,
      %swap3A_1657 = vector.shape_cast %swap3A_1656 : vector<1x64xf32> to vector<64xf32>
      %swap3A_1658 = vector.shape_cast %get3A_1653 : vector<64xf32> to vector<1x64xf32>
      tpu.vector_store %arg7[%swap3A_1654, %swap3A_1655], %swap3A_1658 {strides = array<i32>} : memref<512x64xf32, #tpu.memory_space<vmem>>, vector<1x64xf32>,
      %mul3A_1659 = arith.constant 32 : i32
      %mul3A_1660 = arith.muli %scan3A_10, %mul3A_1659 : i32
      %add3A_1661 = arith.constant 27 : i32
      %add3A_1662 = arith.addi %mul3A_1660, %add3A_1661 : i32
      %get3A_1663 = arith.constant 11 : i32
      %get3A_1664 = arith.index_cast %get3A_1663 : i32 to index
      %get3A_1665 = arith.index_cast %and3A_249 : i32 to index
      %get3A_1666 = arith.constant 0 : index
      %get3A_1667 = tpu.vector_load %arg6[%get3A_1664, %get3A_1665, %get3A_1666] {strides = array<i32>} : memref<16x8x64xf32, #tpu.memory_space<vmem>>, vector<1x1x64xf32>,
      %get3A_1668 = vector.shape_cast %get3A_1667 : vector<1x1x64xf32> to vector<64xf32>
      %swap3A_1669 = arith.index_cast %add3A_1662 : i32 to index
      %swap3A_1670 = arith.constant 0 : index
      %swap3A_1671 = tpu.vector_load %arg7[%swap3A_1669, %swap3A_1670] {strides = array<i32>} : memref<512x64xf32, #tpu.memory_space<vmem>>, vector<1x64xf32>,
      %swap3A_1672 = vector.shape_cast %swap3A_1671 : vector<1x64xf32> to vector<64xf32>
      %swap3A_1673 = vector.shape_cast %get3A_1668 : vector<64xf32> to vector<1x64xf32>
      tpu.vector_store %arg7[%swap3A_1669, %swap3A_1670], %swap3A_1673 {strides = array<i32>} : memref<512x64xf32, #tpu.memory_space<vmem>>, vector<1x64xf32>,
      %mul3A_1674 = arith.constant 32 : i32
      %mul3A_1675 = arith.muli %scan3A_10, %mul3A_1674 : i32
      %add3A_1676 = arith.constant 28 : i32
      %add3A_1677 = arith.addi %mul3A_1675, %add3A_1676 : i32
      %get3A_1678 = arith.constant 12 : i32
      %get3A_1679 = arith.index_cast %get3A_1678 : i32 to index
      %get3A_1680 = arith.index_cast %and3A_253 : i32 to index
      %get3A_1681 = arith.constant 0 : index
      %get3A_1682 = tpu.vector_load %arg6[%get3A_1679, %get3A_1680, %get3A_1681] {strides = array<i32>} : memref<16x8x64xf32, #tpu.memory_space<vmem>>, vector<1x1x64xf32>,
      %get3A_1683 = vector.shape_cast %get3A_1682 : vector<1x1x64xf32> to vector<64xf32>
      %swap3A_1684 = arith.index_cast %add3A_1677 : i32 to index
      %swap3A_1685 = arith.constant 0 : index
      %swap3A_1686 = tpu.vector_load %arg7[%swap3A_1684, %swap3A_1685] {strides = array<i32>} : memref<512x64xf32, #tpu.memory_space<vmem>>, vector<1x64xf32>,
      %swap3A_1687 = vector.shape_cast %swap3A_1686 : vector<1x64xf32> to vector<64xf32>
      %swap3A_1688 = vector.shape_cast %get3A_1683 : vector<64xf32> to vector<1x64xf32>
      tpu.vector_store %arg7[%swap3A_1684, %swap3A_1685], %swap3A_1688 {strides = array<i32>} : memref<512x64xf32, #tpu.memory_space<vmem>>, vector<1x64xf32>,
      %mul3A_1689 = arith.constant 32 : i32
      %mul3A_1690 = arith.muli %scan3A_10, %mul3A_1689 : i32
      %add3A_1691 = arith.constant 29 : i32
      %add3A_1692 = arith.addi %mul3A_1690, %add3A_1691 : i32
      %get3A_1693 = arith.constant 13 : i32
      %get3A_1694 = arith.index_cast %get3A_1693 : i32 to index
      %get3A_1695 = arith.index_cast %and3A_257 : i32 to index
      %get3A_1696 = arith.constant 0 : index
      %get3A_1697 = tpu.vector_load %arg6[%get3A_1694, %get3A_1695, %get3A_1696] {strides = array<i32>} : memref<16x8x64xf32, #tpu.memory_space<vmem>>, vector<1x1x64xf32>,
      %get3A_1698 = vector.shape_cast %get3A_1697 : vector<1x1x64xf32> to vector<64xf32>
      %swap3A_1699 = arith.index_cast %add3A_1692 : i32 to index
      %swap3A_1700 = arith.constant 0 : index
      %swap3A_1701 = tpu.vector_load %arg7[%swap3A_1699, %swap3A_1700] {strides = array<i32>} : memref<512x64xf32, #tpu.memory_space<vmem>>, vector<1x64xf32>,
      %swap3A_1702 = vector.shape_cast %swap3A_1701 : vector<1x64xf32> to vector<64xf32>
      %swap3A_1703 = vector.shape_cast %get3A_1698 : vector<64xf32> to vector<1x64xf32>
      tpu.vector_store %arg7[%swap3A_1699, %swap3A_1700], %swap3A_1703 {strides = array<i32>} : memref<512x64xf32, #tpu.memory_space<vmem>>, vector<1x64xf32>,
      %mul3A_1704 = arith.constant 32 : i32
      %mul3A_1705 = arith.muli %scan3A_10, %mul3A_1704 : i32
      %add3A_1706 = arith.constant 30 : i32
      %add3A_1707 = arith.addi %mul3A_1705, %add3A_1706 : i32
      %get3A_1708 = arith.constant 14 : i32
      %get3A_1709 = arith.index_cast %get3A_1708 : i32 to index
      %get3A_1710 = arith.index_cast %and3A_261 : i32 to index
      %get3A_1711 = arith.constant 0 : index
      %get3A_1712 = tpu.vector_load %arg6[%get3A_1709, %get3A_1710, %get3A_1711] {strides = array<i32>} : memref<16x8x64xf32, #tpu.memory_space<vmem>>, vector<1x1x64xf32>,
      %get3A_1713 = vector.shape_cast %get3A_1712 : vector<1x1x64xf32> to vector<64xf32>
      %swap3A_1714 = arith.index_cast %add3A_1707 : i32 to index
      %swap3A_1715 = arith.constant 0 : index
      %swap3A_1716 = tpu.vector_load %arg7[%swap3A_1714, %swap3A_1715] {strides = array<i32>} : memref<512x64xf32, #tpu.memory_space<vmem>>, vector<1x64xf32>,
      %swap3A_1717 = vector.shape_cast %swap3A_1716 : vector<1x64xf32> to vector<64xf32>
      %swap3A_1718 = vector.shape_cast %get3A_1713 : vector<64xf32> to vector<1x64xf32>
      tpu.vector_store %arg7[%swap3A_1714, %swap3A_1715], %swap3A_1718 {strides = array<i32>} : memref<512x64xf32, #tpu.memory_space<vmem>>, vector<1x64xf32>,
      %mul3A_1719 = arith.constant 32 : i32
      %mul3A_1720 = arith.muli %scan3A_10, %mul3A_1719 : i32
      %add3A_1721 = arith.constant 31 : i32
      %add3A_1722 = arith.addi %mul3A_1720, %add3A_1721 : i32
      %get3A_1723 = arith.constant 15 : i32
      %get3A_1724 = arith.index_cast %get3A_1723 : i32 to index
      %get3A_1725 = arith.index_cast %and3A_265 : i32 to index
      %get3A_1726 = arith.constant 0 : index
      %get3A_1727 = tpu.vector_load %arg6[%get3A_1724, %get3A_1725, %get3A_1726] {strides = array<i32>} : memref<16x8x64xf32, #tpu.memory_space<vmem>>, vector<1x1x64xf32>,
      %get3A_1728 = vector.shape_cast %get3A_1727 : vector<1x1x64xf32> to vector<64xf32>
      %swap3A_1729 = arith.index_cast %add3A_1722 : i32 to index
      %swap3A_1730 = arith.constant 0 : index
      %swap3A_1731 = tpu.vector_load %arg7[%swap3A_1729, %swap3A_1730] {strides = array<i32>} : memref<512x64xf32, #tpu.memory_space<vmem>>, vector<1x64xf32>,
      %swap3A_1732 = vector.shape_cast %swap3A_1731 : vector<1x64xf32> to vector<64xf32>
      %swap3A_1733 = vector.shape_cast %get3A_1728 : vector<64xf32> to vector<1x64xf32>
      tpu.vector_store %arg7[%swap3A_1729, %swap3A_1730], %swap3A_1733 {strides = array<i32>} : memref<512x64xf32, #tpu.memory_space<vmem>>, vector<1x64xf32>,
    }
    %scan3A_9 = arith.constant 16 : i32
    "tpu.region"() ({
      %run_scoped3A = tpu.sem_alloc : memref<!tpu.dma_semaphore, #tpu.memory_space<semaphore_mem>>
      %dma_start3A = arith.constant 0 : i32
      %dma_start3A_10 = tpu.memref_slice %arg4[%mul3A_2, %dma_start3A] : memref<16384x64xf32, #tpu.memory_space<hbm>> -> memref<512x64xf32, #tpu.memory_space<hbm>>
      %dma_start3A_11 = arith.constant 0 : i32
      %dma_start3A_12 = tpu.memref_slice %arg4[%mul3A_2, %dma_start3A_11] : memref<16384x64xf32, #tpu.memory_space<hbm>> -> memref<512x64xf32, #tpu.memory_space<hbm>>
      tpu.enqueue_dma source(%arg7 : memref<512x64xf32, #tpu.memory_space<vmem>>) target(%dma_start3A_12 : memref<512x64xf32, #tpu.memory_space<hbm>>) target_semaphore(%run_scoped3A : memref<!tpu.dma_semaphore, #tpu.memory_space<semaphore_mem>>)
      %dma_wait3A = arith.constant 0 : i32
      %dma_wait3A_13 = tpu.memref_slice %arg4[%mul3A_2, %dma_wait3A] : memref<16384x64xf32, #tpu.memory_space<hbm>> -> memref<512x64xf32, #tpu.memory_space<hbm>>
      %dma_wait3A_14 = arith.constant 0 : i32
      %dma_wait3A_15 = tpu.memref_slice %arg4[%mul3A_2, %dma_wait3A_14] : memref<16384x64xf32, #tpu.memory_space<hbm>> -> memref<512x64xf32, #tpu.memory_space<hbm>>
      tpu.wait_dma2 semaphore(%run_scoped3A : memref<!tpu.dma_semaphore, #tpu.memory_space<semaphore_mem>>) src(%arg7 : memref<512x64xf32, #tpu.memory_space<vmem>>) dst(%dma_wait3A_15 : memref<512x64xf32, #tpu.memory_space<hbm>>)
      tpu.yield
    }) : () -> ()
    return
  }
}

</mosaic_0001>

<sc_bundles>
// kernel: kernel.3.cloned.1.call-start
scs
__scs_entry_jumppad:
0x0: {  	(pc) =	sbr.rel $0x88, $3  }
0x1: {  	(tag) =	ssettag $0x0;
	lr =	simm.s32 $0x1  }
0x2: {  	[smem:$0x3F9F] =	sst lr;
	_ =	strace $0xD0000000  }
0x3: {  	_ = 	snop  }
0x4: {  	_ = 	snop  }
0x5: {  	_ = 	snop  }
0x6: {  	_ = 	snop  }
0x7: {  	_ = 	snop  }
__scs_overlays_trampoline_lowered:
0x8: {  	[smem:$0x3FAE] =	sst s0  }
0x9: {  	[smem:$0x3FAF] =	sst s1  }
0xa: {  	[smem:$0x3FB0] =	sst s2  }
0xb: {  	[smem:$0x3FB1] =	sst s3  }
0xc: {  	[smem:$0x3FB2] =	sst s4  }
0xd: {  	[smem:$0x3FB3] =	sst s5  }
0xe: {  	[smem:$0x3FB4] =	sst s6  }
0xf: {  	[smem:$0x3FB5] =	sst s7  }
0x10: {  	[smem:$0x3FB6] =	sst s8  }
0x11: {  	[smem:$0x3FB7] =	sst s9;
	s0 =	simm.s32 @!p0 $0x0  }
0x12: {  	s1 =	sld [smem:$0x3F9D];
	s0 =	simm.s32 @p0 $0x1  }
0x13: {  	[smem:$0x3FB8] =	sst s0;
	s0 =	simm.s32 @!p1 $0x0  }
0x14: {  	s2 =	sld [smem:$0x3F9C];
	s0 =	simm.s32 @p1 $0x1  }
0x15: {  	[smem:$0x3FB9] =	sst s0;
	s0 =	simm.s32 @!p2 $0x0  }
0x16: {  	s3 =	sld [smem:$0x3FDB];
	s0 =	simm.s32 @p2 $0x1  }
0x17: {  	s4 =	simm.s32 $0x1BF5;
	[smem:$0x3FBB] =	sst s0  }
0x18: {  	s0 =	sld [smem:$0x3F9E];
	_ =	swait.ge [sflag:s4], $0x0  }
0x19: {  	s7 =	sld [smem:$0x3F9F]  }
0x1a: {  	s8 =	sadd.s32 $0xFFFFE003, lr  }
0x1b: {  	s9 =	sadd.s32 $0xFFFFFEF7, lr;
	s5 =	simm.s32 $0xFFFFFFFF;
	p2 =	slt.u32 s8, $0xFFFFF086  }
0x1c: {  	p1 =	slt.u32 s9, $0xF7A;
	s5 =	simm.s32 @!p2 $0x0  }
0x1d: {  	s5 =	simm.s32 @p1 $0x1;
	p0 =	seq.s32 s7, s2  }
0x1e: {  	s7 =	smul.u32 @!p0 $0xF7A, s2;
	p2 =	seq.s32 @!p0 s5, $0x0  }
0x1f: {  	s9 =	smul.u32 $0xF7A, s1;
	s8 =	simm.s32 @!p0 $0x1BF5;
	p2 =	por !p2, p0  }
0x20: {  	[sflag:s8] =	ssyncset.s32 @!p0 $0xFFFFF086;
	s6 =	sadd.s32 @!p0 s3, s7;
	s7 =	simm.s32 @!p0 $0x108  }
0x21: {  	s3 =	sadd.s32 s3, s9;
	s6 =	sadd.s32 @!p0 $0x88, s6;
	s7 =	simm.s32 @p2 $0x1082  }
0x22: {  	[simem:s7], [sflag:s8] =	dma.local @!p0 [hbm:s6], $0xF7A  }
0x23: {  	s9 =	sor.u32 $0xD0000000, s2;
	s6 =	simm.s32 $0x108;
	_ =	swait.ge @!p0 [sflag:s8], $0x0  }
0x24: {  	s3 =	sadd.s32 $0x88, s3;
	s6 =	simm.s32 @!p1 $0x1082;
	[sflag:s4] =	ssyncset.s32 $0xFFFFF086  }
0x25: {  	[simem:s6], [sflag:s4] =	dma.local [hbm:s3], $0xF7A  }
0x26: {  	[smem:$0x3F9F] =	sst s1;
	(tag) =	ssettag s2;
	_ =	strace s9  }
0x27: {  	s1 =	sld [smem:$0x3FAF]  }
0x28: {  	s2 =	sld [smem:$0x3FB0]  }
0x29: {  	s4 =	sld [smem:$0x3FB2]  }
0x2a: {  	p0 =	seq.s32 s5, $0x0;
	s5 =	sld [smem:$0x3FB3]  }
0x2b: {  	s6 =	sld [smem:$0x3FB4]  }
0x2c: {  	s7 =	sld [smem:$0x3FB5]  }
0x2d: {  	s3 =	simm.s32 $0x108;
	s8 =	sld [smem:$0x3FB6]  }
0x2e: {  	s3 =	simm.s32 @!p0 $0x1082;
	s9 =	sld [smem:$0x3FB7]  }
0x2f: {  	lr =	sadd.s32 s0, s3;
	s0 =	sld [smem:$0x3FAE]  }
0x30: {  	s3 =	sld [smem:$0x3FB1]  }
0x31: {  	[smem:$0x3FBA] =	sst s10  }
0x32: {  	s10 =	sld [smem:$0x3FB8];
	_ =	sdelay $0x3  }
0x33: {  	p0 =	seq.s32 s10, $0x1;
	s10 =	sld [smem:$0x3FBA];
	_ =	sdelay $0x3  }
0x34: {  	[smem:$0x3FBA] =	sst s10  }
0x35: {  	s10 =	sld [smem:$0x3FB9];
	_ =	sdelay $0x3  }
0x36: {  	p1 =	seq.s32 s10, $0x1;
	s10 =	sld [smem:$0x3FBA];
	_ =	sdelay $0x3  }
0x37: {  	[smem:$0x3FBA] =	sst s10  }
0x38: {  	s10 =	sld [smem:$0x3FBB]  }
0x39: {  	_ = 	snop;
	(pc) =	sbr.ind lr, $3  }
0x3a: {  	_ = 	snop  }
0x3b: {  	_ = 	snop  }
0x3c: {  	p2 =	seq.s32 s10, $0x1;
	s10 =	sld [smem:$0x3FBA]  }
0x3d: {  	_ =	shalt  }
0x3e: {  	_ =	shalt  }
0x3f: {  	_ =	shalt  }
0x40: {  	_ =	shalt  }
0x41: {  	_ =	shalt  }
0x42: {  	_ =	shalt  }
0x43: {  	_ =	shalt  }
0x44: {  	_ =	shalt  }
0x45: {  	_ =	shalt  }
0x46: {  	_ =	shalt  }
0x47: {  	_ =	shalt  }
0x48: {  	_ =	shalt  }
0x49: {  	_ =	shalt  }
0x4a: {  	_ =	shalt  }
0x4b: {  	_ =	shalt  }
0x4c: {  	_ =	shalt  }
0x4d: {  	_ =	shalt  }
0x4e: {  	_ =	shalt  }
0x4f: {  	_ =	shalt  }
0x50: {  	_ =	shalt  }
0x51: {  	_ =	shalt  }
0x52: {  	_ =	shalt  }
0x53: {  	_ =	shalt  }
0x54: {  	_ =	shalt  }
0x55: {  	_ =	shalt  }
0x56: {  	_ =	shalt  }
0x57: {  	_ =	shalt  }
0x58: {  	_ =	shalt  }
0x59: {  	_ =	shalt  }
0x5a: {  	_ =	shalt  }
0x5b: {  	_ =	shalt  }
0x5c: {  	_ =	shalt  }
0x5d: {  	_ =	shalt  }
0x5e: {  	_ =	shalt  }
0x5f: {  	_ =	shalt  }
0x60: {  	_ =	shalt  }
0x61: {  	_ =	shalt  }
0x62: {  	_ =	shalt  }
0x63: {  	_ =	shalt  }
0x64: {  	_ =	shalt  }
0x65: {  	_ =	shalt  }
0x66: {  	_ =	shalt  }
0x67: {  	_ =	shalt  }
0x68: {  	_ =	shalt  }
0x69: {  	_ =	shalt  }
0x6a: {  	_ =	shalt  }
0x6b: {  	_ =	shalt  }
0x6c: {  	_ =	shalt  }
0x6d: {  	_ =	shalt  }
0x6e: {  	_ =	shalt  }
0x6f: {  	_ =	shalt  }
0x70: {  	_ =	shalt  }
0x71: {  	_ =	shalt  }
0x72: {  	_ =	shalt  }
0x73: {  	_ =	shalt  }
0x74: {  	_ =	shalt  }
0x75: {  	_ =	shalt  }
0x76: {  	_ =	shalt  }
0x77: {  	_ =	shalt  }
0x78: {  	_ =	shalt  }
0x79: {  	_ =	shalt  }
0x7a: {  	_ =	shalt  }
0x7b: {  	_ =	shalt  }
0x7c: {  	_ =	shalt  }
0x7d: {  	_ =	shalt  }
0x7e: {  	_ =	shalt  }
0x7f: {  	_ =	shalt  }
0x80: {  	_ =	shalt  }
0x81: {  	_ =	shalt  }
0x82: {  	_ =	shalt  }
0x83: {  	_ =	shalt  }
0x84: {  	_ =	shalt  }
0x85: {  	_ =	shalt  }
0x86: {  	_ =	shalt  }
0x87: {  	_ =	shalt  }
.Lfunc_end0:
.L_simem_size_0:
called_computation_lowered:
.L_overlay_start_0:
0x88: {  	s2 =	sld [smem:$0x3FD9]  }
0x89: {  	s3 =	sld [smem:$0x3FFE];
	_ =	sdelay $0x1  }
0x8a: {  	s1 =	srdreg.scid  }
0x8b: {  	s0 =	sand.u32 $0x1, s1  }
0x8c: {  	s17 =	sshll.u32 s0, $0xA;
	s2 =	sadd.s32 s3, s2  }
0x8d: {  	s2 =	sadd.s32 s2, s17  }
0x8e: {  	[smem:$0x3FC6] =	sst s2  }
0x8f: {  	_ = 	snop  }
0x90: {  	s2 =	sld [smem:$0x3FD0];
	(tm) =	ssettm $0x1  }
0x91: {  	s18 =	sld [smem:$0x3FFB];
	_ =	sdelay $0x3  }
0x92: {  	_ =	strace s18  }
0x93: {  	s3 =	sld [smem:$0x3FFC];
	_ =	sdelay $0x3  }
0x94: {  	_ =	strace s3  }
0x95: {  	s3 =	sld [smem:$0x3FFD];
	_ =	sdelay $0x3  }
0x96: {  	_ =	strace s3  }
0x97: {  	_ =	strace $0x8FFFFFFF  }
0x98: {  	s19 =	sld [smem:$0x3FDB];
	_ =	sdelay $0x1  }
0x99: {  	s4 =	simm.s32 $_scs_section_size  }
0x9a: {  	s5 =	simm.s32 $_size__tile_overlayer_lowered;
	s6 =	simm.s32 $_tile_overlayer_lowered  }
0x9b: {  	s22 =	simm.s32 $0x1BFF;
	s21 =	sshll.u32 s6, $0x1;
	s3 =	sadd.s32 s4, s19  }
0x9c: {  	s7 =	simm.s32 $0x0;
	s20 =	sshll.u32 s5, $0x1;
	s5 =	sadd.s32 s21, s3  }
0x9d: {  	[timem:s7], [sflag:s22] =	dma.local [hbm:s5], s20  }
0x9e: {  	_ =	swait.ge [sflag:s22], s20  }
0x9f: {  	s4 =	ssub.s32 $0x0, s20;
	[sflag:s22] =	ssyncset.done $0x0  }
0xa0: {  	[sflag:s22] =	ssyncadd.s32 s4;
	_ =	sdelay $0x1  }
0xa1: {  	s23 =	simm.s32 $0x1B8B  }
0xa2: {  	_ =	swait.ge [sflag:s23], $0x1  }
0xa3: {  	[sflag:s23] =	ssyncset.done $0x0  }
0xa4: {  	s25 =	simm.s32 $0x1B8E;
	s24 =	sld [smem:$0x3FFE];
	[sflag:s23] =	ssyncadd.s32 $0xFFFFFFFF  }
0xa5: {  	s26 =	simm.s32 $execute0_lowered;
	[smem:$0x3FD2] =	sst s25  }
0xa6: {  	s5 =	sshll.u32 s26, $0x1;
	_ =	strace $0x80000046;
	[dreg:$0x1] =	wrdreg $0xFFFFFFFF  }
0xa7: {  	s28 =	simm.s32 $_size_execute0_lowered;
	s3 =	sadd.s32 s3, s5;
	[dreg:$0x0] =	wrdreg $0x0  }
0xa8: {  	s5 =	sshll.u32 s28, $0x1;
	[dreg:$0x2] =	wrdreg s3  }
0xa9: {  	[dreg:$0x3] =	wrdreg s5  }
0xaa: {  	[dreg:$0x4] =	wrdreg $0xC0  }
0xab: {  	_ =	task [dreg:s7], $0x5FFFF  }
0xac: {  	[dreg:$0x1] =	wrdreg $0xFFFFFFFF  }
0xad: {  	[dreg:$0x0] =	wrdreg $0x60  }
0xae: {  	[dreg:$0x2] =	wrdreg s2  }
0xaf: {  	[dreg:$0x3] =	wrdreg s24  }
0xb0: {  	[dreg:$0x4] =	wrdreg $0x9  }
0xb1: {  	_ =	task.clear_ibuf [dreg:s7], $0x5FFFF;
	_ =	strace $0x90000046  }
0xb2: {  	s29 =	simm.s32 $0x9;
	_ =	strace $0x80000048  }
0xb3: {  	_ =	swait.ge [sflag:s29], $0x1  }
0xb4: {  	[sflag:s29] =	ssyncadd.s32 $0xFFFFFFFF  }
0xb5: {  	_ =	strace $0x90000048  }
0xb6: {  	_ =	sfence  }
0xb7: {  	s30 =	sld [smem:$0x0];
	_ =	sdelay $0x2  }
0xb8: {  	s31 =	sshll.u32 s1, $0xD;
	s1 =	sshrl.u32 s1, $0x2  }
0xb9: {  	s3 =	sand.u32 $0x4000, s31;
	s1 =	sadd.s32 s1, s30  }
0xba: {  	s0 =	sor.u32 s3, s0;
	s1 =	sshll.u32 s1, $0x11  }
0xbb: {  	s0 =	sor.u32 s1, s0  }
0xbc: {  	s0 =	sadd.s32 $0x8F2B, s0  }
0xbd: {  	[sflag:s0] =	ssyncadd.remote.s32 $0x1  }
0xbe: {  	_ =	sfence.sel $0xFFFF  }
0xbf: {  	[dreg:$0x0] =	wrdreg $0xFFFFFFFF;
	(pc) =	sbr.abs _section_cstart, $3  }
0xc0: {  	[dreg:$0x1] =	wrdreg $0xFFFFFFFF  }
0xc1: {  	_ =	task.clear_ibuf [dreg:s7], $0x2FFFF;
	_ =	strace $0x9FFFFFFF  }
0xc2: {  	(tm) =	ssettm $0x7FFFFFFF  }
0xc3: {  	_ =	shalt  }
tec
execute0_lowered:
.L_overlay_start_1:
0x0: {  	(tag) =	ssettag $0x1  }
0x1: {  	s0 =	rddreg [dreg:$0x0]  }
0x2: {  	s1 =	rddreg [dreg:$0x1];
	s2 =	simm.s32 $0x0  }
0x3: {  	s3 =	srdreg.scid;
	s4 =	stileid.u32;
	s12 =	simm.s32 $0x800  }
0x4: {  	s23 =	simm.s32 $0xC00;
	s30 =	simm.s32 $0x1000;
	s15 =	simm.s32 $0x2800  }
0x5: {  	s16 =	simm.s32 $0x2C00;
	s24 =	simm.s32 $0x1;
	s25 =	simm.s32 $0x2  }
0x6: {  	[smem:$0x7FF] =	sst s2;
	s3 =	sand.u32 $0x1, s3;
	s4 =	sshll.u32 s4, $0x1  }
0x7: {  	_ =	strace $0x80000047;
	s4 =	sor.u32 s3, s4;
	s5 =	ssub.s32 $0x2, s3  }
0x8: {  	s3 =	sadd.s32 $0x400, s1;
	s6 =	sshll.u32 s4, $0xD;
	s4 =	sshll.u32 s4, $0x8  }
0x9: {  	s7 =	sshrl.u32 s5, $0x1;
	s1 =	sadd.s32 s6, s1;
	s0 =	sadd.s32 s0, s4  }
0xa: {  	s5 =	ssub.s32 s5, s7;
	[dreg:$0x3] =	wrdreg s0;
	s29 =	sadd.s32 $0x10C9400, s1  }
0xb: {  	s6 =	simm.s32 $0x3000;
	s31 =	smax.u32 s5, $0x1;
	[dreg:$0x4] =	wrdreg s29  }
0xc: {  	s4 =	simm.s32 $0x0;
	s1 =	simm.s32 $0x3;
	[dreg:$0x5] =	wrdreg s31  }
.LBB2_1:
0xd: {  	[dreg:$0x6] =	wrdreg s4  }
0xe: {  	s0 =	rddreg [dreg:$0x3]  }
0xf: {  	[tilespmem:s2], [sflag:$0x3] =	stream.linear.gather [hbm4b:s0+s2], $0x800, $0x38;
	[tilespmem:$0x14800] =	vst v63  }
0x10: {  	_ =	swait.ge [sflag:s1], $0x800  }
0x11: {  	[sflag:s1] =	ssyncset.done $0x0  }
0x12: {  	s29 =	simm.s32 $0x5000;
	s0 =	simm.s32 $0x0;
	[sflag:s1] =	ssyncadd.s32 $0xFFFFF800  }
.LBB2_2:
0x13: {  	[dreg:$0x7] =	wrdreg s0  }
0x14: {  	s0 =	rddreg [dreg:$0x7]  }
0x15: {  	s0 =	sshra.s32 s0, $0x2  }
0x16: {  	v0 =	vld [tilespmem:s0+$0x0];
	_ =	sdelay $0x4  }
0x17: {  	(v2sf) =	vpush v0, $0x0;
	_ =	sdelay $0x1  }
0x18: {  	(v2sf) =	vpush v0, $0x1;
	_ =	sdelay $0x2  }
0x19: {  	(v2sf) =	vpush v0, $0x2;
	_ =	sdelay $0x2  }
0x1a: {  	(v2sf) =	vpush v0, $0x3;
	_ =	sdelay $0x2  }
0x1b: {  	(v2sf) =	vpush v0, $0x4;
	_ =	sdelay $0x2  }
0x1c: {  	(v2sf) =	vpush v0, $0x5  }
0x1d: {  	s5 =	spop (v2sf)  }
0x1e: {  	s1 =	sshll.u32 s5, $0x4  }
0x1f: {  	(v2sf) =	vpush v0, $0x6;
	s4 =	spop (v2sf);
	s1 =	sand.u32 $0xFFFFF80, s1  }
0x20: {  	s17 =	sshll.u32 s4, $0x4;
	s13 =	sadd.s32 s3, s1  }
0x21: {  	v1 =	vld [tilespmem:s0+$0x10];
	[tilespmem:s12], [sflag:$0x1] =	stream.linear.gather [hbm4b:s13+s2], $0x400, $0x38  }
0x22: {  	(v2sf) =	vpush v0, $0x7;
	s0 =	sand.u32 $0xFFFFF80, s17;
	s12 =	spop (v2sf)  }
0x23: {  	s0 =	sadd.s32 s3, s0;
	s18 =	sshll.u32 s12, $0x4  }
0x24: {  	[tilespmem:s23], [sflag:$0x1] =	stream.linear.gather [hbm4b:s0+s2], $0x400, $0x38;
	[tilespmem:$0x14800] =	vst v63  }
0x25: {  	(v2sf) =	vpush v0, $0x8;
	s1 =	spop (v2sf);
	s0 =	sand.u32 $0xFFFFF80, s18  }
0x26: {  	s19 =	sshll.u32 s1, $0x4;
	s0 =	sadd.s32 s3, s0  }
0x27: {  	[tilespmem:s30], [sflag:$0x1] =	stream.linear.gather [hbm4b:s0+s2], $0x400, $0x38;
	[tilespmem:$0x14800] =	vst v63  }
0x28: {  	(v2sf) =	vpush v0, $0x9;
	s17 =	spop (v2sf);
	s0 =	sand.u32 $0xFFFFF80, s19  }
0x29: {  	s7 =	simm.s32 $0x1400;
	s20 =	sshll.u32 s17, $0x4;
	s0 =	sadd.s32 s3, s0  }
0x2a: {  	[tilespmem:s7], [sflag:$0x1] =	stream.linear.gather [hbm4b:s0+s2], $0x400, $0x38;
	[tilespmem:$0x14800] =	vst v63  }
0x2b: {  	(v2sf) =	vpush v0, $0xA;
	s30 =	spop (v2sf);
	s0 =	sand.u32 $0xFFFFF80, s20  }
0x2c: {  	s8 =	simm.s32 $0x1800;
	s21 =	sshll.u32 s30, $0x4;
	s0 =	sadd.s32 s3, s0  }
0x2d: {  	[tilespmem:s8], [sflag:$0x1] =	stream.linear.gather [hbm4b:s0+s2], $0x400, $0x38;
	[tilespmem:$0x14800] =	vst v63  }
0x2e: {  	(v2sf) =	vpush v0, $0xB;
	s22 =	sand.u32 $0xFFFFF80, s21;
	s0 =	spop (v2sf)  }
0x2f: {  	s9 =	simm.s32 $0x1C00;
	s7 =	sadd.s32 s3, s22;
	s23 =	sshll.u32 s0, $0x4  }
0x30: {  	[tilespmem:s9], [sflag:$0x1] =	stream.linear.gather [hbm4b:s7+s2], $0x400, $0x38;
	[tilespmem:$0x14800] =	vst v63  }
0x31: {  	(v2sf) =	vpush v0, $0xC;
	s7 =	sand.u32 $0xFFFFF80, s23;
	s23 =	spop (v2sf)  }
0x32: {  	s10 =	simm.s32 $0x2000;
	(v2sf) =	vpush v0, $0xD;
	s7 =	sadd.s32 s3, s7;
	s28 =	sshll.u32 s23, $0x4  }
0x33: {  	[tilespmem:s10], [sflag:$0x1] =	stream.linear.gather [hbm4b:s7+s2], $0x400, $0x38;
	[tilespmem:$0x14800] =	vst v63  }
0x34: {  	(v2sf) =	vpush v0, $0xE;
	s22 =	spop (v2sf);
	s7 =	sand.u32 $0xFFFFF80, s28  }
0x35: {  	s11 =	simm.s32 $0x2400;
	(v2sf) =	vpush v0, $0xF;
	s31 =	sshll.u32 s22, $0x4;
	s7 =	sadd.s32 s3, s7  }
0x36: {  	[tilespmem:s11], [sflag:$0x1] =	stream.linear.gather [hbm4b:s7+s2], $0x400, $0x38;
	[tilespmem:$0x14800] =	vst v63  }
0x37: {  	(v2sf) =	vpush v1, $0x0;
	s21 =	spop (v2sf);
	s7 =	sand.u32 $0xFFFFF80, s31  }
0x38: {  	(v2sf) =	vpush v1, $0x1;
	s8 =	sshll.u32 s21, $0x4;
	s7 =	sadd.s32 s3, s7  }
0x39: {  	[tilespmem:s15], [sflag:$0x2] =	stream.linear.gather [hbm4b:s7+s2], $0x400, $0x38;
	[tilespmem:$0x14800] =	vst v63  }
0x3a: {  	(v2sf) =	vpush v1, $0x2;
	s20 =	spop (v2sf);
	s7 =	sand.u32 $0xFFFFF80, s8  }
0x3b: {  	(v2sf) =	vpush v1, $0x3;
	s9 =	sshll.u32 s20, $0x4;
	s7 =	sadd.s32 s3, s7  }
0x3c: {  	[tilespmem:s16], [sflag:$0x2] =	stream.linear.gather [hbm4b:s7+s2], $0x400, $0x38;
	[tilespmem:$0x14800] =	vst v63  }
0x3d: {  	s19 =	spop (v2sf);
	(v2sf) =	vpush v1, $0x4;
	s7 =	sand.u32 $0xFFFFF80, s9  }
0x3e: {  	(v2sf) =	vpush v1, $0x5;
	s10 =	sshll.u32 s19, $0x4;
	s7 =	sadd.s32 s3, s7  }
0x3f: {  	(v2sf) =	vpush v1, $0x6;
	[tilespmem:s6], [sflag:$0x2] =	stream.linear.gather [hbm4b:s7+s2], $0x400, $0x38;
	[tilespmem:$0x14800] =	vst v63  }
0x40: {  	s14 =	simm.s32 $0x3400;
	s18 =	spop (v2sf);
	(v2sf) =	vpush v1, $0x7;
	s7 =	sand.u32 $0xFFFFF80, s10  }
0x41: {  	s11 =	sshll.u32 s18, $0x4;
	(v2sf) =	vpush v1, $0x8;
	s8 =	spop (v2sf);
	s7 =	sadd.s32 s3, s7  }
0x42: {  	[tilespmem:s14], [sflag:$0x2] =	stream.linear.gather [hbm4b:s7+s2], $0x400, $0x38;
	[tilespmem:$0x14800] =	vst v63  }
0x43: {  	s26 =	simm.s32 $0x3800;
	s16 =	spop (v2sf);
	s7 =	sand.u32 $0xFFFFF80, s11  }
0x44: {  	(v2sf) =	vpush v1, $0x9;
	s13 =	sshll.u32 s8, $0x4;
	s15 =	spop (v2sf);
	s7 =	sadd.s32 s3, s7  }
0x45: {  	(v2sf) =	vpush v1, $0xA;
	[tilespmem:s26], [sflag:$0x2] =	stream.linear.gather [hbm4b:s7+s2], $0x400, $0x38;
	[tilespmem:$0x14800] =	vst v63  }
0x46: {  	s14 =	simm.s32 $0x3C00;
	(v2sf) =	vpush v1, $0xB;
	s7 =	sand.u32 $0xFFFFF80, s13;
	s9 =	spop (v2sf)  }
0x47: {  	s26 =	sshll.u32 s16, $0x4;
	(v2sf) =	vpush v1, $0xC;
	s7 =	sadd.s32 s3, s7;
	s10 =	spop (v2sf)  }
0x48: {  	(v2sf) =	vpush v1, $0xD;
	[tilespmem:s14], [sflag:$0x2] =	stream.linear.gather [hbm4b:s7+s2], $0x400, $0x38;
	[tilespmem:$0x14800] =	vst v63  }
0x49: {  	s7 =	sand.u32 $0xFFFFF80, s26;
	s11 =	spop (v2sf);
	(v2sf) =	vpush v1, $0xE  }
0x4a: {  	s28 =	simm.s32 $0x4000;
	s7 =	sadd.s32 s3, s7;
	(v2sf) =	vpush v1, $0xF;
	s31 =	spop (v2sf)  }
0x4b: {  	[tilespmem:s28], [sflag:$0x2] =	stream.linear.gather [hbm4b:s7+s2], $0x400, $0x38;
	[tilespmem:$0x14800] =	vst v63  }
0x4c: {  	s13 =	spop (v2sf)  }
0x4d: {  	s14 =	spop (v2sf)  }
0x4e: {  	s28 =	spop (v2sf)  }
0x4f: {  	s6 =	sshll.u32 s15, $0x4;
	s26 =	spop (v2sf)  }
0x50: {  	s6 =	sand.u32 $0xFFFFF80, s6;
	s7 =	spop (v2sf)  }
0x51: {  	s6 =	sadd.s32 s3, s6;
	[dreg:$0xe] =	wrdreg s7;
	s7 =	simm.s32 $0x4400  }
0x52: {  	[tilespmem:s7], [sflag:$0x2] =	stream.linear.gather [hbm4b:s6+s2], $0x400, $0x38;
	[tilespmem:$0x14800] =	vst v63  }
0x53: {  	s7 =	spop (v2sf)  }
0x54: {  	s6 =	spop (v2sf)  }
0x55: {  	[dreg:$0xd] =	wrdreg s6;
	s6 =	spop (v2sf)  }
0x56: {  	[dreg:$0xc] =	wrdreg s6;
	s6 =	spop (v2sf)  }
0x57: {  	[dreg:$0xb] =	wrdreg s6;
	s6 =	spop (v2sf)  }
0x58: {  	[dreg:$0xa] =	wrdreg s6;
	s6 =	spop (v2sf)  }
0x59: {  	[dreg:$0x9] =	wrdreg s6;
	s6 =	spop (v2sf)  }
0x5a: {  	[dreg:$0x8] =	wrdreg s6  }
0x5b: {  	_ =	swait.ge [sflag:s24], $0x400  }
0x5c: {  	[sflag:s24] =	ssyncset.done $0x0  }
0x5d: {  	[sflag:s24] =	ssyncadd.s32 $0xFFFFFC00  }
0x5e: {  	_ =	swait.ge [sflag:s24], $0x400  }
0x5f: {  	[sflag:s24] =	ssyncset.done $0x0  }
0x60: {  	[sflag:s24] =	ssyncadd.s32 $0xFFFFFC00  }
0x61: {  	_ =	swait.ge [sflag:s24], $0x400  }
0x62: {  	[sflag:s24] =	ssyncset.done $0x0  }
0x63: {  	[sflag:s24] =	ssyncadd.s32 $0xFFFFFC00  }
0x64: {  	_ =	swait.ge [sflag:s24], $0x400  }
0x65: {  	[sflag:s24] =	ssyncset.done $0x0  }
0x66: {  	[sflag:s24] =	ssyncadd.s32 $0xFFFFFC00  }
0x67: {  	_ =	swait.ge [sflag:s24], $0x400  }
0x68: {  	[sflag:s24] =	ssyncset.done $0x0  }
0x69: {  	[sflag:s24] =	ssyncadd.s32 $0xFFFFFC00  }
0x6a: {  	_ =	swait.ge [sflag:s24], $0x400  }
0x6b: {  	[sflag:s24] =	ssyncset.done $0x0  }
0x6c: {  	[sflag:s24] =	ssyncadd.s32 $0xFFFFFC00  }
0x6d: {  	_ =	swait.ge [sflag:s24], $0x400  }
0x6e: {  	[sflag:s24] =	ssyncset.done $0x0  }
0x6f: {  	[sflag:s24] =	ssyncadd.s32 $0xFFFFFC00  }
0x70: {  	_ =	swait.ge [sflag:s24], $0x400  }
0x71: {  	s5 =	sshll.u32 s5, $0x7;
	[sflag:s24] =	ssyncset.done $0x0  }
0x72: {  	s5 =	sand.u32 $0x380, s5;
	[sflag:s24] =	ssyncadd.s32 $0xFFFFFC00  }
0x73: {  	v50 =	vld [tilespmem:s5+$0x800]  }
0x74: {  	v51 =	vld [tilespmem:s5+$0x810]  }
0x75: {  	v2 =	vld [tilespmem:s5+$0x820]  }
0x76: {  	v3 =	vld [tilespmem:s5+$0x830];
	_ =	sdelay $0x1  }
0x77: {  	[tilespmem:s29+$0xFFFFF800] =	vst v50  }
0x78: {  	[tilespmem:s29+$0xFFFFF810] =	vst v51  }
0x79: {  	s4 =	sshll.u32 s4, $0x7;
	[tilespmem:s29+$0xFFFFF820] =	vst v2  }
0x7a: {  	s4 =	sand.u32 $0x380, s4;
	[tilespmem:s29+$0xFFFFF830] =	vst v3  }
0x7b: {  	v0 =	vld [tilespmem:s4+$0xC00]  }
0x7c: {  	v1 =	vld [tilespmem:s4+$0xC10]  }
0x7d: {  	v2 =	vld [tilespmem:s4+$0xC20]  }
0x7e: {  	v3 =	vld [tilespmem:s4+$0xC30];
	_ =	sdelay $0x1  }
0x7f: {  	[tilespmem:s29+$0xFFFFF880] =	vst v0  }
0x80: {  	[tilespmem:s29+$0xFFFFF890] =	vst v1  }
0x81: {  	s12 =	sshll.u32 s12, $0x7;
	[tilespmem:s29+$0xFFFFF8A0] =	vst v2  }
0x82: {  	s4 =	sand.u32 $0x380, s12;
	[tilespmem:s29+$0xFFFFF8B0] =	vst v3  }
0x83: {  	v0 =	vld [tilespmem:s4+$0x1000]  }
0x84: {  	v1 =	vld [tilespmem:s4+$0x1010]  }
0x85: {  	v2 =	vld [tilespmem:s4+$0x1020]  }
0x86: {  	v3 =	vld [tilespmem:s4+$0x1030];
	_ =	sdelay $0x1  }
0x87: {  	[tilespmem:s29+$0xFFFFF900] =	vst v0  }
0x88: {  	[tilespmem:s29+$0xFFFFF910] =	vst v1  }
0x89: {  	s1 =	sshll.u32 s1, $0x7;
	[tilespmem:s29+$0xFFFFF920] =	vst v2  }
0x8a: {  	s1 =	sand.u32 $0x380, s1;
	[tilespmem:s29+$0xFFFFF930] =	vst v3  }
0x8b: {  	v0 =	vld [tilespmem:s1+$0x1400]  }
0x8c: {  	v1 =	vld [tilespmem:s1+$0x1410]  }
0x8d: {  	v2 =	vld [tilespmem:s1+$0x1420]  }
0x8e: {  	v3 =	vld [tilespmem:s1+$0x1430];
	_ =	sdelay $0x1  }
0x8f: {  	[tilespmem:s29+$0xFFFFF980] =	vst v0  }
0x90: {  	[tilespmem:s29+$0xFFFFF990] =	vst v1  }
0x91: {  	s17 =	sshll.u32 s17, $0x7;
	[tilespmem:s29+$0xFFFFF9A0] =	vst v2  }
0x92: {  	s1 =	sand.u32 $0x380, s17;
	[tilespmem:s29+$0xFFFFF9B0] =	vst v3  }
0x93: {  	v0 =	vld [tilespmem:s1+$0x1800]  }
0x94: {  	v1 =	vld [tilespmem:s1+$0x1810]  }
0x95: {  	v2 =	vld [tilespmem:s1+$0x1820]  }
0x96: {  	v3 =	vld [tilespmem:s1+$0x1830];
	_ =	sdelay $0x1  }
0x97: {  	[tilespmem:s29+$0xFFFFFA00] =	vst v0  }
0x98: {  	[tilespmem:s29+$0xFFFFFA10] =	vst v1  }
0x99: {  	s5 =	sshll.u32 s30, $0x7;
	[tilespmem:s29+$0xFFFFFA20] =	vst v2  }
0x9a: {  	s1 =	sand.u32 $0x380, s5;
	[tilespmem:s29+$0xFFFFFA30] =	vst v3  }
0x9b: {  	v0 =	vld [tilespmem:s1+$0x1C00]  }
0x9c: {  	v1 =	vld [tilespmem:s1+$0x1C10]  }
0x9d: {  	v2 =	vld [tilespmem:s1+$0x1C20]  }
0x9e: {  	v3 =	vld [tilespmem:s1+$0x1C30];
	_ =	sdelay $0x1  }
0x9f: {  	[tilespmem:s29+$0xFFFFFA80] =	vst v0  }
0xa0: {  	[tilespmem:s29+$0xFFFFFA90] =	vst v1  }
0xa1: {  	s0 =	sshll.u32 s0, $0x7;
	[tilespmem:s29+$0xFFFFFAA0] =	vst v2  }
0xa2: {  	s0 =	sand.u32 $0x380, s0;
	[tilespmem:s29+$0xFFFFFAB0] =	vst v3  }
0xa3: {  	v0 =	vld [tilespmem:s0+$0x2000]  }
0xa4: {  	v1 =	vld [tilespmem:s0+$0x2010]  }
0xa5: {  	v2 =	vld [tilespmem:s0+$0x2020]  }
0xa6: {  	v3 =	vld [tilespmem:s0+$0x2030];
	_ =	sdelay $0x1  }
0xa7: {  	[tilespmem:s29+$0xFFFFFB00] =	vst v0  }
0xa8: {  	[tilespmem:s29+$0xFFFFFB10] =	vst v1  }
0xa9: {  	s6 =	sshll.u32 s23, $0x7;
	[tilespmem:s29+$0xFFFFFB20] =	vst v2  }
0xaa: {  	s0 =	sand.u32 $0x380, s6;
	[tilespmem:s29+$0xFFFFFB30] =	vst v3  }
0xab: {  	v0 =	vld [tilespmem:s0+$0x2400]  }
0xac: {  	v1 =	vld [tilespmem:s0+$0x2410]  }
0xad: {  	v2 =	vld [tilespmem:s0+$0x2420]  }
0xae: {  	v3 =	vld [tilespmem:s0+$0x2430];
	_ =	sdelay $0x1  }
0xaf: {  	[tilespmem:s29+$0xFFFFFB80] =	vst v0  }
0xb0: {  	s12 =	sshll.u32 s9, $0x4;
	[tilespmem:s29+$0xFFFFFB90] =	vst v1  }
0xb1: {  	s0 =	sand.u32 $0xFFFFF80, s12;
	[tilespmem:s29+$0xFFFFFBA0] =	vst v2  }
0xb2: {  	s17 =	simm.s32 $0x800;
	s1 =	sshll.u32 s10, $0x4;
	s0 =	sadd.s32 s3, s0;
	[tilespmem:s29+$0xFFFFFBB0] =	vst v3  }
0xb3: {  	[tilespmem:s17], [sflag:$0x1] =	stream.linear.gather [hbm4b:s0+s2], $0x400, $0x38;
	[tilespmem:$0x14800] =	vst v63  }
0xb4: {  	s0 =	sand.u32 $0xFFFFF80, s1  }
0xb5: {  	s23 =	simm.s32 $0xC00;
	s5 =	sshll.u32 s11, $0x4;
	s0 =	sadd.s32 s3, s0  }
0xb6: {  	[tilespmem:s23], [sflag:$0x1] =	stream.linear.gather [hbm4b:s0+s2], $0x400, $0x38;
	[tilespmem:$0x14800] =	vst v63  }
0xb7: {  	s0 =	sand.u32 $0xFFFFF80, s5  }
0xb8: {  	s30 =	simm.s32 $0x1000;
	s6 =	sshll.u32 s31, $0x4;
	s0 =	sadd.s32 s3, s0  }
0xb9: {  	[tilespmem:s30], [sflag:$0x1] =	stream.linear.gather [hbm4b:s0+s2], $0x400, $0x38;
	[tilespmem:$0x14800] =	vst v63  }
0xba: {  	s0 =	sand.u32 $0xFFFFF80, s6  }
0xbb: {  	s4 =	simm.s32 $0x1400;
	s5 =	sshll.u32 s13, $0x4;
	s0 =	sadd.s32 s3, s0  }
0xbc: {  	[tilespmem:s4], [sflag:$0x1] =	stream.linear.gather [hbm4b:s0+s2], $0x400, $0x38;
	[tilespmem:$0x14800] =	vst v63  }
0xbd: {  	s0 =	sand.u32 $0xFFFFF80, s5  }
0xbe: {  	s17 =	simm.s32 $0x1800;
	s6 =	sshll.u32 s14, $0x4;
	s0 =	sadd.s32 s3, s0  }
0xbf: {  	[tilespmem:s17], [sflag:$0x1] =	stream.linear.gather [hbm4b:s0+s2], $0x400, $0x38;
	[tilespmem:$0x14800] =	vst v63  }
0xc0: {  	s0 =	sand.u32 $0xFFFFF80, s6  }
0xc1: {  	s4 =	simm.s32 $0x1C00;
	s5 =	sshll.u32 s28, $0x4;
	s0 =	sadd.s32 s3, s0  }
0xc2: {  	[tilespmem:s4], [sflag:$0x1] =	stream.linear.gather [hbm4b:s0+s2], $0x400, $0x38;
	[tilespmem:$0x14800] =	vst v63  }
0xc3: {  	s0 =	sand.u32 $0xFFFFF80, s5  }
0xc4: {  	s17 =	simm.s32 $0x2000;
	s6 =	sshll.u32 s26, $0x4;
	s0 =	sadd.s32 s3, s0  }
0xc5: {  	[tilespmem:s17], [sflag:$0x1] =	stream.linear.gather [hbm4b:s0+s2], $0x400, $0x38;
	[tilespmem:$0x14800] =	vst v63  }
0xc6: {  	s0 =	sand.u32 $0xFFFFF80, s6  }
0xc7: {  	s4 =	simm.s32 $0x2400;
	s0 =	sadd.s32 s3, s0  }
0xc8: {  	[tilespmem:s4], [sflag:$0x1] =	stream.linear.gather [hbm4b:s0+s2], $0x400, $0x38;
	[tilespmem:$0x14800] =	vst v63  }
0xc9: {  	_ =	swait.ge [sflag:s25], $0x400  }
0xca: {  	[sflag:s25] =	ssyncset.done $0x0  }
0xcb: {  	[sflag:s25] =	ssyncadd.s32 $0xFFFFFC00  }
0xcc: {  	_ =	swait.ge [sflag:s25], $0x400  }
0xcd: {  	[sflag:s25] =	ssyncset.done $0x0  }
0xce: {  	[sflag:s25] =	ssyncadd.s32 $0xFFFFFC00  }
0xcf: {  	_ =	swait.ge [sflag:s25], $0x400  }
0xd0: {  	[sflag:s25] =	ssyncset.done $0x0  }
0xd1: {  	[sflag:s25] =	ssyncadd.s32 $0xFFFFFC00  }
0xd2: {  	_ =	swait.ge [sflag:s25], $0x400  }
0xd3: {  	[sflag:s25] =	ssyncset.done $0x0  }
0xd4: {  	[sflag:s25] =	ssyncadd.s32 $0xFFFFFC00  }
0xd5: {  	_ =	swait.ge [sflag:s25], $0x400  }
0xd6: {  	[sflag:s25] =	ssyncset.done $0x0  }
0xd7: {  	[sflag:s25] =	ssyncadd.s32 $0xFFFFFC00  }
0xd8: {  	_ =	swait.ge [sflag:s25], $0x400  }
0xd9: {  	[sflag:s25] =	ssyncset.done $0x0  }
0xda: {  	[sflag:s25] =	ssyncadd.s32 $0xFFFFFC00  }
0xdb: {  	_ =	swait.ge [sflag:s25], $0x400  }
0xdc: {  	[sflag:s25] =	ssyncset.done $0x0  }
0xdd: {  	[sflag:s25] =	ssyncadd.s32 $0xFFFFFC00  }
0xde: {  	_ =	swait.ge [sflag:s25], $0x400  }
0xdf: {  	s17 =	sshll.u32 s22, $0x7;
	[sflag:s25] =	ssyncset.done $0x0  }
0xe0: {  	s0 =	sand.u32 $0x380, s17;
	[sflag:s25] =	ssyncadd.s32 $0xFFFFFC00  }
0xe1: {  	v52 =	vld [tilespmem:s0+$0x2800]  }
0xe2: {  	v53 =	vld [tilespmem:s0+$0x2810]  }
0xe3: {  	v54 =	vld [tilespmem:s0+$0x2820]  }
0xe4: {  	v55 =	vld [tilespmem:s0+$0x2830];
	_ =	sdelay $0x1  }
0xe5: {  	[tilespmem:s29+$0xFFFFFC00] =	vst v52  }
0xe6: {  	[tilespmem:s29+$0xFFFFFC10] =	vst v53  }
0xe7: {  	s21 =	sshll.u32 s21, $0x7;
	[tilespmem:s29+$0xFFFFFC20] =	vst v54  }
0xe8: {  	s0 =	sand.u32 $0x380, s21;
	[tilespmem:s29+$0xFFFFFC30] =	vst v55  }
0xe9: {  	v0 =	vld [tilespmem:s0+$0x2C00]  }
0xea: {  	v1 =	vld [tilespmem:s0+$0x2C10]  }
0xeb: {  	v2 =	vld [tilespmem:s0+$0x2C20]  }
0xec: {  	v3 =	vld [tilespmem:s0+$0x2C30];
	_ =	sdelay $0x1  }
0xed: {  	[tilespmem:s29+$0xFFFFFC80] =	vst v0  }
0xee: {  	[tilespmem:s29+$0xFFFFFC90] =	vst v1  }
0xef: {  	s22 =	sshll.u32 s20, $0x7;
	[tilespmem:s29+$0xFFFFFCA0] =	vst v2  }
0xf0: {  	s0 =	sand.u32 $0x380, s22;
	[tilespmem:s29+$0xFFFFFCB0] =	vst v3  }
0xf1: {  	v0 =	vld [tilespmem:s0+$0x3000]  }
0xf2: {  	v1 =	vld [tilespmem:s0+$0x3010]  }
0xf3: {  	v2 =	vld [tilespmem:s0+$0x3020]  }
0xf4: {  	v3 =	vld [tilespmem:s0+$0x3030];
	_ =	sdelay $0x1  }
0xf5: {  	[tilespmem:s29+$0xFFFFFD00] =	vst v0  }
0xf6: {  	[tilespmem:s29+$0xFFFFFD10] =	vst v1  }
0xf7: {  	s5 =	sshll.u32 s19, $0x7;
	[tilespmem:s29+$0xFFFFFD20] =	vst v2  }
0xf8: {  	s0 =	sand.u32 $0x380, s5;
	[tilespmem:s29+$0xFFFFFD30] =	vst v3  }
0xf9: {  	v0 =	vld [tilespmem:s0+$0x3400]  }
0xfa: {  	v1 =	vld [tilespmem:s0+$0x3410]  }
0xfb: {  	v2 =	vld [tilespmem:s0+$0x3420]  }
0xfc: {  	v3 =	vld [tilespmem:s0+$0x3430];
	_ =	sdelay $0x1  }
0xfd: {  	[tilespmem:s29+$0xFFFFFD80] =	vst v0  }
0xfe: {  	[tilespmem:s29+$0xFFFFFD90] =	vst v1  }
0xff: {  	s6 =	sshll.u32 s18, $0x7;
	[tilespmem:s29+$0xFFFFFDA0] =	vst v2  }
0x100: {  	s0 =	sand.u32 $0x380, s6;
	[tilespmem:s29+$0xFFFFFDB0] =	vst v3  }
0x101: {  	v0 =	vld [tilespmem:s0+$0x3800]  }
0x102: {  	v1 =	vld [tilespmem:s0+$0x3810]  }
0x103: {  	v2 =	vld [tilespmem:s0+$0x3820]  }
0x104: {  	v3 =	vld [tilespmem:s0+$0x3830];
	_ =	sdelay $0x1  }
0x105: {  	[tilespmem:s29+$0xFFFFFE00] =	vst v0  }
0x106: {  	[tilespmem:s29+$0xFFFFFE10] =	vst v1  }
0x107: {  	s8 =	sshll.u32 s8, $0x7;
	[tilespmem:s29+$0xFFFFFE20] =	vst v2  }
0x108: {  	s0 =	sand.u32 $0x380, s8;
	[tilespmem:s29+$0xFFFFFE30] =	vst v3  }
0x109: {  	v0 =	vld [tilespmem:s0+$0x3C00]  }
0x10a: {  	v1 =	vld [tilespmem:s0+$0x3C10]  }
0x10b: {  	v2 =	vld [tilespmem:s0+$0x3C20]  }
0x10c: {  	v3 =	vld [tilespmem:s0+$0x3C30];
	_ =	sdelay $0x1  }
0x10d: {  	[tilespmem:s29+$0xFFFFFE80] =	vst v0  }
0x10e: {  	[tilespmem:s29+$0xFFFFFE90] =	vst v1  }
0x10f: {  	s17 =	sshll.u32 s16, $0x7;
	[tilespmem:s29+$0xFFFFFEA0] =	vst v2  }
0x110: {  	s0 =	sand.u32 $0x380, s17;
	[tilespmem:s29+$0xFFFFFEB0] =	vst v3  }
0x111: {  	v0 =	vld [tilespmem:s0+$0x4000]  }
0x112: {  	v1 =	vld [tilespmem:s0+$0x4010]  }
0x113: {  	v2 =	vld [tilespmem:s0+$0x4020]  }
0x114: {  	v3 =	vld [tilespmem:s0+$0x4030];
	_ =	sdelay $0x1  }
0x115: {  	[tilespmem:s29+$0xFFFFFF00] =	vst v0  }
0x116: {  	[tilespmem:s29+$0xFFFFFF10] =	vst v1  }
0x117: {  	s18 =	sshll.u32 s15, $0x7;
	[tilespmem:s29+$0xFFFFFF20] =	vst v2  }
0x118: {  	s0 =	sand.u32 $0x380, s18;
	[tilespmem:s29+$0xFFFFFF30] =	vst v3  }
0x119: {  	v0 =	vld [tilespmem:s0+$0x4400]  }
0x11a: {  	v1 =	vld [tilespmem:s0+$0x4410]  }
0x11b: {  	v2 =	vld [tilespmem:s0+$0x4420]  }
0x11c: {  	v3 =	vld [tilespmem:s0+$0x4430];
	_ =	sdelay $0x1  }
0x11d: {  	s22 =	rddreg [dreg:$0xe];
	[tilespmem:s29+$0xFFFFFF80] =	vst v0  }
0x11e: {  	s19 =	sshll.u32 s22, $0x4;
	[tilespmem:s29+$0xFFFFFF90] =	vst v1  }
0x11f: {  	s0 =	sand.u32 $0xFFFFF80, s19;
	[tilespmem:s29+$0xFFFFFFA0] =	vst v2  }
0x120: {  	s15 =	simm.s32 $0x2800;
	s20 =	sshll.u32 s7, $0x4;
	s0 =	sadd.s32 s3, s0;
	[tilespmem:s29+$0xFFFFFFB0] =	vst v3  }
0x121: {  	[tilespmem:s15], [sflag:$0x2] =	stream.linear.gather [hbm4b:s0+s2], $0x400, $0x38;
	[tilespmem:$0x14800] =	vst v63  }
0x122: {  	s0 =	sand.u32 $0xFFFFF80, s20;
	s20 =	rddreg [dreg:$0xd]  }
0x123: {  	s16 =	simm.s32 $0x2C00;
	s0 =	sadd.s32 s3, s0;
	s5 =	sshll.u32 s20, $0x4  }
0x124: {  	[tilespmem:s16], [sflag:$0x2] =	stream.linear.gather [hbm4b:s0+s2], $0x400, $0x38;
	[tilespmem:$0x14800] =	vst v63  }
0x125: {  	s21 =	smov.u32 s7;
	s19 =	rddreg [dreg:$0xc];
	s0 =	sand.u32 $0xFFFFF80, s5  }
0x126: {  	s6 =	simm.s32 $0x3000;
	s7 =	sshll.u32 s19, $0x4;
	s0 =	sadd.s32 s3, s0  }
0x127: {  	[tilespmem:s6], [sflag:$0x2] =	stream.linear.gather [hbm4b:s0+s2], $0x400, $0x38;
	[tilespmem:$0x14800] =	vst v63  }
0x128: {  	s18 =	rddreg [dreg:$0xb];
	s0 =	sand.u32 $0xFFFFF80, s7  }
0x129: {  	s1 =	simm.s32 $0x3400;
	s8 =	sshll.u32 s18, $0x4;
	s0 =	sadd.s32 s3, s0  }
0x12a: {  	[tilespmem:s1], [sflag:$0x2] =	stream.linear.gather [hbm4b:s0+s2], $0x400, $0x38;
	[tilespmem:$0x14800] =	vst v63  }
0x12b: {  	s5 =	rddreg [dreg:$0xa];
	s0 =	sand.u32 $0xFFFFF80, s8  }
0x12c: {  	s4 =	simm.s32 $0x3800;
	s7 =	sshll.u32 s5, $0x4;
	s0 =	sadd.s32 s3, s0  }
0x12d: {  	[tilespmem:s4], [sflag:$0x2] =	stream.linear.gather [hbm4b:s0+s2], $0x400, $0x38;
	[tilespmem:$0x14800] =	vst v63  }
0x12e: {  	s0 =	sand.u32 $0xFFFFF80, s7;
	s7 =	rddreg [dreg:$0x9]  }
0x12f: {  	s17 =	simm.s32 $0x3C00;
	s0 =	sadd.s32 s3, s0;
	s8 =	sshll.u32 s7, $0x4  }
0x130: {  	[tilespmem:s17], [sflag:$0x2] =	stream.linear.gather [hbm4b:s0+s2], $0x400, $0x38;
	[tilespmem:$0x14800] =	vst v63  }
0x131: {  	s0 =	sand.u32 $0xFFFFF80, s8  }
0x132: {  	s4 =	simm.s32 $0x4000;
	s0 =	sadd.s32 s3, s0  }
0x133: {  	[tilespmem:s4], [sflag:$0x2] =	stream.linear.gather [hbm4b:s0+s2], $0x400, $0x38;
	[tilespmem:$0x14800] =	vst v63  }
0x134: {  	s4 =	rddreg [dreg:$0x8]  }
0x135: {  	s8 =	sshll.u32 s4, $0x4  }
0x136: {  	s0 =	sand.u32 $0xFFFFF80, s8  }
0x137: {  	s17 =	simm.s32 $0x4400;
	s0 =	sadd.s32 s3, s0  }
0x138: {  	[tilespmem:s17], [sflag:$0x2] =	stream.linear.gather [hbm4b:s0+s2], $0x400, $0x38;
	[tilespmem:$0x14800] =	vst v63  }
0x139: {  	_ =	swait.ge [sflag:s24], $0x400  }
0x13a: {  	[sflag:s24] =	ssyncset.done $0x0  }
0x13b: {  	[sflag:s24] =	ssyncadd.s32 $0xFFFFFC00  }
0x13c: {  	_ =	swait.ge [sflag:s24], $0x400  }
0x13d: {  	[sflag:s24] =	ssyncset.done $0x0  }
0x13e: {  	[sflag:s24] =	ssyncadd.s32 $0xFFFFFC00  }
0x13f: {  	_ =	swait.ge [sflag:s24], $0x400  }
0x140: {  	[sflag:s24] =	ssyncset.done $0x0  }
0x141: {  	[sflag:s24] =	ssyncadd.s32 $0xFFFFFC00  }
0x142: {  	_ =	swait.ge [sflag:s24], $0x400  }
0x143: {  	[sflag:s24] =	ssyncset.done $0x0  }
0x144: {  	[sflag:s24] =	ssyncadd.s32 $0xFFFFFC00  }
0x145: {  	_ =	swait.ge [sflag:s24], $0x400  }
0x146: {  	[sflag:s24] =	ssyncset.done $0x0  }
0x147: {  	[sflag:s24] =	ssyncadd.s32 $0xFFFFFC00  }
0x148: {  	_ =	swait.ge [sflag:s24], $0x400  }
0x149: {  	[sflag:s24] =	ssyncset.done $0x0  }
0x14a: {  	[sflag:s24] =	ssyncadd.s32 $0xFFFFFC00  }
0x14b: {  	_ =	swait.ge [sflag:s24], $0x400  }
0x14c: {  	[sflag:s24] =	ssyncset.done $0x0  }
0x14d: {  	[sflag:s24] =	ssyncadd.s32 $0xFFFFFC00  }
0x14e: {  	_ =	swait.ge [sflag:s24], $0x400  }
0x14f: {  	s9 =	sshll.u32 s9, $0x7;
	[sflag:s24] =	ssyncset.done $0x0  }
0x150: {  	s0 =	sand.u32 $0x380, s9;
	[sflag:s24] =	ssyncadd.s32 $0xFFFFFC00  }
0x151: {  	v56 =	vld [tilespmem:s0+$0x800]  }
0x152: {  	v57 =	vld [tilespmem:s0+$0x810]  }
0x153: {  	v58 =	vld [tilespmem:s0+$0x820]  }
0x154: {  	v59 =	vld [tilespmem:s0+$0x830];
	_ =	sdelay $0x1  }
0x155: {  	[tilespmem:s29+$0x0] =	vst v56  }
0x156: {  	[tilespmem:s29+$0x10] =	vst v57  }
0x157: {  	s10 =	sshll.u32 s10, $0x7;
	[tilespmem:s29+$0x20] =	vst v58  }
0x158: {  	s0 =	sand.u32 $0x380, s10;
	[tilespmem:s29+$0x30] =	vst v59  }
0x159: {  	v0 =	vld [tilespmem:s0+$0xC00]  }
0x15a: {  	v1 =	vld [tilespmem:s0+$0xC10]  }
0x15b: {  	v2 =	vld [tilespmem:s0+$0xC20]  }
0x15c: {  	v3 =	vld [tilespmem:s0+$0xC30];
	_ =	sdelay $0x1  }
0x15d: {  	[tilespmem:s29+$0x80] =	vst v0  }
0x15e: {  	[tilespmem:s29+$0x90] =	vst v1  }
0x15f: {  	s17 =	sshll.u32 s11, $0x7;
	[tilespmem:s29+$0xA0] =	vst v2  }
0x160: {  	s0 =	sand.u32 $0x380, s17;
	[tilespmem:s29+$0xB0] =	vst v3  }
0x161: {  	v0 =	vld [tilespmem:s0+$0x1000]  }
0x162: {  	v1 =	vld [tilespmem:s0+$0x1010]  }
0x163: {  	v2 =	vld [tilespmem:s0+$0x1020]  }
0x164: {  	v3 =	vld [tilespmem:s0+$0x1030];
	_ =	sdelay $0x1  }
0x165: {  	[tilespmem:s29+$0x100] =	vst v0  }
0x166: {  	[tilespmem:s29+$0x110] =	vst v1  }
0x167: {  	s1 =	sshll.u32 s31, $0x7;
	[tilespmem:s29+$0x120] =	vst v2  }
0x168: {  	s0 =	sand.u32 $0x380, s1;
	[tilespmem:s29+$0x130] =	vst v3  }
0x169: {  	v0 =	vld [tilespmem:s0+$0x1400]  }
0x16a: {  	v1 =	vld [tilespmem:s0+$0x1410]  }
0x16b: {  	v2 =	vld [tilespmem:s0+$0x1420]  }
0x16c: {  	v3 =	vld [tilespmem:s0+$0x1430];
	_ =	sdelay $0x1  }
0x16d: {  	[tilespmem:s29+$0x180] =	vst v0  }
0x16e: {  	[tilespmem:s29+$0x190] =	vst v1  }
0x16f: {  	s8 =	sshll.u32 s13, $0x7;
	[tilespmem:s29+$0x1A0] =	vst v2  }
0x170: {  	s0 =	sand.u32 $0x380, s8;
	[tilespmem:s29+$0x1B0] =	vst v3  }
0x171: {  	v0 =	vld [tilespmem:s0+$0x1800]  }
0x172: {  	v1 =	vld [tilespmem:s0+$0x1810]  }
0x173: {  	v2 =	vld [tilespmem:s0+$0x1820]  }
0x174: {  	v3 =	vld [tilespmem:s0+$0x1830];
	_ =	sdelay $0x1  }
0x175: {  	[tilespmem:s29+$0x200] =	vst v0  }
0x176: {  	[tilespmem:s29+$0x210] =	vst v1  }
0x177: {  	s9 =	sshll.u32 s14, $0x7;
	[tilespmem:s29+$0x220] =	vst v2  }
0x178: {  	s0 =	sand.u32 $0x380, s9;
	[tilespmem:s29+$0x230] =	vst v3  }
0x179: {  	v0 =	vld [tilespmem:s0+$0x1C00]  }
0x17a: {  	v1 =	vld [tilespmem:s0+$0x1C10]  }
0x17b: {  	v2 =	vld [tilespmem:s0+$0x1C20]  }
0x17c: {  	v3 =	vld [tilespmem:s0+$0x1C30];
	_ =	sdelay $0x1  }
0x17d: {  	[tilespmem:s29+$0x280] =	vst v0  }
0x17e: {  	[tilespmem:s29+$0x290] =	vst v1  }
0x17f: {  	s10 =	sshll.u32 s28, $0x7;
	[tilespmem:s29+$0x2A0] =	vst v2  }
0x180: {  	s0 =	sand.u32 $0x380, s10;
	[tilespmem:s29+$0x2B0] =	vst v3  }
0x181: {  	v0 =	vld [tilespmem:s0+$0x2000]  }
0x182: {  	v1 =	vld [tilespmem:s0+$0x2010]  }
0x183: {  	v2 =	vld [tilespmem:s0+$0x2020]  }
0x184: {  	v3 =	vld [tilespmem:s0+$0x2030];
	_ =	sdelay $0x1  }
0x185: {  	[tilespmem:s29+$0x300] =	vst v0  }
0x186: {  	[tilespmem:s29+$0x310] =	vst v1  }
0x187: {  	s11 =	sshll.u32 s26, $0x7;
	[tilespmem:s29+$0x320] =	vst v2  }
0x188: {  	s0 =	sand.u32 $0x380, s11;
	[tilespmem:s29+$0x330] =	vst v3  }
0x189: {  	v0 =	vld [tilespmem:s0+$0x2400]  }
0x18a: {  	v1 =	vld [tilespmem:s0+$0x2410]  }
0x18b: {  	v2 =	vld [tilespmem:s0+$0x2420]  }
0x18c: {  	v3 =	vld [tilespmem:s0+$0x2430];
	_ =	sdelay $0x1  }
0x18d: {  	[tilespmem:s29+$0x380] =	vst v0  }
0x18e: {  	[tilespmem:s29+$0x390] =	vst v1  }
0x18f: {  	[tilespmem:s29+$0x3A0] =	vst v2  }
0x190: {  	[tilespmem:s29+$0x3B0] =	vst v3  }
0x191: {  	_ =	swait.ge [sflag:s25], $0x400  }
0x192: {  	[sflag:s25] =	ssyncset.done $0x0  }
0x193: {  	[sflag:s25] =	ssyncadd.s32 $0xFFFFFC00  }
0x194: {  	_ =	swait.ge [sflag:s25], $0x400  }
0x195: {  	[sflag:s25] =	ssyncset.done $0x0  }
0x196: {  	[sflag:s25] =	ssyncadd.s32 $0xFFFFFC00  }
0x197: {  	_ =	swait.ge [sflag:s25], $0x400  }
0x198: {  	[sflag:s25] =	ssyncset.done $0x0  }
0x199: {  	[sflag:s25] =	ssyncadd.s32 $0xFFFFFC00  }
0x19a: {  	_ =	swait.ge [sflag:s25], $0x400  }
0x19b: {  	[sflag:s25] =	ssyncset.done $0x0  }
0x19c: {  	[sflag:s25] =	ssyncadd.s32 $0xFFFFFC00  }
0x19d: {  	_ =	swait.ge [sflag:s25], $0x400  }
0x19e: {  	[sflag:s25] =	ssyncset.done $0x0  }
0x19f: {  	[sflag:s25] =	ssyncadd.s32 $0xFFFFFC00  }
0x1a0: {  	_ =	swait.ge [sflag:s25], $0x400  }
0x1a1: {  	[sflag:s25] =	ssyncset.done $0x0  }
0x1a2: {  	[sflag:s25] =	ssyncadd.s32 $0xFFFFFC00  }
0x1a3: {  	_ =	swait.ge [sflag:s25], $0x400  }
0x1a4: {  	[sflag:s25] =	ssyncset.done $0x0  }
0x1a5: {  	[sflag:s25] =	ssyncadd.s32 $0xFFFFFC00  }
0x1a6: {  	_ =	swait.ge [sflag:s25], $0x400  }
0x1a7: {  	s13 =	sshll.u32 s22, $0x7;
	[sflag:s25] =	ssyncset.done $0x0  }
0x1a8: {  	s0 =	sand.u32 $0x380, s13;
	[sflag:s25] =	ssyncadd.s32 $0xFFFFFC00  }
0x1a9: {  	v60 =	vld [tilespmem:s0+$0x2800]  }
0x1aa: {  	v61 =	vld [tilespmem:s0+$0x2810]  }
0x1ab: {  	v62 =	vld [tilespmem:s0+$0x2820]  }
0x1ac: {  	v63 =	vld [tilespmem:s0+$0x2830];
	_ =	sdelay $0x1  }
0x1ad: {  	[tilespmem:s29+$0x400] =	vst v60  }
0x1ae: {  	[tilespmem:s29+$0x410] =	vst v61  }
0x1af: {  	s14 =	sshll.u32 s21, $0x7;
	[tilespmem:s29+$0x420] =	vst v62  }
0x1b0: {  	s0 =	sand.u32 $0x380, s14;
	[tilespmem:s29+$0x430] =	vst v63  }
0x1b1: {  	v0 =	vld [tilespmem:s0+$0x2C00]  }
0x1b2: {  	v1 =	vld [tilespmem:s0+$0x2C10]  }
0x1b3: {  	v2 =	vld [tilespmem:s0+$0x2C20]  }
0x1b4: {  	v3 =	vld [tilespmem:s0+$0x2C30];
	_ =	sdelay $0x1  }
0x1b5: {  	[tilespmem:s29+$0x480] =	vst v0  }
0x1b6: {  	[tilespmem:s29+$0x490] =	vst v1  }
0x1b7: {  	s17 =	sshll.u32 s20, $0x7;
	[tilespmem:s29+$0x4A0] =	vst v2  }
0x1b8: {  	s0 =	sand.u32 $0x380, s17;
	[tilespmem:s29+$0x4B0] =	vst v3  }
0x1b9: {  	v0 =	vld [tilespmem:s0+$0x3000]  }
0x1ba: {  	v1 =	vld [tilespmem:s0+$0x3010]  }
0x1bb: {  	v2 =	vld [tilespmem:s0+$0x3020]  }
0x1bc: {  	v3 =	vld [tilespmem:s0+$0x3030];
	_ =	sdelay $0x1  }
0x1bd: {  	[tilespmem:s29+$0x500] =	vst v0  }
0x1be: {  	[tilespmem:s29+$0x510] =	vst v1  }
0x1bf: {  	s20 =	sshll.u32 s19, $0x7;
	[tilespmem:s29+$0x520] =	vst v2  }
0x1c0: {  	s0 =	sand.u32 $0x380, s20;
	[tilespmem:s29+$0x530] =	vst v3  }
0x1c1: {  	v0 =	vld [tilespmem:s0+$0x3400]  }
0x1c2: {  	v1 =	vld [tilespmem:s0+$0x3410]  }
0x1c3: {  	v2 =	vld [tilespmem:s0+$0x3420]  }
0x1c4: {  	v3 =	vld [tilespmem:s0+$0x3430];
	_ =	sdelay $0x1  }
0x1c5: {  	[tilespmem:s29+$0x580] =	vst v0  }
0x1c6: {  	[tilespmem:s29+$0x590] =	vst v1  }
0x1c7: {  	s21 =	sshll.u32 s18, $0x7;
	[tilespmem:s29+$0x5A0] =	vst v2  }
0x1c8: {  	s0 =	sand.u32 $0x380, s21;
	[tilespmem:s29+$0x5B0] =	vst v3  }
0x1c9: {  	v0 =	vld [tilespmem:s0+$0x3800]  }
0x1ca: {  	v1 =	vld [tilespmem:s0+$0x3810]  }
0x1cb: {  	v2 =	vld [tilespmem:s0+$0x3820]  }
0x1cc: {  	v3 =	vld [tilespmem:s0+$0x3830];
	_ =	sdelay $0x1  }
0x1cd: {  	[tilespmem:s29+$0x600] =	vst v0  }
0x1ce: {  	[tilespmem:s29+$0x610] =	vst v1  }
0x1cf: {  	s22 =	sshll.u32 s5, $0x7;
	[tilespmem:s29+$0x620] =	vst v2  }
0x1d0: {  	s0 =	sand.u32 $0x380, s22;
	[tilespmem:s29+$0x630] =	vst v3  }
0x1d1: {  	v0 =	vld [tilespmem:s0+$0x3C00]  }
0x1d2: {  	v1 =	vld [tilespmem:s0+$0x3C10]  }
0x1d3: {  	v2 =	vld [tilespmem:s0+$0x3C20]  }
0x1d4: {  	v3 =	vld [tilespmem:s0+$0x3C30];
	_ =	sdelay $0x1  }
0x1d5: {  	[tilespmem:s29+$0x680] =	vst v0  }
0x1d6: {  	[tilespmem:s29+$0x690] =	vst v1  }
0x1d7: {  	s26 =	sshll.u32 s7, $0x7;
	[tilespmem:s29+$0x6A0] =	vst v2  }
0x1d8: {  	s0 =	sand.u32 $0x380, s26;
	[tilespmem:s29+$0x6B0] =	vst v3  }
0x1d9: {  	v0 =	vld [tilespmem:s0+$0x4000]  }
0x1da: {  	v1 =	vld [tilespmem:s0+$0x4010]  }
0x1db: {  	v2 =	vld [tilespmem:s0+$0x4020]  }
0x1dc: {  	v3 =	vld [tilespmem:s0+$0x4030];
	_ =	sdelay $0x1  }
0x1dd: {  	[tilespmem:s29+$0x700] =	vst v0  }
0x1de: {  	[tilespmem:s29+$0x710] =	vst v1  }
0x1df: {  	s28 =	sshll.u32 s4, $0x7;
	[tilespmem:s29+$0x720] =	vst v2  }
0x1e0: {  	s0 =	sand.u32 $0x380, s28;
	[tilespmem:s29+$0x730] =	vst v3  }
0x1e1: {  	v0 =	vld [tilespmem:s0+$0x4400]  }
0x1e2: {  	v1 =	vld [tilespmem:s0+$0x4410]  }
0x1e3: {  	s31 =	rddreg [dreg:$0x7];
	v2 =	vld [tilespmem:s0+$0x4420]  }
0x1e4: {  	p0 =	sne.s32 s31, $0x1E00;
	v3 =	vld [tilespmem:s0+$0x4430]  }
.Ltmp0:
0x1e5: {  	_ = 	snop;
	(pc) =	sbr.rel @p0 .LBB2_2-.Ltmp0, $4  }
0x1e6: {  	[tilespmem:s29+$0x780] =	vst v0  }
0x1e7: {  	[tilespmem:s29+$0x790] =	vst v1  }
0x1e8: {  	[tilespmem:s29+$0x7A0] =	vst v2  }
0x1e9: {  	s12 =	simm.s32 $0x800;
	s0 =	sadd.s32 $0x200, s31;
	[tilespmem:s29+$0x7B0] =	vst v3;
	s29 =	sadd.s32 $0x1000, s29  }
0x1ea: {  	s0 =	rddreg [dreg:$0x4];
	s1 =	simm.s32 $0x4800  }
0x1eb: {  	[hbm4b:s0+s2] =	stream.linear.scatter [tilespmem:s1], [sflag:$0x3], $0x10000, $0x38;
	[tilespmem:$0x14800] =	vst v63  }
0x1ec: {  	s1 =	simm.s32 $0x3  }
0x1ed: {  	_ =	swait.ge [sflag:s1], $0x10000  }
0x1ee: {  	s4 =	rddreg [dreg:$0x6]  }
0x1ef: {  	s31 =	rddreg [dreg:$0x5];
	s4 =	sadd.s32 $0x1, s4  }
0x1f0: {  	p0 =	sne.s32 s4, s31  }
.Ltmp1:
0x1f1: {  	_ = 	snop;
	(pc) =	sbr.rel @p0 .LBB2_1-.Ltmp1, $3  }
0x1f2: {  	_ =	sdelay $0x1  }
0x1f3: {  	[sflag:s1] =	ssyncset.done $0x0  }
0x1f4: {  	[sflag:s1] =	ssyncadd.s32 $0xFFFF0000  }
0x1f5: {  	_ =	sfence.sel $0x180000  }
0x1f6: {  	[bflag:$0x0] =	sbarrier.arrive $0xFFFF  }
0x1f7: {  	_ =	strace $0x90000047  }
0x1f8: {  	s0 =	stileid.u32;
	[bflag:$0x2] =	sbarrier.arrive $0xFFFF  }
0x1f9: {  	p0 =	sne.s32 s0, $0x0;
	s0 =	rddreg [dreg:$0x2]  }
0x1fa: {  	s0 =	sadd.s32 @!p0 $0x100000, s0  }
0x1fb: {  	[sflag:s0] =	ssyncadd.tile.s32 @!p0 $0x1;
	_ =	shalt  }
.Lfunc_end2:
_tile_overlayer_lowered:
.L_overlay_start_2:
0x1fc: {  	(tag) =	ssettag $0x2  }
0x1fd: {  	s0 =	rddreg [dreg:$0x0];
	s2 =	stileid.u32  }
0x1fe: {  	s1 =	rddreg [dreg:$0x1];
	p0 =	sne.s32 s2, $0x0  }
0x1ff: {  	s3 =	rddreg [dreg:$0x2];
	[bflag:$0x3] =	sbarrier.arrive $0xFFFF;
	s2 =	simm.s32 @!p0 $0x1C03  }
0x200: {  	[timem:s3], [sflag:s2] =	dma.local @!p0 [hbm:s0], s1  }
0x201: {  	s0 =	simm.s32 @!p0 $0x3  }
0x202: {  	_ =	swait.ge @!p0 [sflag:s0], s1  }
0x203: {  	s1 =	ssub.s32 @!p0 $0x0, s1;
	[sflag:s0] =	ssyncset.done @!p0 $0x0  }
0x204: {  	[sflag:s0] =	ssyncadd.s32 @!p0 s1  }
0x205: {  	[bflag:$0x3] =	sbarrier.arrive $0xFFFF  }
0x206: {  	_ =	shalt  }

</sc_bundles>
